<compile_context>
chip_gen: v7x
topology: tpu7x:2x2x1
jax: 0.10.2.dev20260603
libtpu: 0.0.44.dev20260713+nightly
codegen_flags: <defaults>
</compile_context>

<pallas_src>
import functools

import jax
import jax.numpy as jnp
from jax import lax
from jax.experimental import pallas as pl
from jax.experimental.pallas import tpu as pltpu
from jax.experimental.pallas import tpu_sc as plsc

NC = 2
NS = 16
L = 16
NW = NC * NS

BATCH = 16384
D = 16
B_PER_W = BATCH // NW
S = 16
N_CHUNKS = B_PER_W // S


def _gmf_body(uidx_hbm, iidx_hbm, utab_hbm, itab_hbm, w_hbm, b_hbm,
              out_hbm, uidx_v, iidx_v, ublk_v, iblk_v,
              w_v, b_v, out_v, sem):
    wid = lax.axis_index("s") * NC + lax.axis_index("c")
    base = wid * B_PER_W

    pltpu.sync_copy(uidx_hbm.at[pl.ds(base, B_PER_W)], uidx_v)
    pltpu.sync_copy(iidx_hbm.at[pl.ds(base, B_PER_W)], iidx_v)
    pltpu.sync_copy(w_hbm, w_v)
    pltpu.sync_copy(b_hbm, b_v)

    lane = lax.iota(jnp.int32, L)
    b_vec = b_v[...]
    w_vec = w_v[...]

    def chunk(c, _):
        uvec = uidx_v[pl.ds(c * S, S)]
        ivec = iidx_v[pl.ds(c * S, S)]
        for j in range(S):
            cbu = pl.multiple_of((uvec[j] >> 7) * 128, 128)
            cbi = pl.multiple_of((ivec[j] >> 7) * 128, 128)
            for tr in range(2):
                pltpu.async_copy(
                    utab_hbm.at[tr, :, pl.ds(cbu, 128)],
                    ublk_v.at[pl.ds(tr * 8, 8), pl.ds(j * 128, 128)], sem)
                pltpu.async_copy(
                    itab_hbm.at[tr, :, pl.ds(cbi, 128)],
                    iblk_v.at[pl.ds(tr * 8, 8), pl.ds(j * 128, 128)], sem)
        pltpu.make_async_copy(utab_hbm.at[0, :, pl.ds(0, S * 128)],
                              ublk_v.at[pl.ds(0, 8)], sem).wait()
        pltpu.make_async_copy(utab_hbm.at[0, :, pl.ds(0, S * 128)],
                              ublk_v.at[pl.ds(8, 8)], sem).wait()
        pltpu.make_async_copy(utab_hbm.at[0, :, pl.ds(0, S * 128)],
                              iblk_v.at[pl.ds(0, 8)], sem).wait()
        pltpu.make_async_copy(utab_hbm.at[0, :, pl.ds(0, S * 128)],
                              iblk_v.at[pl.ds(8, 8)], sem).wait()

        res = jnp.zeros((L,), jnp.float32)
        for j in range(S):
            cu = jnp.full((L,), j * 128, jnp.int32) + (uvec[j] & 127)
            ci = jnp.full((L,), j * 128, jnp.int32) + (ivec[j] & 127)
            ucol = plsc.load_gather(ublk_v, [lane, cu])
            icol = plsc.load_gather(iblk_v, [lane, ci])
            s = jnp.sum(ucol * icol * w_vec)
            res = jnp.where(lane == j, res + s, res)
        logits = res + b_vec
        out_v[pl.ds(c * S, S)] = 1.0 / (1.0 + jnp.exp(-logits))
        return _

    lax.fori_loop(0, N_CHUNKS, chunk, None)

    pltpu.sync_copy(out_v, out_hbm.at[pl.ds(base, B_PER_W)])


@functools.partial(jax.jit, static_argnames=())
def kernel(user_input, item_input, user_table, item_table, W, b):
    mesh = plsc.VectorSubcoreMesh(
        core_axis_name="c", subcore_axis_name="s",
        num_cores=NC, num_subcores=NS)
    k = pl.kernel(
        _gmf_body,
        out_type=jax.ShapeDtypeStruct((BATCH,), jnp.float32),
        mesh=mesh,
        scratch_types=[
            pltpu.VMEM((B_PER_W,), jnp.int32),
            pltpu.VMEM((B_PER_W,), jnp.int32),
            pltpu.VMEM((D, S * 128), jnp.float32),
            pltpu.VMEM((D, S * 128), jnp.float32),
            pltpu.VMEM((D,), jnp.float32),
            pltpu.VMEM((L,), jnp.float32),
            pltpu.VMEM((B_PER_W,), jnp.float32),
            pltpu.SemaphoreType.DMA,
        ],
        compiler_params=pltpu.CompilerParams(
            needs_layout_passes=False, use_tc_tiling_on_sc=True),
        name="gmf_sc",
    )
    w16 = W.reshape(D)
    b16 = jnp.broadcast_to(b, (L,))
    return k(user_input, item_input,
             user_table.T.reshape(2, 8, 1000000),
             item_table.T.reshape(2, 8, 1000000), w16, b16)

# --- scband reference (transcript-rebuilt; emitter-appended) ---
"""Pipeline reference for scband-gmf-87393994539022 (READ-ONLY COPY).

The authoritative reference and input builder live on the scoring server;
editing this copy changes nothing except your own understanding.
"""

import jax, jax.numpy as jnp
import numpy as np

N_USERS = 1000000
N_ITEMS = 1000000
EMBED_DIM = 16
BATCH = 16384

def setup_inputs(seed: int = 0) -> dict:
    key = jax.random.key(seed)
    k1, k2, k3, k4, k5, k6 = jax.random.split(key, 6)
    user_input = jax.random.randint(k1, (BATCH,), 0, N_USERS, dtype=jnp.int64 if jax.config.jax_enable_x64 else jnp.int32).astype(jnp.int32)
    item_input = jax.random.randint(k2, (BATCH,), 0, N_ITEMS, dtype=jnp.int32)
    user_table = jax.random.normal(k3, (N_USERS, EMBED_DIM), dtype=jnp.float32)
    item_table = jax.random.normal(k4, (N_ITEMS, EMBED_DIM), dtype=jnp.float32)
    W = jax.random.normal(k5, (EMBED_DIM, 1), dtype=jnp.float32) * 0.1
    b = jax.random.normal(k6, (1,), dtype=jnp.float32) * 0.1
    return {"user_input": user_input, "item_input": item_input, "user_table": user_table, "item_table": item_table, "W": W, "b": b}

def reference(user_input, item_input, user_table, item_table, W, b):
    user_embedded = jnp.take(user_table, user_input, axis=0)
    item_embedded = jnp.take(item_table, item_input, axis=0)
    element_product = user_embedded * item_embedded
    output = element_product @ W + b
    prediction = jax.nn.sigmoid(output)
    return jnp.squeeze(prediction)

if __name__ == "__main__":
    import jax
    _d = setup_inputs()
    print(jax.jit(kernel)(*tuple(_d.values())))

</pallas_src>

<mosaic_0001>
#map = affine_map<(d0, d1) -> (0)>
#map1 = affine_map<(d0, d1) -> (0, 0, 0)>
module attributes {stable_mosaic.version = 14 : i64} {
  func.func @gmf_sc(%arg0: i32, %arg1: i32, %arg2: memref<16384xi32, #tpu.memory_space<hbm>>, %arg3: memref<16384xi32, #tpu.memory_space<hbm>>, %arg4: memref<2x8x1000000xf32, #tpu.memory_space<hbm>>, %arg5: memref<2x8x1000000xf32, #tpu.memory_space<hbm>>, %arg6: memref<16xf32, #tpu.memory_space<hbm>>, %arg7: memref<16xf32, #tpu.memory_space<hbm>>, %arg8: memref<16384xf32, #tpu.memory_space<hbm>>, %arg9: memref<512xi32, #tpu.memory_space<vmem>>, %arg10: memref<512xi32, #tpu.memory_space<vmem>>, %arg11: memref<16x2048xf32, #tpu.memory_space<vmem>>, %arg12: memref<16x2048xf32, #tpu.memory_space<vmem>>, %arg13: memref<16xf32, #tpu.memory_space<vmem>>, %arg14: memref<16xf32, #tpu.memory_space<vmem>>, %arg15: memref<512xf32, #tpu.memory_space<vmem>>, %arg16: memref<!tpu.dma_semaphore, #tpu.memory_space<semaphore_mem>>) attributes {dimension_semantics = [#tpu.dimension_semantics<core_parallel>, #tpu.dimension_semantics<subcore_parallel>], iteration_bounds = array<i64: 2, 16>, scalar_prefetch = 0 : i64, scratch_operands = 8 : i64, tpu.core_type = #tpu.core_type<sc_vector_subcore>, window_params = [{transform_indices = #map}, {transform_indices = #map}, {transform_indices = #map1}, {transform_indices = #map1}, {transform_indices = #map}, {transform_indices = #map}, {transform_indices = #map}]} {
    %mul3A = arith.constant 2 : i32
    %mul3A_0 = arith.muli %arg1, %mul3A : i32
    %add3A = arith.addi %mul3A_0, %arg0 : i32
    %mul3A_1 = arith.constant 512 : i32
    %mul3A_2 = arith.muli %add3A, %mul3A_1 : i32
    "tpu.region"() ({
      %run_scoped3A = tpu.sem_alloc : memref<!tpu.dma_semaphore, #tpu.memory_space<semaphore_mem>>
      %dma_start3A = tpu.memref_slice %arg2[%mul3A_2] : memref<16384xi32, #tpu.memory_space<hbm>> -> memref<512xi32, #tpu.memory_space<hbm>>
      %dma_start3A_10 = tpu.memref_slice %arg2[%mul3A_2] : memref<16384xi32, #tpu.memory_space<hbm>> -> memref<512xi32, #tpu.memory_space<hbm>>
      tpu.enqueue_dma source(%dma_start3A_10 : memref<512xi32, #tpu.memory_space<hbm>>) target(%arg9 : memref<512xi32, #tpu.memory_space<vmem>>) target_semaphore(%run_scoped3A : memref<!tpu.dma_semaphore, #tpu.memory_space<semaphore_mem>>)
      %dma_wait3A = tpu.memref_slice %arg2[%mul3A_2] : memref<16384xi32, #tpu.memory_space<hbm>> -> memref<512xi32, #tpu.memory_space<hbm>>
      %dma_wait3A_11 = tpu.memref_slice %arg2[%mul3A_2] : memref<16384xi32, #tpu.memory_space<hbm>> -> memref<512xi32, #tpu.memory_space<hbm>>
      tpu.wait_dma2 semaphore(%run_scoped3A : memref<!tpu.dma_semaphore, #tpu.memory_space<semaphore_mem>>) src(%dma_wait3A_11 : memref<512xi32, #tpu.memory_space<hbm>>) dst(%arg9 : memref<512xi32, #tpu.memory_space<vmem>>)
      tpu.yield
    }) : () -> ()
    "tpu.region"() ({
      %run_scoped3A = tpu.sem_alloc : memref<!tpu.dma_semaphore, #tpu.memory_space<semaphore_mem>>
      %dma_start3A = tpu.memref_slice %arg3[%mul3A_2] : memref<16384xi32, #tpu.memory_space<hbm>> -> memref<512xi32, #tpu.memory_space<hbm>>
      %dma_start3A_10 = tpu.memref_slice %arg3[%mul3A_2] : memref<16384xi32, #tpu.memory_space<hbm>> -> memref<512xi32, #tpu.memory_space<hbm>>
      tpu.enqueue_dma source(%dma_start3A_10 : memref<512xi32, #tpu.memory_space<hbm>>) target(%arg10 : memref<512xi32, #tpu.memory_space<vmem>>) target_semaphore(%run_scoped3A : memref<!tpu.dma_semaphore, #tpu.memory_space<semaphore_mem>>)
      %dma_wait3A = tpu.memref_slice %arg3[%mul3A_2] : memref<16384xi32, #tpu.memory_space<hbm>> -> memref<512xi32, #tpu.memory_space<hbm>>
      %dma_wait3A_11 = tpu.memref_slice %arg3[%mul3A_2] : memref<16384xi32, #tpu.memory_space<hbm>> -> memref<512xi32, #tpu.memory_space<hbm>>
      tpu.wait_dma2 semaphore(%run_scoped3A : memref<!tpu.dma_semaphore, #tpu.memory_space<semaphore_mem>>) src(%dma_wait3A_11 : memref<512xi32, #tpu.memory_space<hbm>>) dst(%arg10 : memref<512xi32, #tpu.memory_space<vmem>>)
      tpu.yield
    }) : () -> ()
    "tpu.region"() ({
      %run_scoped3A = tpu.sem_alloc : memref<!tpu.dma_semaphore, #tpu.memory_space<semaphore_mem>>
      tpu.enqueue_dma source(%arg6 : memref<16xf32, #tpu.memory_space<hbm>>) target(%arg13 : memref<16xf32, #tpu.memory_space<vmem>>) target_semaphore(%run_scoped3A : memref<!tpu.dma_semaphore, #tpu.memory_space<semaphore_mem>>)
      tpu.wait_dma2 semaphore(%run_scoped3A : memref<!tpu.dma_semaphore, #tpu.memory_space<semaphore_mem>>) src(%arg6 : memref<16xf32, #tpu.memory_space<hbm>>) dst(%arg13 : memref<16xf32, #tpu.memory_space<vmem>>)
      tpu.yield
    }) : () -> ()
    "tpu.region"() ({
      %run_scoped3A = tpu.sem_alloc : memref<!tpu.dma_semaphore, #tpu.memory_space<semaphore_mem>>
      tpu.enqueue_dma source(%arg7 : memref<16xf32, #tpu.memory_space<hbm>>) target(%arg14 : memref<16xf32, #tpu.memory_space<vmem>>) target_semaphore(%run_scoped3A : memref<!tpu.dma_semaphore, #tpu.memory_space<semaphore_mem>>)
      tpu.wait_dma2 semaphore(%run_scoped3A : memref<!tpu.dma_semaphore, #tpu.memory_space<semaphore_mem>>) src(%arg7 : memref<16xf32, #tpu.memory_space<hbm>>) dst(%arg14 : memref<16xf32, #tpu.memory_space<vmem>>)
      tpu.yield
    }) : () -> ()
    %iota3A = tpu.iota {dimensions = array<i32: 0>} : vector<16xi32>
    %get3A = arith.constant 0 : index
    %get3A_3 = tpu.vector_load %arg14[%get3A] {strides = array<i32>} : memref<16xf32, #tpu.memory_space<vmem>>, vector<16xf32>,
    %get3A_4 = arith.constant 0 : index
    %get3A_5 = tpu.vector_load %arg13[%get3A_4] {strides = array<i32>} : memref<16xf32, #tpu.memory_space<vmem>>, vector<16xf32>,
    %scan3A = arith.constant 0 : i32
    %scan3A_6 = arith.constant 32 : i32
    %scan3A_7 = arith.addi %scan3A, %scan3A_6 : i32
    %scan3A_8 = arith.constant 1 : i32
    scf.for %scan3A_10 = %scan3A to %scan3A_7 step %scan3A_8  : i32 {
      %mul3A_11 = arith.constant 16 : i32
      %mul3A_12 = arith.muli %scan3A_10, %mul3A_11 : i32
      %get3A_13 = arith.index_cast %mul3A_12 : i32 to index
      %get3A_14 = tpu.vector_load %arg9[%get3A_13] {strides = array<i32>} : memref<512xi32, #tpu.memory_space<vmem>>, vector<16xi32>,
      %mul3A_15 = arith.constant 16 : i32
      %mul3A_16 = arith.muli %scan3A_10, %mul3A_15 : i32
      %get3A_17 = arith.index_cast %mul3A_16 : i32 to index
      %get3A_18 = tpu.vector_load %arg10[%get3A_17] {strides = array<i32>} : memref<512xi32, #tpu.memory_space<vmem>>, vector<16xi32>,
      %slice3A = vector.extract_strided_slice %get3A_14 {offsets = [0], sizes = [1], strides = [1]} : vector<16xi32> to vector<1xi32>
      %squeeze3A = vector.extract %slice3A[0] : i32 from vector<1xi32>
      %shift_right_arithmetic3A = arith.constant 7 : i32
      %shift_right_arithmetic3A_19 = arith.shrsi %squeeze3A, %shift_right_arithmetic3A : i32
      %mul3A_20 = arith.constant 128 : i32
      %mul3A_21 = arith.muli %shift_right_arithmetic3A_19, %mul3A_20 : i32
      %multiple_of3A = tpu.assume_multiple %mul3A_21, 128 : i32
      %slice3A_22 = vector.extract_strided_slice %get3A_18 {offsets = [0], sizes = [1], strides = [1]} : vector<16xi32> to vector<1xi32>
      %squeeze3A_23 = vector.extract %slice3A_22[0] : i32 from vector<1xi32>
      %shift_right_arithmetic3A_24 = arith.constant 7 : i32
      %shift_right_arithmetic3A_25 = arith.shrsi %squeeze3A_23, %shift_right_arithmetic3A_24 : i32
      %mul3A_26 = arith.constant 128 : i32
      %mul3A_27 = arith.muli %shift_right_arithmetic3A_25, %mul3A_26 : i32
      %multiple_of3A_28 = tpu.assume_multiple %mul3A_27, 128 : i32
      %dma_start3A = arith.constant 0 : i32
      %dma_start3A_29 = arith.constant 0 : i32
      %dma_start3A_30 = arith.constant 0 : i32
      %dma_start3A_31 = tpu.memref_slice %arg11[%dma_start3A_29, %dma_start3A_30] : memref<16x2048xf32, #tpu.memory_space<vmem>> -> memref<8x128xf32, #tpu.memory_space<vmem>>
      %dma_start3A_32 = arith.constant 0 : i32
      %dma_start3A_33 = tpu.memref_slice %arg4[%dma_start3A, %dma_start3A_32, %multiple_of3A] : memref<2x8x1000000xf32, #tpu.memory_space<hbm>> -> memref<1x8x128xf32, #tpu.memory_space<hbm>>
      %dma_start3A_34 = tpu.memref_squeeze %dma_start3A_33 : memref<1x8x128xf32, #tpu.memory_space<hbm>> -> memref<8x128xf32, #tpu.memory_space<hbm>>
      %dma_start3A_35 = arith.constant 0 : i32
      %dma_start3A_36 = arith.constant 0 : i32
      %dma_start3A_37 = tpu.memref_slice %arg11[%dma_start3A_35, %dma_start3A_36] : memref<16x2048xf32, #tpu.memory_space<vmem>> -> memref<8x128xf32, #tpu.memory_space<vmem>>
      %dma_start3A_38 = arith.constant 0 : i32
      %dma_start3A_39 = tpu.memref_slice %arg4[%dma_start3A, %dma_start3A_38, %multiple_of3A] : memref<2x8x1000000xf32, #tpu.memory_space<hbm>> -> memref<1x8x128xf32, #tpu.memory_space<hbm>>
      %dma_start3A_40 = tpu.memref_squeeze %dma_start3A_39 : memref<1x8x128xf32, #tpu.memory_space<hbm>> -> memref<8x128xf32, #tpu.memory_space<hbm>>
      tpu.enqueue_dma source(%dma_start3A_40 : memref<8x128xf32, #tpu.memory_space<hbm>>) target(%dma_start3A_37 : memref<8x128xf32, #tpu.memory_space<vmem>>) target_semaphore(%arg16 : memref<!tpu.dma_semaphore, #tpu.memory_space<semaphore_mem>>)
      %dma_start3A_41 = arith.constant 0 : i32
      %dma_start3A_42 = arith.constant 0 : i32
      %dma_start3A_43 = arith.constant 0 : i32
      %dma_start3A_44 = tpu.memref_slice %arg12[%dma_start3A_42, %dma_start3A_43] : memref<16x2048xf32, #tpu.memory_space<vmem>> -> memref<8x128xf32, #tpu.memory_space<vmem>>
      %dma_start3A_45 = arith.constant 0 : i32
      %dma_start3A_46 = tpu.memref_slice %arg5[%dma_start3A_41, %dma_start3A_45, %multiple_of3A_28] : memref<2x8x1000000xf32, #tpu.memory_space<hbm>> -> memref<1x8x128xf32, #tpu.memory_space<hbm>>
      %dma_start3A_47 = tpu.memref_squeeze %dma_start3A_46 : memref<1x8x128xf32, #tpu.memory_space<hbm>> -> memref<8x128xf32, #tpu.memory_space<hbm>>
      %dma_start3A_48 = arith.constant 0 : i32
      %dma_start3A_49 = arith.constant 0 : i32
      %dma_start3A_50 = tpu.memref_slice %arg12[%dma_start3A_48, %dma_start3A_49] : memref<16x2048xf32, #tpu.memory_space<vmem>> -> memref<8x128xf32, #tpu.memory_space<vmem>>
      %dma_start3A_51 = arith.constant 0 : i32
      %dma_start3A_52 = tpu.memref_slice %arg5[%dma_start3A_41, %dma_start3A_51, %multiple_of3A_28] : memref<2x8x1000000xf32, #tpu.memory_space<hbm>> -> memref<1x8x128xf32, #tpu.memory_space<hbm>>
      %dma_start3A_53 = tpu.memref_squeeze %dma_start3A_52 : memref<1x8x128xf32, #tpu.memory_space<hbm>> -> memref<8x128xf32, #tpu.memory_space<hbm>>
      tpu.enqueue_dma source(%dma_start3A_53 : memref<8x128xf32, #tpu.memory_space<hbm>>) target(%dma_start3A_50 : memref<8x128xf32, #tpu.memory_space<vmem>>) target_semaphore(%arg16 : memref<!tpu.dma_semaphore, #tpu.memory_space<semaphore_mem>>)
      %dma_start3A_54 = arith.constant 1 : i32
      %dma_start3A_55 = arith.constant 8 : i32
      %dma_start3A_56 = arith.constant 0 : i32
      %dma_start3A_57 = tpu.memref_slice %arg11[%dma_start3A_55, %dma_start3A_56] : memref<16x2048xf32, #tpu.memory_space<vmem>> -> memref<8x128xf32, #tpu.memory_space<vmem>>
      %dma_start3A_58 = arith.constant 0 : i32
      %dma_start3A_59 = tpu.memref_slice %arg4[%dma_start3A_54, %dma_start3A_58, %multiple_of3A] : memref<2x8x1000000xf32, #tpu.memory_space<hbm>> -> memref<1x8x128xf32, #tpu.memory_space<hbm>>
      %dma_start3A_60 = tpu.memref_squeeze %dma_start3A_59 : memref<1x8x128xf32, #tpu.memory_space<hbm>> -> memref<8x128xf32, #tpu.memory_space<hbm>>
      %dma_start3A_61 = arith.constant 8 : i32
      %dma_start3A_62 = arith.constant 0 : i32
      %dma_start3A_63 = tpu.memref_slice %arg11[%dma_start3A_61, %dma_start3A_62] : memref<16x2048xf32, #tpu.memory_space<vmem>> -> memref<8x128xf32, #tpu.memory_space<vmem>>
      %dma_start3A_64 = arith.constant 0 : i32
      %dma_start3A_65 = tpu.memref_slice %arg4[%dma_start3A_54, %dma_start3A_64, %multiple_of3A] : memref<2x8x1000000xf32, #tpu.memory_space<hbm>> -> memref<1x8x128xf32, #tpu.memory_space<hbm>>
      %dma_start3A_66 = tpu.memref_squeeze %dma_start3A_65 : memref<1x8x128xf32, #tpu.memory_space<hbm>> -> memref<8x128xf32, #tpu.memory_space<hbm>>
      tpu.enqueue_dma source(%dma_start3A_66 : memref<8x128xf32, #tpu.memory_space<hbm>>) target(%dma_start3A_63 : memref<8x128xf32, #tpu.memory_space<vmem>>) target_semaphore(%arg16 : memref<!tpu.dma_semaphore, #tpu.memory_space<semaphore_mem>>)
      %dma_start3A_67 = arith.constant 1 : i32
      %dma_start3A_68 = arith.constant 8 : i32
      %dma_start3A_69 = arith.constant 0 : i32
      %dma_start3A_70 = tpu.memref_slice %arg12[%dma_start3A_68, %dma_start3A_69] : memref<16x2048xf32, #tpu.memory_space<vmem>> -> memref<8x128xf32, #tpu.memory_space<vmem>>
      %dma_start3A_71 = arith.constant 0 : i32
      %dma_start3A_72 = tpu.memref_slice %arg5[%dma_start3A_67, %dma_start3A_71, %multiple_of3A_28] : memref<2x8x1000000xf32, #tpu.memory_space<hbm>> -> memref<1x8x128xf32, #tpu.memory_space<hbm>>
      %dma_start3A_73 = tpu.memref_squeeze %dma_start3A_72 : memref<1x8x128xf32, #tpu.memory_space<hbm>> -> memref<8x128xf32, #tpu.memory_space<hbm>>
      %dma_start3A_74 = arith.constant 8 : i32
      %dma_start3A_75 = arith.constant 0 : i32
      %dma_start3A_76 = tpu.memref_slice %arg12[%dma_start3A_74, %dma_start3A_75] : memref<16x2048xf32, #tpu.memory_space<vmem>> -> memref<8x128xf32, #tpu.memory_space<vmem>>
      %dma_start3A_77 = arith.constant 0 : i32
      %dma_start3A_78 = tpu.memref_slice %arg5[%dma_start3A_67, %dma_start3A_77, %multiple_of3A_28] : memref<2x8x1000000xf32, #tpu.memory_space<hbm>> -> memref<1x8x128xf32, #tpu.memory_space<hbm>>
      %dma_start3A_79 = tpu.memref_squeeze %dma_start3A_78 : memref<1x8x128xf32, #tpu.memory_space<hbm>> -> memref<8x128xf32, #tpu.memory_space<hbm>>
      tpu.enqueue_dma source(%dma_start3A_79 : memref<8x128xf32, #tpu.memory_space<hbm>>) target(%dma_start3A_76 : memref<8x128xf32, #tpu.memory_space<vmem>>) target_semaphore(%arg16 : memref<!tpu.dma_semaphore, #tpu.memory_space<semaphore_mem>>)
      %slice3A_80 = vector.extract_strided_slice %get3A_14 {offsets = [1], sizes = [1], strides = [1]} : vector<16xi32> to vector<1xi32>
      %squeeze3A_81 = vector.extract %slice3A_80[0] : i32 from vector<1xi32>
      %shift_right_arithmetic3A_82 = arith.constant 7 : i32
      %shift_right_arithmetic3A_83 = arith.shrsi %squeeze3A_81, %shift_right_arithmetic3A_82 : i32
      %mul3A_84 = arith.constant 128 : i32
      %mul3A_85 = arith.muli %shift_right_arithmetic3A_83, %mul3A_84 : i32
      %multiple_of3A_86 = tpu.assume_multiple %mul3A_85, 128 : i32
      %slice3A_87 = vector.extract_strided_slice %get3A_18 {offsets = [1], sizes = [1], strides = [1]} : vector<16xi32> to vector<1xi32>
      %squeeze3A_88 = vector.extract %slice3A_87[0] : i32 from vector<1xi32>
      %shift_right_arithmetic3A_89 = arith.constant 7 : i32
      %shift_right_arithmetic3A_90 = arith.shrsi %squeeze3A_88, %shift_right_arithmetic3A_89 : i32
      %mul3A_91 = arith.constant 128 : i32
      %mul3A_92 = arith.muli %shift_right_arithmetic3A_90, %mul3A_91 : i32
      %multiple_of3A_93 = tpu.assume_multiple %mul3A_92, 128 : i32
      %dma_start3A_94 = arith.constant 0 : i32
      %dma_start3A_95 = arith.constant 0 : i32
      %dma_start3A_96 = arith.constant 128 : i32
      %dma_start3A_97 = tpu.memref_slice %arg11[%dma_start3A_95, %dma_start3A_96] : memref<16x2048xf32, #tpu.memory_space<vmem>> -> memref<8x128xf32, #tpu.memory_space<vmem>>
      %dma_start3A_98 = arith.constant 0 : i32
      %dma_start3A_99 = tpu.memref_slice %arg4[%dma_start3A_94, %dma_start3A_98, %multiple_of3A_86] : memref<2x8x1000000xf32, #tpu.memory_space<hbm>> -> memref<1x8x128xf32, #tpu.memory_space<hbm>>
      %dma_start3A_100 = tpu.memref_squeeze %dma_start3A_99 : memref<1x8x128xf32, #tpu.memory_space<hbm>> -> memref<8x128xf32, #tpu.memory_space<hbm>>
      %dma_start3A_101 = arith.constant 0 : i32
      %dma_start3A_102 = arith.constant 128 : i32
      %dma_start3A_103 = tpu.memref_slice %arg11[%dma_start3A_101, %dma_start3A_102] : memref<16x2048xf32, #tpu.memory_space<vmem>> -> memref<8x128xf32, #tpu.memory_space<vmem>>
      %dma_start3A_104 = arith.constant 0 : i32
      %dma_start3A_105 = tpu.memref_slice %arg4[%dma_start3A_94, %dma_start3A_104, %multiple_of3A_86] : memref<2x8x1000000xf32, #tpu.memory_space<hbm>> -> memref<1x8x128xf32, #tpu.memory_space<hbm>>
      %dma_start3A_106 = tpu.memref_squeeze %dma_start3A_105 : memref<1x8x128xf32, #tpu.memory_space<hbm>> -> memref<8x128xf32, #tpu.memory_space<hbm>>
      tpu.enqueue_dma source(%dma_start3A_106 : memref<8x128xf32, #tpu.memory_space<hbm>>) target(%dma_start3A_103 : memref<8x128xf32, #tpu.memory_space<vmem>>) target_semaphore(%arg16 : memref<!tpu.dma_semaphore, #tpu.memory_space<semaphore_mem>>)
      %dma_start3A_107 = arith.constant 0 : i32
      %dma_start3A_108 = arith.constant 0 : i32
      %dma_start3A_109 = arith.constant 128 : i32
      %dma_start3A_110 = tpu.memref_slice %arg12[%dma_start3A_108, %dma_start3A_109] : memref<16x2048xf32, #tpu.memory_space<vmem>> -> memref<8x128xf32, #tpu.memory_space<vmem>>
      %dma_start3A_111 = arith.constant 0 : i32
      %dma_start3A_112 = tpu.memref_slice %arg5[%dma_start3A_107, %dma_start3A_111, %multiple_of3A_93] : memref<2x8x1000000xf32, #tpu.memory_space<hbm>> -> memref<1x8x128xf32, #tpu.memory_space<hbm>>
      %dma_start3A_113 = tpu.memref_squeeze %dma_start3A_112 : memref<1x8x128xf32, #tpu.memory_space<hbm>> -> memref<8x128xf32, #tpu.memory_space<hbm>>
      %dma_start3A_114 = arith.constant 0 : i32
      %dma_start3A_115 = arith.constant 128 : i32
      %dma_start3A_116 = tpu.memref_slice %arg12[%dma_start3A_114, %dma_start3A_115] : memref<16x2048xf32, #tpu.memory_space<vmem>> -> memref<8x128xf32, #tpu.memory_space<vmem>>
      %dma_start3A_117 = arith.constant 0 : i32
      %dma_start3A_118 = tpu.memref_slice %arg5[%dma_start3A_107, %dma_start3A_117, %multiple_of3A_93] : memref<2x8x1000000xf32, #tpu.memory_space<hbm>> -> memref<1x8x128xf32, #tpu.memory_space<hbm>>
      %dma_start3A_119 = tpu.memref_squeeze %dma_start3A_118 : memref<1x8x128xf32, #tpu.memory_space<hbm>> -> memref<8x128xf32, #tpu.memory_space<hbm>>
      tpu.enqueue_dma source(%dma_start3A_119 : memref<8x128xf32, #tpu.memory_space<hbm>>) target(%dma_start3A_116 : memref<8x128xf32, #tpu.memory_space<vmem>>) target_semaphore(%arg16 : memref<!tpu.dma_semaphore, #tpu.memory_space<semaphore_mem>>)
      %dma_start3A_120 = arith.constant 1 : i32
      %dma_start3A_121 = arith.constant 8 : i32
      %dma_start3A_122 = arith.constant 128 : i32
      %dma_start3A_123 = tpu.memref_slice %arg11[%dma_start3A_121, %dma_start3A_122] : memref<16x2048xf32, #tpu.memory_space<vmem>> -> memref<8x128xf32, #tpu.memory_space<vmem>>
      %dma_start3A_124 = arith.constant 0 : i32
      %dma_start3A_125 = tpu.memref_slice %arg4[%dma_start3A_120, %dma_start3A_124, %multiple_of3A_86] : memref<2x8x1000000xf32, #tpu.memory_space<hbm>> -> memref<1x8x128xf32, #tpu.memory_space<hbm>>
      %dma_start3A_126 = tpu.memref_squeeze %dma_start3A_125 : memref<1x8x128xf32, #tpu.memory_space<hbm>> -> memref<8x128xf32, #tpu.memory_space<hbm>>
      %dma_start3A_127 = arith.constant 8 : i32
      %dma_start3A_128 = arith.constant 128 : i32
      %dma_start3A_129 = tpu.memref_slice %arg11[%dma_start3A_127, %dma_start3A_128] : memref<16x2048xf32, #tpu.memory_space<vmem>> -> memref<8x128xf32, #tpu.memory_space<vmem>>
      %dma_start3A_130 = arith.constant 0 : i32
      %dma_start3A_131 = tpu.memref_slice %arg4[%dma_start3A_120, %dma_start3A_130, %multiple_of3A_86] : memref<2x8x1000000xf32, #tpu.memory_space<hbm>> -> memref<1x8x128xf32, #tpu.memory_space<hbm>>
      %dma_start3A_132 = tpu.memref_squeeze %dma_start3A_131 : memref<1x8x128xf32, #tpu.memory_space<hbm>> -> memref<8x128xf32, #tpu.memory_space<hbm>>
      tpu.enqueue_dma source(%dma_start3A_132 : memref<8x128xf32, #tpu.memory_space<hbm>>) target(%dma_start3A_129 : memref<8x128xf32, #tpu.memory_space<vmem>>) target_semaphore(%arg16 : memref<!tpu.dma_semaphore, #tpu.memory_space<semaphore_mem>>)
      %dma_start3A_133 = arith.constant 1 : i32
      %dma_start3A_134 = arith.constant 8 : i32
      %dma_start3A_135 = arith.constant 128 : i32
      %dma_start3A_136 = tpu.memref_slice %arg12[%dma_start3A_134, %dma_start3A_135] : memref<16x2048xf32, #tpu.memory_space<vmem>> -> memref<8x128xf32, #tpu.memory_space<vmem>>
      %dma_start3A_137 = arith.constant 0 : i32
      %dma_start3A_138 = tpu.memref_slice %arg5[%dma_start3A_133, %dma_start3A_137, %multiple_of3A_93] : memref<2x8x1000000xf32, #tpu.memory_space<hbm>> -> memref<1x8x128xf32, #tpu.memory_space<hbm>>
      %dma_start3A_139 = tpu.memref_squeeze %dma_start3A_138 : memref<1x8x128xf32, #tpu.memory_space<hbm>> -> memref<8x128xf32, #tpu.memory_space<hbm>>
      %dma_start3A_140 = arith.constant 8 : i32
      %dma_start3A_141 = arith.constant 128 : i32
      %dma_start3A_142 = tpu.memref_slice %arg12[%dma_start3A_140, %dma_start3A_141] : memref<16x2048xf32, #tpu.memory_space<vmem>> -> memref<8x128xf32, #tpu.memory_space<vmem>>
      %dma_start3A_143 = arith.constant 0 : i32
      %dma_start3A_144 = tpu.memref_slice %arg5[%dma_start3A_133, %dma_start3A_143, %multiple_of3A_93] : memref<2x8x1000000xf32, #tpu.memory_space<hbm>> -> memref<1x8x128xf32, #tpu.memory_space<hbm>>
      %dma_start3A_145 = tpu.memref_squeeze %dma_start3A_144 : memref<1x8x128xf32, #tpu.memory_space<hbm>> -> memref<8x128xf32, #tpu.memory_space<hbm>>
      tpu.enqueue_dma source(%dma_start3A_145 : memref<8x128xf32, #tpu.memory_space<hbm>>) target(%dma_start3A_142 : memref<8x128xf32, #tpu.memory_space<vmem>>) target_semaphore(%arg16 : memref<!tpu.dma_semaphore, #tpu.memory_space<semaphore_mem>>)
      %slice3A_146 = vector.extract_strided_slice %get3A_14 {offsets = [2], sizes = [1], strides = [1]} : vector<16xi32> to vector<1xi32>
      %squeeze3A_147 = vector.extract %slice3A_146[0] : i32 from vector<1xi32>
      %shift_right_arithmetic3A_148 = arith.constant 7 : i32
      %shift_right_arithmetic3A_149 = arith.shrsi %squeeze3A_147, %shift_right_arithmetic3A_148 : i32
      %mul3A_150 = arith.constant 128 : i32
      %mul3A_151 = arith.muli %shift_right_arithmetic3A_149, %mul3A_150 : i32
      %multiple_of3A_152 = tpu.assume_multiple %mul3A_151, 128 : i32
      %slice3A_153 = vector.extract_strided_slice %get3A_18 {offsets = [2], sizes = [1], strides = [1]} : vector<16xi32> to vector<1xi32>
      %squeeze3A_154 = vector.extract %slice3A_153[0] : i32 from vector<1xi32>
      %shift_right_arithmetic3A_155 = arith.constant 7 : i32
      %shift_right_arithmetic3A_156 = arith.shrsi %squeeze3A_154, %shift_right_arithmetic3A_155 : i32
      %mul3A_157 = arith.constant 128 : i32
      %mul3A_158 = arith.muli %shift_right_arithmetic3A_156, %mul3A_157 : i32
      %multiple_of3A_159 = tpu.assume_multiple %mul3A_158, 128 : i32
      %dma_start3A_160 = arith.constant 0 : i32
      %dma_start3A_161 = arith.constant 0 : i32
      %dma_start3A_162 = arith.constant 256 : i32
      %dma_start3A_163 = tpu.memref_slice %arg11[%dma_start3A_161, %dma_start3A_162] : memref<16x2048xf32, #tpu.memory_space<vmem>> -> memref<8x128xf32, #tpu.memory_space<vmem>>
      %dma_start3A_164 = arith.constant 0 : i32
      %dma_start3A_165 = tpu.memref_slice %arg4[%dma_start3A_160, %dma_start3A_164, %multiple_of3A_152] : memref<2x8x1000000xf32, #tpu.memory_space<hbm>> -> memref<1x8x128xf32, #tpu.memory_space<hbm>>
      %dma_start3A_166 = tpu.memref_squeeze %dma_start3A_165 : memref<1x8x128xf32, #tpu.memory_space<hbm>> -> memref<8x128xf32, #tpu.memory_space<hbm>>
      %dma_start3A_167 = arith.constant 0 : i32
      %dma_start3A_168 = arith.constant 256 : i32
      %dma_start3A_169 = tpu.memref_slice %arg11[%dma_start3A_167, %dma_start3A_168] : memref<16x2048xf32, #tpu.memory_space<vmem>> -> memref<8x128xf32, #tpu.memory_space<vmem>>
      %dma_start3A_170 = arith.constant 0 : i32
      %dma_start3A_171 = tpu.memref_slice %arg4[%dma_start3A_160, %dma_start3A_170, %multiple_of3A_152] : memref<2x8x1000000xf32, #tpu.memory_space<hbm>> -> memref<1x8x128xf32, #tpu.memory_space<hbm>>
      %dma_start3A_172 = tpu.memref_squeeze %dma_start3A_171 : memref<1x8x128xf32, #tpu.memory_space<hbm>> -> memref<8x128xf32, #tpu.memory_space<hbm>>
      tpu.enqueue_dma source(%dma_start3A_172 : memref<8x128xf32, #tpu.memory_space<hbm>>) target(%dma_start3A_169 : memref<8x128xf32, #tpu.memory_space<vmem>>) target_semaphore(%arg16 : memref<!tpu.dma_semaphore, #tpu.memory_space<semaphore_mem>>)
      %dma_start3A_173 = arith.constant 0 : i32
      %dma_start3A_174 = arith.constant 0 : i32
      %dma_start3A_175 = arith.constant 256 : i32
      %dma_start3A_176 = tpu.memref_slice %arg12[%dma_start3A_174, %dma_start3A_175] : memref<16x2048xf32, #tpu.memory_space<vmem>> -> memref<8x128xf32, #tpu.memory_space<vmem>>
      %dma_start3A_177 = arith.constant 0 : i32
      %dma_start3A_178 = tpu.memref_slice %arg5[%dma_start3A_173, %dma_start3A_177, %multiple_of3A_159] : memref<2x8x1000000xf32, #tpu.memory_space<hbm>> -> memref<1x8x128xf32, #tpu.memory_space<hbm>>
      %dma_start3A_179 = tpu.memref_squeeze %dma_start3A_178 : memref<1x8x128xf32, #tpu.memory_space<hbm>> -> memref<8x128xf32, #tpu.memory_space<hbm>>
      %dma_start3A_180 = arith.constant 0 : i32
      %dma_start3A_181 = arith.constant 256 : i32
      %dma_start3A_182 = tpu.memref_slice %arg12[%dma_start3A_180, %dma_start3A_181] : memref<16x2048xf32, #tpu.memory_space<vmem>> -> memref<8x128xf32, #tpu.memory_space<vmem>>
      %dma_start3A_183 = arith.constant 0 : i32
      %dma_start3A_184 = tpu.memref_slice %arg5[%dma_start3A_173, %dma_start3A_183, %multiple_of3A_159] : memref<2x8x1000000xf32, #tpu.memory_space<hbm>> -> memref<1x8x128xf32, #tpu.memory_space<hbm>>
      %dma_start3A_185 = tpu.memref_squeeze %dma_start3A_184 : memref<1x8x128xf32, #tpu.memory_space<hbm>> -> memref<8x128xf32, #tpu.memory_space<hbm>>
      tpu.enqueue_dma source(%dma_start3A_185 : memref<8x128xf32, #tpu.memory_space<hbm>>) target(%dma_start3A_182 : memref<8x128xf32, #tpu.memory_space<vmem>>) target_semaphore(%arg16 : memref<!tpu.dma_semaphore, #tpu.memory_space<semaphore_mem>>)
      %dma_start3A_186 = arith.constant 1 : i32
      %dma_start3A_187 = arith.constant 8 : i32
      %dma_start3A_188 = arith.constant 256 : i32
      %dma_start3A_189 = tpu.memref_slice %arg11[%dma_start3A_187, %dma_start3A_188] : memref<16x2048xf32, #tpu.memory_space<vmem>> -> memref<8x128xf32, #tpu.memory_space<vmem>>
      %dma_start3A_190 = arith.constant 0 : i32
      %dma_start3A_191 = tpu.memref_slice %arg4[%dma_start3A_186, %dma_start3A_190, %multiple_of3A_152] : memref<2x8x1000000xf32, #tpu.memory_space<hbm>> -> memref<1x8x128xf32, #tpu.memory_space<hbm>>
      %dma_start3A_192 = tpu.memref_squeeze %dma_start3A_191 : memref<1x8x128xf32, #tpu.memory_space<hbm>> -> memref<8x128xf32, #tpu.memory_space<hbm>>
      %dma_start3A_193 = arith.constant 8 : i32
      %dma_start3A_194 = arith.constant 256 : i32
      %dma_start3A_195 = tpu.memref_slice %arg11[%dma_start3A_193, %dma_start3A_194] : memref<16x2048xf32, #tpu.memory_space<vmem>> -> memref<8x128xf32, #tpu.memory_space<vmem>>
      %dma_start3A_196 = arith.constant 0 : i32
      %dma_start3A_197 = tpu.memref_slice %arg4[%dma_start3A_186, %dma_start3A_196, %multiple_of3A_152] : memref<2x8x1000000xf32, #tpu.memory_space<hbm>> -> memref<1x8x128xf32, #tpu.memory_space<hbm>>
      %dma_start3A_198 = tpu.memref_squeeze %dma_start3A_197 : memref<1x8x128xf32, #tpu.memory_space<hbm>> -> memref<8x128xf32, #tpu.memory_space<hbm>>
      tpu.enqueue_dma source(%dma_start3A_198 : memref<8x128xf32, #tpu.memory_space<hbm>>) target(%dma_start3A_195 : memref<8x128xf32, #tpu.memory_space<vmem>>) target_semaphore(%arg16 : memref<!tpu.dma_semaphore, #tpu.memory_space<semaphore_mem>>)
      %dma_start3A_199 = arith.constant 1 : i32
      %dma_start3A_200 = arith.constant 8 : i32
      %dma_start3A_201 = arith.constant 256 : i32
      %dma_start3A_202 = tpu.memref_slice %arg12[%dma_start3A_200, %dma_start3A_201] : memref<16x2048xf32, #tpu.memory_space<vmem>> -> memref<8x128xf32, #tpu.memory_space<vmem>>
      %dma_start3A_203 = arith.constant 0 : i32
      %dma_start3A_204 = tpu.memref_slice %arg5[%dma_start3A_199, %dma_start3A_203, %multiple_of3A_159] : memref<2x8x1000000xf32, #tpu.memory_space<hbm>> -> memref<1x8x128xf32, #tpu.memory_space<hbm>>
      %dma_start3A_205 = tpu.memref_squeeze %dma_start3A_204 : memref<1x8x128xf32, #tpu.memory_space<hbm>> -> memref<8x128xf32, #tpu.memory_space<hbm>>
      %dma_start3A_206 = arith.constant 8 : i32
      %dma_start3A_207 = arith.constant 256 : i32
      %dma_start3A_208 = tpu.memref_slice %arg12[%dma_start3A_206, %dma_start3A_207] : memref<16x2048xf32, #tpu.memory_space<vmem>> -> memref<8x128xf32, #tpu.memory_space<vmem>>
      %dma_start3A_209 = arith.constant 0 : i32
      %dma_start3A_210 = tpu.memref_slice %arg5[%dma_start3A_199, %dma_start3A_209, %multiple_of3A_159] : memref<2x8x1000000xf32, #tpu.memory_space<hbm>> -> memref<1x8x128xf32, #tpu.memory_space<hbm>>
      %dma_start3A_211 = tpu.memref_squeeze %dma_start3A_210 : memref<1x8x128xf32, #tpu.memory_space<hbm>> -> memref<8x128xf32, #tpu.memory_space<hbm>>
      tpu.enqueue_dma source(%dma_start3A_211 : memref<8x128xf32, #tpu.memory_space<hbm>>) target(%dma_start3A_208 : memref<8x128xf32, #tpu.memory_space<vmem>>) target_semaphore(%arg16 : memref<!tpu.dma_semaphore, #tpu.memory_space<semaphore_mem>>)
      %slice3A_212 = vector.extract_strided_slice %get3A_14 {offsets = [3], sizes = [1], strides = [1]} : vector<16xi32> to vector<1xi32>
      %squeeze3A_213 = vector.extract %slice3A_212[0] : i32 from vector<1xi32>
      %shift_right_arithmetic3A_214 = arith.constant 7 : i32
      %shift_right_arithmetic3A_215 = arith.shrsi %squeeze3A_213, %shift_right_arithmetic3A_214 : i32
      %mul3A_216 = arith.constant 128 : i32
      %mul3A_217 = arith.muli %shift_right_arithmetic3A_215, %mul3A_216 : i32
      %multiple_of3A_218 = tpu.assume_multiple %mul3A_217, 128 : i32
      %slice3A_219 = vector.extract_strided_slice %get3A_18 {offsets = [3], sizes = [1], strides = [1]} : vector<16xi32> to vector<1xi32>
      %squeeze3A_220 = vector.extract %slice3A_219[0] : i32 from vector<1xi32>
      %shift_right_arithmetic3A_221 = arith.constant 7 : i32
      %shift_right_arithmetic3A_222 = arith.shrsi %squeeze3A_220, %shift_right_arithmetic3A_221 : i32
      %mul3A_223 = arith.constant 128 : i32
      %mul3A_224 = arith.muli %shift_right_arithmetic3A_222, %mul3A_223 : i32
      %multiple_of3A_225 = tpu.assume_multiple %mul3A_224, 128 : i32
      %dma_start3A_226 = arith.constant 0 : i32
      %dma_start3A_227 = arith.constant 0 : i32
      %dma_start3A_228 = arith.constant 384 : i32
      %dma_start3A_229 = tpu.memref_slice %arg11[%dma_start3A_227, %dma_start3A_228] : memref<16x2048xf32, #tpu.memory_space<vmem>> -> memref<8x128xf32, #tpu.memory_space<vmem>>
      %dma_start3A_230 = arith.constant 0 : i32
      %dma_start3A_231 = tpu.memref_slice %arg4[%dma_start3A_226, %dma_start3A_230, %multiple_of3A_218] : memref<2x8x1000000xf32, #tpu.memory_space<hbm>> -> memref<1x8x128xf32, #tpu.memory_space<hbm>>
      %dma_start3A_232 = tpu.memref_squeeze %dma_start3A_231 : memref<1x8x128xf32, #tpu.memory_space<hbm>> -> memref<8x128xf32, #tpu.memory_space<hbm>>
      %dma_start3A_233 = arith.constant 0 : i32
      %dma_start3A_234 = arith.constant 384 : i32
      %dma_start3A_235 = tpu.memref_slice %arg11[%dma_start3A_233, %dma_start3A_234] : memref<16x2048xf32, #tpu.memory_space<vmem>> -> memref<8x128xf32, #tpu.memory_space<vmem>>
      %dma_start3A_236 = arith.constant 0 : i32
      %dma_start3A_237 = tpu.memref_slice %arg4[%dma_start3A_226, %dma_start3A_236, %multiple_of3A_218] : memref<2x8x1000000xf32, #tpu.memory_space<hbm>> -> memref<1x8x128xf32, #tpu.memory_space<hbm>>
      %dma_start3A_238 = tpu.memref_squeeze %dma_start3A_237 : memref<1x8x128xf32, #tpu.memory_space<hbm>> -> memref<8x128xf32, #tpu.memory_space<hbm>>
      tpu.enqueue_dma source(%dma_start3A_238 : memref<8x128xf32, #tpu.memory_space<hbm>>) target(%dma_start3A_235 : memref<8x128xf32, #tpu.memory_space<vmem>>) target_semaphore(%arg16 : memref<!tpu.dma_semaphore, #tpu.memory_space<semaphore_mem>>)
      %dma_start3A_239 = arith.constant 0 : i32
      %dma_start3A_240 = arith.constant 0 : i32
      %dma_start3A_241 = arith.constant 384 : i32
      %dma_start3A_242 = tpu.memref_slice %arg12[%dma_start3A_240, %dma_start3A_241] : memref<16x2048xf32, #tpu.memory_space<vmem>> -> memref<8x128xf32, #tpu.memory_space<vmem>>
      %dma_start3A_243 = arith.constant 0 : i32
      %dma_start3A_244 = tpu.memref_slice %arg5[%dma_start3A_239, %dma_start3A_243, %multiple_of3A_225] : memref<2x8x1000000xf32, #tpu.memory_space<hbm>> -> memref<1x8x128xf32, #tpu.memory_space<hbm>>
      %dma_start3A_245 = tpu.memref_squeeze %dma_start3A_244 : memref<1x8x128xf32, #tpu.memory_space<hbm>> -> memref<8x128xf32, #tpu.memory_space<hbm>>
      %dma_start3A_246 = arith.constant 0 : i32
      %dma_start3A_247 = arith.constant 384 : i32
      %dma_start3A_248 = tpu.memref_slice %arg12[%dma_start3A_246, %dma_start3A_247] : memref<16x2048xf32, #tpu.memory_space<vmem>> -> memref<8x128xf32, #tpu.memory_space<vmem>>
      %dma_start3A_249 = arith.constant 0 : i32
      %dma_start3A_250 = tpu.memref_slice %arg5[%dma_start3A_239, %dma_start3A_249, %multiple_of3A_225] : memref<2x8x1000000xf32, #tpu.memory_space<hbm>> -> memref<1x8x128xf32, #tpu.memory_space<hbm>>
      %dma_start3A_251 = tpu.memref_squeeze %dma_start3A_250 : memref<1x8x128xf32, #tpu.memory_space<hbm>> -> memref<8x128xf32, #tpu.memory_space<hbm>>
      tpu.enqueue_dma source(%dma_start3A_251 : memref<8x128xf32, #tpu.memory_space<hbm>>) target(%dma_start3A_248 : memref<8x128xf32, #tpu.memory_space<vmem>>) target_semaphore(%arg16 : memref<!tpu.dma_semaphore, #tpu.memory_space<semaphore_mem>>)
      %dma_start3A_252 = arith.constant 1 : i32
      %dma_start3A_253 = arith.constant 8 : i32
      %dma_start3A_254 = arith.constant 384 : i32
      %dma_start3A_255 = tpu.memref_slice %arg11[%dma_start3A_253, %dma_start3A_254] : memref<16x2048xf32, #tpu.memory_space<vmem>> -> memref<8x128xf32, #tpu.memory_space<vmem>>
      %dma_start3A_256 = arith.constant 0 : i32
      %dma_start3A_257 = tpu.memref_slice %arg4[%dma_start3A_252, %dma_start3A_256, %multiple_of3A_218] : memref<2x8x1000000xf32, #tpu.memory_space<hbm>> -> memref<1x8x128xf32, #tpu.memory_space<hbm>>
      %dma_start3A_258 = tpu.memref_squeeze %dma_start3A_257 : memref<1x8x128xf32, #tpu.memory_space<hbm>> -> memref<8x128xf32, #tpu.memory_space<hbm>>
      %dma_start3A_259 = arith.constant 8 : i32
      %dma_start3A_260 = arith.constant 384 : i32
      %dma_start3A_261 = tpu.memref_slice %arg11[%dma_start3A_259, %dma_start3A_260] : memref<16x2048xf32, #tpu.memory_space<vmem>> -> memref<8x128xf32, #tpu.memory_space<vmem>>
      %dma_start3A_262 = arith.constant 0 : i32
      %dma_start3A_263 = tpu.memref_slice %arg4[%dma_start3A_252, %dma_start3A_262, %multiple_of3A_218] : memref<2x8x1000000xf32, #tpu.memory_space<hbm>> -> memref<1x8x128xf32, #tpu.memory_space<hbm>>
      %dma_start3A_264 = tpu.memref_squeeze %dma_start3A_263 : memref<1x8x128xf32, #tpu.memory_space<hbm>> -> memref<8x128xf32, #tpu.memory_space<hbm>>
      tpu.enqueue_dma source(%dma_start3A_264 : memref<8x128xf32, #tpu.memory_space<hbm>>) target(%dma_start3A_261 : memref<8x128xf32, #tpu.memory_space<vmem>>) target_semaphore(%arg16 : memref<!tpu.dma_semaphore, #tpu.memory_space<semaphore_mem>>)
      %dma_start3A_265 = arith.constant 1 : i32
      %dma_start3A_266 = arith.constant 8 : i32
      %dma_start3A_267 = arith.constant 384 : i32
      %dma_start3A_268 = tpu.memref_slice %arg12[%dma_start3A_266, %dma_start3A_267] : memref<16x2048xf32, #tpu.memory_space<vmem>> -> memref<8x128xf32, #tpu.memory_space<vmem>>
      %dma_start3A_269 = arith.constant 0 : i32
      %dma_start3A_270 = tpu.memref_slice %arg5[%dma_start3A_265, %dma_start3A_269, %multiple_of3A_225] : memref<2x8x1000000xf32, #tpu.memory_space<hbm>> -> memref<1x8x128xf32, #tpu.memory_space<hbm>>
      %dma_start3A_271 = tpu.memref_squeeze %dma_start3A_270 : memref<1x8x128xf32, #tpu.memory_space<hbm>> -> memref<8x128xf32, #tpu.memory_space<hbm>>
      %dma_start3A_272 = arith.constant 8 : i32
      %dma_start3A_273 = arith.constant 384 : i32
      %dma_start3A_274 = tpu.memref_slice %arg12[%dma_start3A_272, %dma_start3A_273] : memref<16x2048xf32, #tpu.memory_space<vmem>> -> memref<8x128xf32, #tpu.memory_space<vmem>>
      %dma_start3A_275 = arith.constant 0 : i32
      %dma_start3A_276 = tpu.memref_slice %arg5[%dma_start3A_265, %dma_start3A_275, %multiple_of3A_225] : memref<2x8x1000000xf32, #tpu.memory_space<hbm>> -> memref<1x8x128xf32, #tpu.memory_space<hbm>>
      %dma_start3A_277 = tpu.memref_squeeze %dma_start3A_276 : memref<1x8x128xf32, #tpu.memory_space<hbm>> -> memref<8x128xf32, #tpu.memory_space<hbm>>
      tpu.enqueue_dma source(%dma_start3A_277 : memref<8x128xf32, #tpu.memory_space<hbm>>) target(%dma_start3A_274 : memref<8x128xf32, #tpu.memory_space<vmem>>) target_semaphore(%arg16 : memref<!tpu.dma_semaphore, #tpu.memory_space<semaphore_mem>>)
      %slice3A_278 = vector.extract_strided_slice %get3A_14 {offsets = [4], sizes = [1], strides = [1]} : vector<16xi32> to vector<1xi32>
      %squeeze3A_279 = vector.extract %slice3A_278[0] : i32 from vector<1xi32>
      %shift_right_arithmetic3A_280 = arith.constant 7 : i32
      %shift_right_arithmetic3A_281 = arith.shrsi %squeeze3A_279, %shift_right_arithmetic3A_280 : i32
      %mul3A_282 = arith.constant 128 : i32
      %mul3A_283 = arith.muli %shift_right_arithmetic3A_281, %mul3A_282 : i32
      %multiple_of3A_284 = tpu.assume_multiple %mul3A_283, 128 : i32
      %slice3A_285 = vector.extract_strided_slice %get3A_18 {offsets = [4], sizes = [1], strides = [1]} : vector<16xi32> to vector<1xi32>
      %squeeze3A_286 = vector.extract %slice3A_285[0] : i32 from vector<1xi32>
      %shift_right_arithmetic3A_287 = arith.constant 7 : i32
      %shift_right_arithmetic3A_288 = arith.shrsi %squeeze3A_286, %shift_right_arithmetic3A_287 : i32
      %mul3A_289 = arith.constant 128 : i32
      %mul3A_290 = arith.muli %shift_right_arithmetic3A_288, %mul3A_289 : i32
      %multiple_of3A_291 = tpu.assume_multiple %mul3A_290, 128 : i32
      %dma_start3A_292 = arith.constant 0 : i32
      %dma_start3A_293 = arith.constant 0 : i32
      %dma_start3A_294 = arith.constant 512 : i32
      %dma_start3A_295 = tpu.memref_slice %arg11[%dma_start3A_293, %dma_start3A_294] : memref<16x2048xf32, #tpu.memory_space<vmem>> -> memref<8x128xf32, #tpu.memory_space<vmem>>
      %dma_start3A_296 = arith.constant 0 : i32
      %dma_start3A_297 = tpu.memref_slice %arg4[%dma_start3A_292, %dma_start3A_296, %multiple_of3A_284] : memref<2x8x1000000xf32, #tpu.memory_space<hbm>> -> memref<1x8x128xf32, #tpu.memory_space<hbm>>
      %dma_start3A_298 = tpu.memref_squeeze %dma_start3A_297 : memref<1x8x128xf32, #tpu.memory_space<hbm>> -> memref<8x128xf32, #tpu.memory_space<hbm>>
      %dma_start3A_299 = arith.constant 0 : i32
      %dma_start3A_300 = arith.constant 512 : i32
      %dma_start3A_301 = tpu.memref_slice %arg11[%dma_start3A_299, %dma_start3A_300] : memref<16x2048xf32, #tpu.memory_space<vmem>> -> memref<8x128xf32, #tpu.memory_space<vmem>>
      %dma_start3A_302 = arith.constant 0 : i32
      %dma_start3A_303 = tpu.memref_slice %arg4[%dma_start3A_292, %dma_start3A_302, %multiple_of3A_284] : memref<2x8x1000000xf32, #tpu.memory_space<hbm>> -> memref<1x8x128xf32, #tpu.memory_space<hbm>>
      %dma_start3A_304 = tpu.memref_squeeze %dma_start3A_303 : memref<1x8x128xf32, #tpu.memory_space<hbm>> -> memref<8x128xf32, #tpu.memory_space<hbm>>
      tpu.enqueue_dma source(%dma_start3A_304 : memref<8x128xf32, #tpu.memory_space<hbm>>) target(%dma_start3A_301 : memref<8x128xf32, #tpu.memory_space<vmem>>) target_semaphore(%arg16 : memref<!tpu.dma_semaphore, #tpu.memory_space<semaphore_mem>>)
      %dma_start3A_305 = arith.constant 0 : i32
      %dma_start3A_306 = arith.constant 0 : i32
      %dma_start3A_307 = arith.constant 512 : i32
      %dma_start3A_308 = tpu.memref_slice %arg12[%dma_start3A_306, %dma_start3A_307] : memref<16x2048xf32, #tpu.memory_space<vmem>> -> memref<8x128xf32, #tpu.memory_space<vmem>>
      %dma_start3A_309 = arith.constant 0 : i32
      %dma_start3A_310 = tpu.memref_slice %arg5[%dma_start3A_305, %dma_start3A_309, %multiple_of3A_291] : memref<2x8x1000000xf32, #tpu.memory_space<hbm>> -> memref<1x8x128xf32, #tpu.memory_space<hbm>>
      %dma_start3A_311 = tpu.memref_squeeze %dma_start3A_310 : memref<1x8x128xf32, #tpu.memory_space<hbm>> -> memref<8x128xf32, #tpu.memory_space<hbm>>
      %dma_start3A_312 = arith.constant 0 : i32
      %dma_start3A_313 = arith.constant 512 : i32
      %dma_start3A_314 = tpu.memref_slice %arg12[%dma_start3A_312, %dma_start3A_313] : memref<16x2048xf32, #tpu.memory_space<vmem>> -> memref<8x128xf32, #tpu.memory_space<vmem>>
      %dma_start3A_315 = arith.constant 0 : i32
      %dma_start3A_316 = tpu.memref_slice %arg5[%dma_start3A_305, %dma_start3A_315, %multiple_of3A_291] : memref<2x8x1000000xf32, #tpu.memory_space<hbm>> -> memref<1x8x128xf32, #tpu.memory_space<hbm>>
      %dma_start3A_317 = tpu.memref_squeeze %dma_start3A_316 : memref<1x8x128xf32, #tpu.memory_space<hbm>> -> memref<8x128xf32, #tpu.memory_space<hbm>>
      tpu.enqueue_dma source(%dma_start3A_317 : memref<8x128xf32, #tpu.memory_space<hbm>>) target(%dma_start3A_314 : memref<8x128xf32, #tpu.memory_space<vmem>>) target_semaphore(%arg16 : memref<!tpu.dma_semaphore, #tpu.memory_space<semaphore_mem>>)
      %dma_start3A_318 = arith.constant 1 : i32
      %dma_start3A_319 = arith.constant 8 : i32
      %dma_start3A_320 = arith.constant 512 : i32
      %dma_start3A_321 = tpu.memref_slice %arg11[%dma_start3A_319, %dma_start3A_320] : memref<16x2048xf32, #tpu.memory_space<vmem>> -> memref<8x128xf32, #tpu.memory_space<vmem>>
      %dma_start3A_322 = arith.constant 0 : i32
      %dma_start3A_323 = tpu.memref_slice %arg4[%dma_start3A_318, %dma_start3A_322, %multiple_of3A_284] : memref<2x8x1000000xf32, #tpu.memory_space<hbm>> -> memref<1x8x128xf32, #tpu.memory_space<hbm>>
      %dma_start3A_324 = tpu.memref_squeeze %dma_start3A_323 : memref<1x8x128xf32, #tpu.memory_space<hbm>> -> memref<8x128xf32, #tpu.memory_space<hbm>>
      %dma_start3A_325 = arith.constant 8 : i32
      %dma_start3A_326 = arith.constant 512 : i32
      %dma_start3A_327 = tpu.memref_slice %arg11[%dma_start3A_325, %dma_start3A_326] : memref<16x2048xf32, #tpu.memory_space<vmem>> -> memref<8x128xf32, #tpu.memory_space<vmem>>
      %dma_start3A_328 = arith.constant 0 : i32
      %dma_start3A_329 = tpu.memref_slice %arg4[%dma_start3A_318, %dma_start3A_328, %multiple_of3A_284] : memref<2x8x1000000xf32, #tpu.memory_space<hbm>> -> memref<1x8x128xf32, #tpu.memory_space<hbm>>
      %dma_start3A_330 = tpu.memref_squeeze %dma_start3A_329 : memref<1x8x128xf32, #tpu.memory_space<hbm>> -> memref<8x128xf32, #tpu.memory_space<hbm>>
      tpu.enqueue_dma source(%dma_start3A_330 : memref<8x128xf32, #tpu.memory_space<hbm>>) target(%dma_start3A_327 : memref<8x128xf32, #tpu.memory_space<vmem>>) target_semaphore(%arg16 : memref<!tpu.dma_semaphore, #tpu.memory_space<semaphore_mem>>)
      %dma_start3A_331 = arith.constant 1 : i32
      %dma_start3A_332 = arith.constant 8 : i32
      %dma_start3A_333 = arith.constant 512 : i32
      %dma_start3A_334 = tpu.memref_slice %arg12[%dma_start3A_332, %dma_start3A_333] : memref<16x2048xf32, #tpu.memory_space<vmem>> -> memref<8x128xf32, #tpu.memory_space<vmem>>
      %dma_start3A_335 = arith.constant 0 : i32
      %dma_start3A_336 = tpu.memref_slice %arg5[%dma_start3A_331, %dma_start3A_335, %multiple_of3A_291] : memref<2x8x1000000xf32, #tpu.memory_space<hbm>> -> memref<1x8x128xf32, #tpu.memory_space<hbm>>
      %dma_start3A_337 = tpu.memref_squeeze %dma_start3A_336 : memref<1x8x128xf32, #tpu.memory_space<hbm>> -> memref<8x128xf32, #tpu.memory_space<hbm>>
      %dma_start3A_338 = arith.constant 8 : i32
      %dma_start3A_339 = arith.constant 512 : i32
      %dma_start3A_340 = tpu.memref_slice %arg12[%dma_start3A_338, %dma_start3A_339] : memref<16x2048xf32, #tpu.memory_space<vmem>> -> memref<8x128xf32, #tpu.memory_space<vmem>>
      %dma_start3A_341 = arith.constant 0 : i32
      %dma_start3A_342 = tpu.memref_slice %arg5[%dma_start3A_331, %dma_start3A_341, %multiple_of3A_291] : memref<2x8x1000000xf32, #tpu.memory_space<hbm>> -> memref<1x8x128xf32, #tpu.memory_space<hbm>>
      %dma_start3A_343 = tpu.memref_squeeze %dma_start3A_342 : memref<1x8x128xf32, #tpu.memory_space<hbm>> -> memref<8x128xf32, #tpu.memory_space<hbm>>
      tpu.enqueue_dma source(%dma_start3A_343 : memref<8x128xf32, #tpu.memory_space<hbm>>) target(%dma_start3A_340 : memref<8x128xf32, #tpu.memory_space<vmem>>) target_semaphore(%arg16 : memref<!tpu.dma_semaphore, #tpu.memory_space<semaphore_mem>>)
      %slice3A_344 = vector.extract_strided_slice %get3A_14 {offsets = [5], sizes = [1], strides = [1]} : vector<16xi32> to vector<1xi32>
      %squeeze3A_345 = vector.extract %slice3A_344[0] : i32 from vector<1xi32>
      %shift_right_arithmetic3A_346 = arith.constant 7 : i32
      %shift_right_arithmetic3A_347 = arith.shrsi %squeeze3A_345, %shift_right_arithmetic3A_346 : i32
      %mul3A_348 = arith.constant 128 : i32
      %mul3A_349 = arith.muli %shift_right_arithmetic3A_347, %mul3A_348 : i32
      %multiple_of3A_350 = tpu.assume_multiple %mul3A_349, 128 : i32
      %slice3A_351 = vector.extract_strided_slice %get3A_18 {offsets = [5], sizes = [1], strides = [1]} : vector<16xi32> to vector<1xi32>
      %squeeze3A_352 = vector.extract %slice3A_351[0] : i32 from vector<1xi32>
      %shift_right_arithmetic3A_353 = arith.constant 7 : i32
      %shift_right_arithmetic3A_354 = arith.shrsi %squeeze3A_352, %shift_right_arithmetic3A_353 : i32
      %mul3A_355 = arith.constant 128 : i32
      %mul3A_356 = arith.muli %shift_right_arithmetic3A_354, %mul3A_355 : i32
      %multiple_of3A_357 = tpu.assume_multiple %mul3A_356, 128 : i32
      %dma_start3A_358 = arith.constant 0 : i32
      %dma_start3A_359 = arith.constant 0 : i32
      %dma_start3A_360 = arith.constant 640 : i32
      %dma_start3A_361 = tpu.memref_slice %arg11[%dma_start3A_359, %dma_start3A_360] : memref<16x2048xf32, #tpu.memory_space<vmem>> -> memref<8x128xf32, #tpu.memory_space<vmem>>
      %dma_start3A_362 = arith.constant 0 : i32
      %dma_start3A_363 = tpu.memref_slice %arg4[%dma_start3A_358, %dma_start3A_362, %multiple_of3A_350] : memref<2x8x1000000xf32, #tpu.memory_space<hbm>> -> memref<1x8x128xf32, #tpu.memory_space<hbm>>
      %dma_start3A_364 = tpu.memref_squeeze %dma_start3A_363 : memref<1x8x128xf32, #tpu.memory_space<hbm>> -> memref<8x128xf32, #tpu.memory_space<hbm>>
      %dma_start3A_365 = arith.constant 0 : i32
      %dma_start3A_366 = arith.constant 640 : i32
      %dma_start3A_367 = tpu.memref_slice %arg11[%dma_start3A_365, %dma_start3A_366] : memref<16x2048xf32, #tpu.memory_space<vmem>> -> memref<8x128xf32, #tpu.memory_space<vmem>>
      %dma_start3A_368 = arith.constant 0 : i32
      %dma_start3A_369 = tpu.memref_slice %arg4[%dma_start3A_358, %dma_start3A_368, %multiple_of3A_350] : memref<2x8x1000000xf32, #tpu.memory_space<hbm>> -> memref<1x8x128xf32, #tpu.memory_space<hbm>>
      %dma_start3A_370 = tpu.memref_squeeze %dma_start3A_369 : memref<1x8x128xf32, #tpu.memory_space<hbm>> -> memref<8x128xf32, #tpu.memory_space<hbm>>
      tpu.enqueue_dma source(%dma_start3A_370 : memref<8x128xf32, #tpu.memory_space<hbm>>) target(%dma_start3A_367 : memref<8x128xf32, #tpu.memory_space<vmem>>) target_semaphore(%arg16 : memref<!tpu.dma_semaphore, #tpu.memory_space<semaphore_mem>>)
      %dma_start3A_371 = arith.constant 0 : i32
      %dma_start3A_372 = arith.constant 0 : i32
      %dma_start3A_373 = arith.constant 640 : i32
      %dma_start3A_374 = tpu.memref_slice %arg12[%dma_start3A_372, %dma_start3A_373] : memref<16x2048xf32, #tpu.memory_space<vmem>> -> memref<8x128xf32, #tpu.memory_space<vmem>>
      %dma_start3A_375 = arith.constant 0 : i32
      %dma_start3A_376 = tpu.memref_slice %arg5[%dma_start3A_371, %dma_start3A_375, %multiple_of3A_357] : memref<2x8x1000000xf32, #tpu.memory_space<hbm>> -> memref<1x8x128xf32, #tpu.memory_space<hbm>>
      %dma_start3A_377 = tpu.memref_squeeze %dma_start3A_376 : memref<1x8x128xf32, #tpu.memory_space<hbm>> -> memref<8x128xf32, #tpu.memory_space<hbm>>
      %dma_start3A_378 = arith.constant 0 : i32
      %dma_start3A_379 = arith.constant 640 : i32
      %dma_start3A_380 = tpu.memref_slice %arg12[%dma_start3A_378, %dma_start3A_379] : memref<16x2048xf32, #tpu.memory_space<vmem>> -> memref<8x128xf32, #tpu.memory_space<vmem>>
      %dma_start3A_381 = arith.constant 0 : i32
      %dma_start3A_382 = tpu.memref_slice %arg5[%dma_start3A_371, %dma_start3A_381, %multiple_of3A_357] : memref<2x8x1000000xf32, #tpu.memory_space<hbm>> -> memref<1x8x128xf32, #tpu.memory_space<hbm>>
      %dma_start3A_383 = tpu.memref_squeeze %dma_start3A_382 : memref<1x8x128xf32, #tpu.memory_space<hbm>> -> memref<8x128xf32, #tpu.memory_space<hbm>>
      tpu.enqueue_dma source(%dma_start3A_383 : memref<8x128xf32, #tpu.memory_space<hbm>>) target(%dma_start3A_380 : memref<8x128xf32, #tpu.memory_space<vmem>>) target_semaphore(%arg16 : memref<!tpu.dma_semaphore, #tpu.memory_space<semaphore_mem>>)
      %dma_start3A_384 = arith.constant 1 : i32
      %dma_start3A_385 = arith.constant 8 : i32
      %dma_start3A_386 = arith.constant 640 : i32
      %dma_start3A_387 = tpu.memref_slice %arg11[%dma_start3A_385, %dma_start3A_386] : memref<16x2048xf32, #tpu.memory_space<vmem>> -> memref<8x128xf32, #tpu.memory_space<vmem>>
      %dma_start3A_388 = arith.constant 0 : i32
      %dma_start3A_389 = tpu.memref_slice %arg4[%dma_start3A_384, %dma_start3A_388, %multiple_of3A_350] : memref<2x8x1000000xf32, #tpu.memory_space<hbm>> -> memref<1x8x128xf32, #tpu.memory_space<hbm>>
      %dma_start3A_390 = tpu.memref_squeeze %dma_start3A_389 : memref<1x8x128xf32, #tpu.memory_space<hbm>> -> memref<8x128xf32, #tpu.memory_space<hbm>>
      %dma_start3A_391 = arith.constant 8 : i32
      %dma_start3A_392 = arith.constant 640 : i32
      %dma_start3A_393 = tpu.memref_slice %arg11[%dma_start3A_391, %dma_start3A_392] : memref<16x2048xf32, #tpu.memory_space<vmem>> -> memref<8x128xf32, #tpu.memory_space<vmem>>
      %dma_start3A_394 = arith.constant 0 : i32
      %dma_start3A_395 = tpu.memref_slice %arg4[%dma_start3A_384, %dma_start3A_394, %multiple_of3A_350] : memref<2x8x1000000xf32, #tpu.memory_space<hbm>> -> memref<1x8x128xf32, #tpu.memory_space<hbm>>
      %dma_start3A_396 = tpu.memref_squeeze %dma_start3A_395 : memref<1x8x128xf32, #tpu.memory_space<hbm>> -> memref<8x128xf32, #tpu.memory_space<hbm>>
      tpu.enqueue_dma source(%dma_start3A_396 : memref<8x128xf32, #tpu.memory_space<hbm>>) target(%dma_start3A_393 : memref<8x128xf32, #tpu.memory_space<vmem>>) target_semaphore(%arg16 : memref<!tpu.dma_semaphore, #tpu.memory_space<semaphore_mem>>)
      %dma_start3A_397 = arith.constant 1 : i32
      %dma_start3A_398 = arith.constant 8 : i32
      %dma_start3A_399 = arith.constant 640 : i32
      %dma_start3A_400 = tpu.memref_slice %arg12[%dma_start3A_398, %dma_start3A_399] : memref<16x2048xf32, #tpu.memory_space<vmem>> -> memref<8x128xf32, #tpu.memory_space<vmem>>
      %dma_start3A_401 = arith.constant 0 : i32
      %dma_start3A_402 = tpu.memref_slice %arg5[%dma_start3A_397, %dma_start3A_401, %multiple_of3A_357] : memref<2x8x1000000xf32, #tpu.memory_space<hbm>> -> memref<1x8x128xf32, #tpu.memory_space<hbm>>
      %dma_start3A_403 = tpu.memref_squeeze %dma_start3A_402 : memref<1x8x128xf32, #tpu.memory_space<hbm>> -> memref<8x128xf32, #tpu.memory_space<hbm>>
      %dma_start3A_404 = arith.constant 8 : i32
      %dma_start3A_405 = arith.constant 640 : i32
      %dma_start3A_406 = tpu.memref_slice %arg12[%dma_start3A_404, %dma_start3A_405] : memref<16x2048xf32, #tpu.memory_space<vmem>> -> memref<8x128xf32, #tpu.memory_space<vmem>>
      %dma_start3A_407 = arith.constant 0 : i32
      %dma_start3A_408 = tpu.memref_slice %arg5[%dma_start3A_397, %dma_start3A_407, %multiple_of3A_357] : memref<2x8x1000000xf32, #tpu.memory_space<hbm>> -> memref<1x8x128xf32, #tpu.memory_space<hbm>>
      %dma_start3A_409 = tpu.memref_squeeze %dma_start3A_408 : memref<1x8x128xf32, #tpu.memory_space<hbm>> -> memref<8x128xf32, #tpu.memory_space<hbm>>
      tpu.enqueue_dma source(%dma_start3A_409 : memref<8x128xf32, #tpu.memory_space<hbm>>) target(%dma_start3A_406 : memref<8x128xf32, #tpu.memory_space<vmem>>) target_semaphore(%arg16 : memref<!tpu.dma_semaphore, #tpu.memory_space<semaphore_mem>>)
      %slice3A_410 = vector.extract_strided_slice %get3A_14 {offsets = [6], sizes = [1], strides = [1]} : vector<16xi32> to vector<1xi32>
      %squeeze3A_411 = vector.extract %slice3A_410[0] : i32 from vector<1xi32>
      %shift_right_arithmetic3A_412 = arith.constant 7 : i32
      %shift_right_arithmetic3A_413 = arith.shrsi %squeeze3A_411, %shift_right_arithmetic3A_412 : i32
      %mul3A_414 = arith.constant 128 : i32
      %mul3A_415 = arith.muli %shift_right_arithmetic3A_413, %mul3A_414 : i32
      %multiple_of3A_416 = tpu.assume_multiple %mul3A_415, 128 : i32
      %slice3A_417 = vector.extract_strided_slice %get3A_18 {offsets = [6], sizes = [1], strides = [1]} : vector<16xi32> to vector<1xi32>
      %squeeze3A_418 = vector.extract %slice3A_417[0] : i32 from vector<1xi32>
      %shift_right_arithmetic3A_419 = arith.constant 7 : i32
      %shift_right_arithmetic3A_420 = arith.shrsi %squeeze3A_418, %shift_right_arithmetic3A_419 : i32
      %mul3A_421 = arith.constant 128 : i32
      %mul3A_422 = arith.muli %shift_right_arithmetic3A_420, %mul3A_421 : i32
      %multiple_of3A_423 = tpu.assume_multiple %mul3A_422, 128 : i32
      %dma_start3A_424 = arith.constant 0 : i32
      %dma_start3A_425 = arith.constant 0 : i32
      %dma_start3A_426 = arith.constant 768 : i32
      %dma_start3A_427 = tpu.memref_slice %arg11[%dma_start3A_425, %dma_start3A_426] : memref<16x2048xf32, #tpu.memory_space<vmem>> -> memref<8x128xf32, #tpu.memory_space<vmem>>
      %dma_start3A_428 = arith.constant 0 : i32
      %dma_start3A_429 = tpu.memref_slice %arg4[%dma_start3A_424, %dma_start3A_428, %multiple_of3A_416] : memref<2x8x1000000xf32, #tpu.memory_space<hbm>> -> memref<1x8x128xf32, #tpu.memory_space<hbm>>
      %dma_start3A_430 = tpu.memref_squeeze %dma_start3A_429 : memref<1x8x128xf32, #tpu.memory_space<hbm>> -> memref<8x128xf32, #tpu.memory_space<hbm>>
      %dma_start3A_431 = arith.constant 0 : i32
      %dma_start3A_432 = arith.constant 768 : i32
      %dma_start3A_433 = tpu.memref_slice %arg11[%dma_start3A_431, %dma_start3A_432] : memref<16x2048xf32, #tpu.memory_space<vmem>> -> memref<8x128xf32, #tpu.memory_space<vmem>>
      %dma_start3A_434 = arith.constant 0 : i32
      %dma_start3A_435 = tpu.memref_slice %arg4[%dma_start3A_424, %dma_start3A_434, %multiple_of3A_416] : memref<2x8x1000000xf32, #tpu.memory_space<hbm>> -> memref<1x8x128xf32, #tpu.memory_space<hbm>>
      %dma_start3A_436 = tpu.memref_squeeze %dma_start3A_435 : memref<1x8x128xf32, #tpu.memory_space<hbm>> -> memref<8x128xf32, #tpu.memory_space<hbm>>
      tpu.enqueue_dma source(%dma_start3A_436 : memref<8x128xf32, #tpu.memory_space<hbm>>) target(%dma_start3A_433 : memref<8x128xf32, #tpu.memory_space<vmem>>) target_semaphore(%arg16 : memref<!tpu.dma_semaphore, #tpu.memory_space<semaphore_mem>>)
      %dma_start3A_437 = arith.constant 0 : i32
      %dma_start3A_438 = arith.constant 0 : i32
      %dma_start3A_439 = arith.constant 768 : i32
      %dma_start3A_440 = tpu.memref_slice %arg12[%dma_start3A_438, %dma_start3A_439] : memref<16x2048xf32, #tpu.memory_space<vmem>> -> memref<8x128xf32, #tpu.memory_space<vmem>>
      %dma_start3A_441 = arith.constant 0 : i32
      %dma_start3A_442 = tpu.memref_slice %arg5[%dma_start3A_437, %dma_start3A_441, %multiple_of3A_423] : memref<2x8x1000000xf32, #tpu.memory_space<hbm>> -> memref<1x8x128xf32, #tpu.memory_space<hbm>>
      %dma_start3A_443 = tpu.memref_squeeze %dma_start3A_442 : memref<1x8x128xf32, #tpu.memory_space<hbm>> -> memref<8x128xf32, #tpu.memory_space<hbm>>
      %dma_start3A_444 = arith.constant 0 : i32
      %dma_start3A_445 = arith.constant 768 : i32
      %dma_start3A_446 = tpu.memref_slice %arg12[%dma_start3A_444, %dma_start3A_445] : memref<16x2048xf32, #tpu.memory_space<vmem>> -> memref<8x128xf32, #tpu.memory_space<vmem>>
      %dma_start3A_447 = arith.constant 0 : i32
      %dma_start3A_448 = tpu.memref_slice %arg5[%dma_start3A_437, %dma_start3A_447, %multiple_of3A_423] : memref<2x8x1000000xf32, #tpu.memory_space<hbm>> -> memref<1x8x128xf32, #tpu.memory_space<hbm>>
      %dma_start3A_449 = tpu.memref_squeeze %dma_start3A_448 : memref<1x8x128xf32, #tpu.memory_space<hbm>> -> memref<8x128xf32, #tpu.memory_space<hbm>>
      tpu.enqueue_dma source(%dma_start3A_449 : memref<8x128xf32, #tpu.memory_space<hbm>>) target(%dma_start3A_446 : memref<8x128xf32, #tpu.memory_space<vmem>>) target_semaphore(%arg16 : memref<!tpu.dma_semaphore, #tpu.memory_space<semaphore_mem>>)
      %dma_start3A_450 = arith.constant 1 : i32
      %dma_start3A_451 = arith.constant 8 : i32
      %dma_start3A_452 = arith.constant 768 : i32
      %dma_start3A_453 = tpu.memref_slice %arg11[%dma_start3A_451, %dma_start3A_452] : memref<16x2048xf32, #tpu.memory_space<vmem>> -> memref<8x128xf32, #tpu.memory_space<vmem>>
      %dma_start3A_454 = arith.constant 0 : i32
      %dma_start3A_455 = tpu.memref_slice %arg4[%dma_start3A_450, %dma_start3A_454, %multiple_of3A_416] : memref<2x8x1000000xf32, #tpu.memory_space<hbm>> -> memref<1x8x128xf32, #tpu.memory_space<hbm>>
      %dma_start3A_456 = tpu.memref_squeeze %dma_start3A_455 : memref<1x8x128xf32, #tpu.memory_space<hbm>> -> memref<8x128xf32, #tpu.memory_space<hbm>>
      %dma_start3A_457 = arith.constant 8 : i32
      %dma_start3A_458 = arith.constant 768 : i32
      %dma_start3A_459 = tpu.memref_slice %arg11[%dma_start3A_457, %dma_start3A_458] : memref<16x2048xf32, #tpu.memory_space<vmem>> -> memref<8x128xf32, #tpu.memory_space<vmem>>
      %dma_start3A_460 = arith.constant 0 : i32
      %dma_start3A_461 = tpu.memref_slice %arg4[%dma_start3A_450, %dma_start3A_460, %multiple_of3A_416] : memref<2x8x1000000xf32, #tpu.memory_space<hbm>> -> memref<1x8x128xf32, #tpu.memory_space<hbm>>
      %dma_start3A_462 = tpu.memref_squeeze %dma_start3A_461 : memref<1x8x128xf32, #tpu.memory_space<hbm>> -> memref<8x128xf32, #tpu.memory_space<hbm>>
      tpu.enqueue_dma source(%dma_start3A_462 : memref<8x128xf32, #tpu.memory_space<hbm>>) target(%dma_start3A_459 : memref<8x128xf32, #tpu.memory_space<vmem>>) target_semaphore(%arg16 : memref<!tpu.dma_semaphore, #tpu.memory_space<semaphore_mem>>)
      %dma_start3A_463 = arith.constant 1 : i32
      %dma_start3A_464 = arith.constant 8 : i32
      %dma_start3A_465 = arith.constant 768 : i32
      %dma_start3A_466 = tpu.memref_slice %arg12[%dma_start3A_464, %dma_start3A_465] : memref<16x2048xf32, #tpu.memory_space<vmem>> -> memref<8x128xf32, #tpu.memory_space<vmem>>
      %dma_start3A_467 = arith.constant 0 : i32
      %dma_start3A_468 = tpu.memref_slice %arg5[%dma_start3A_463, %dma_start3A_467, %multiple_of3A_423] : memref<2x8x1000000xf32, #tpu.memory_space<hbm>> -> memref<1x8x128xf32, #tpu.memory_space<hbm>>
      %dma_start3A_469 = tpu.memref_squeeze %dma_start3A_468 : memref<1x8x128xf32, #tpu.memory_space<hbm>> -> memref<8x128xf32, #tpu.memory_space<hbm>>
      %dma_start3A_470 = arith.constant 8 : i32
      %dma_start3A_471 = arith.constant 768 : i32
      %dma_start3A_472 = tpu.memref_slice %arg12[%dma_start3A_470, %dma_start3A_471] : memref<16x2048xf32, #tpu.memory_space<vmem>> -> memref<8x128xf32, #tpu.memory_space<vmem>>
      %dma_start3A_473 = arith.constant 0 : i32
      %dma_start3A_474 = tpu.memref_slice %arg5[%dma_start3A_463, %dma_start3A_473, %multiple_of3A_423] : memref<2x8x1000000xf32, #tpu.memory_space<hbm>> -> memref<1x8x128xf32, #tpu.memory_space<hbm>>
      %dma_start3A_475 = tpu.memref_squeeze %dma_start3A_474 : memref<1x8x128xf32, #tpu.memory_space<hbm>> -> memref<8x128xf32, #tpu.memory_space<hbm>>
      tpu.enqueue_dma source(%dma_start3A_475 : memref<8x128xf32, #tpu.memory_space<hbm>>) target(%dma_start3A_472 : memref<8x128xf32, #tpu.memory_space<vmem>>) target_semaphore(%arg16 : memref<!tpu.dma_semaphore, #tpu.memory_space<semaphore_mem>>)
      %slice3A_476 = vector.extract_strided_slice %get3A_14 {offsets = [7], sizes = [1], strides = [1]} : vector<16xi32> to vector<1xi32>
      %squeeze3A_477 = vector.extract %slice3A_476[0] : i32 from vector<1xi32>
      %shift_right_arithmetic3A_478 = arith.constant 7 : i32
      %shift_right_arithmetic3A_479 = arith.shrsi %squeeze3A_477, %shift_right_arithmetic3A_478 : i32
      %mul3A_480 = arith.constant 128 : i32
      %mul3A_481 = arith.muli %shift_right_arithmetic3A_479, %mul3A_480 : i32
      %multiple_of3A_482 = tpu.assume_multiple %mul3A_481, 128 : i32
      %slice3A_483 = vector.extract_strided_slice %get3A_18 {offsets = [7], sizes = [1], strides = [1]} : vector<16xi32> to vector<1xi32>
      %squeeze3A_484 = vector.extract %slice3A_483[0] : i32 from vector<1xi32>
      %shift_right_arithmetic3A_485 = arith.constant 7 : i32
      %shift_right_arithmetic3A_486 = arith.shrsi %squeeze3A_484, %shift_right_arithmetic3A_485 : i32
      %mul3A_487 = arith.constant 128 : i32
      %mul3A_488 = arith.muli %shift_right_arithmetic3A_486, %mul3A_487 : i32
      %multiple_of3A_489 = tpu.assume_multiple %mul3A_488, 128 : i32
      %dma_start3A_490 = arith.constant 0 : i32
      %dma_start3A_491 = arith.constant 0 : i32
      %dma_start3A_492 = arith.constant 896 : i32
      %dma_start3A_493 = tpu.memref_slice %arg11[%dma_start3A_491, %dma_start3A_492] : memref<16x2048xf32, #tpu.memory_space<vmem>> -> memref<8x128xf32, #tpu.memory_space<vmem>>
      %dma_start3A_494 = arith.constant 0 : i32
      %dma_start3A_495 = tpu.memref_slice %arg4[%dma_start3A_490, %dma_start3A_494, %multiple_of3A_482] : memref<2x8x1000000xf32, #tpu.memory_space<hbm>> -> memref<1x8x128xf32, #tpu.memory_space<hbm>>
      %dma_start3A_496 = tpu.memref_squeeze %dma_start3A_495 : memref<1x8x128xf32, #tpu.memory_space<hbm>> -> memref<8x128xf32, #tpu.memory_space<hbm>>
      %dma_start3A_497 = arith.constant 0 : i32
      %dma_start3A_498 = arith.constant 896 : i32
      %dma_start3A_499 = tpu.memref_slice %arg11[%dma_start3A_497, %dma_start3A_498] : memref<16x2048xf32, #tpu.memory_space<vmem>> -> memref<8x128xf32, #tpu.memory_space<vmem>>
      %dma_start3A_500 = arith.constant 0 : i32
      %dma_start3A_501 = tpu.memref_slice %arg4[%dma_start3A_490, %dma_start3A_500, %multiple_of3A_482] : memref<2x8x1000000xf32, #tpu.memory_space<hbm>> -> memref<1x8x128xf32, #tpu.memory_space<hbm>>
      %dma_start3A_502 = tpu.memref_squeeze %dma_start3A_501 : memref<1x8x128xf32, #tpu.memory_space<hbm>> -> memref<8x128xf32, #tpu.memory_space<hbm>>
      tpu.enqueue_dma source(%dma_start3A_502 : memref<8x128xf32, #tpu.memory_space<hbm>>) target(%dma_start3A_499 : memref<8x128xf32, #tpu.memory_space<vmem>>) target_semaphore(%arg16 : memref<!tpu.dma_semaphore, #tpu.memory_space<semaphore_mem>>)
      %dma_start3A_503 = arith.constant 0 : i32
      %dma_start3A_504 = arith.constant 0 : i32
      %dma_start3A_505 = arith.constant 896 : i32
      %dma_start3A_506 = tpu.memref_slice %arg12[%dma_start3A_504, %dma_start3A_505] : memref<16x2048xf32, #tpu.memory_space<vmem>> -> memref<8x128xf32, #tpu.memory_space<vmem>>
      %dma_start3A_507 = arith.constant 0 : i32
      %dma_start3A_508 = tpu.memref_slice %arg5[%dma_start3A_503, %dma_start3A_507, %multiple_of3A_489] : memref<2x8x1000000xf32, #tpu.memory_space<hbm>> -> memref<1x8x128xf32, #tpu.memory_space<hbm>>
      %dma_start3A_509 = tpu.memref_squeeze %dma_start3A_508 : memref<1x8x128xf32, #tpu.memory_space<hbm>> -> memref<8x128xf32, #tpu.memory_space<hbm>>
      %dma_start3A_510 = arith.constant 0 : i32
      %dma_start3A_511 = arith.constant 896 : i32
      %dma_start3A_512 = tpu.memref_slice %arg12[%dma_start3A_510, %dma_start3A_511] : memref<16x2048xf32, #tpu.memory_space<vmem>> -> memref<8x128xf32, #tpu.memory_space<vmem>>
      %dma_start3A_513 = arith.constant 0 : i32
      %dma_start3A_514 = tpu.memref_slice %arg5[%dma_start3A_503, %dma_start3A_513, %multiple_of3A_489] : memref<2x8x1000000xf32, #tpu.memory_space<hbm>> -> memref<1x8x128xf32, #tpu.memory_space<hbm>>
      %dma_start3A_515 = tpu.memref_squeeze %dma_start3A_514 : memref<1x8x128xf32, #tpu.memory_space<hbm>> -> memref<8x128xf32, #tpu.memory_space<hbm>>
      tpu.enqueue_dma source(%dma_start3A_515 : memref<8x128xf32, #tpu.memory_space<hbm>>) target(%dma_start3A_512 : memref<8x128xf32, #tpu.memory_space<vmem>>) target_semaphore(%arg16 : memref<!tpu.dma_semaphore, #tpu.memory_space<semaphore_mem>>)
      %dma_start3A_516 = arith.constant 1 : i32
      %dma_start3A_517 = arith.constant 8 : i32
      %dma_start3A_518 = arith.constant 896 : i32
      %dma_start3A_519 = tpu.memref_slice %arg11[%dma_start3A_517, %dma_start3A_518] : memref<16x2048xf32, #tpu.memory_space<vmem>> -> memref<8x128xf32, #tpu.memory_space<vmem>>
      %dma_start3A_520 = arith.constant 0 : i32
      %dma_start3A_521 = tpu.memref_slice %arg4[%dma_start3A_516, %dma_start3A_520, %multiple_of3A_482] : memref<2x8x1000000xf32, #tpu.memory_space<hbm>> -> memref<1x8x128xf32, #tpu.memory_space<hbm>>
      %dma_start3A_522 = tpu.memref_squeeze %dma_start3A_521 : memref<1x8x128xf32, #tpu.memory_space<hbm>> -> memref<8x128xf32, #tpu.memory_space<hbm>>
      %dma_start3A_523 = arith.constant 8 : i32
      %dma_start3A_524 = arith.constant 896 : i32
      %dma_start3A_525 = tpu.memref_slice %arg11[%dma_start3A_523, %dma_start3A_524] : memref<16x2048xf32, #tpu.memory_space<vmem>> -> memref<8x128xf32, #tpu.memory_space<vmem>>
      %dma_start3A_526 = arith.constant 0 : i32
      %dma_start3A_527 = tpu.memref_slice %arg4[%dma_start3A_516, %dma_start3A_526, %multiple_of3A_482] : memref<2x8x1000000xf32, #tpu.memory_space<hbm>> -> memref<1x8x128xf32, #tpu.memory_space<hbm>>
      %dma_start3A_528 = tpu.memref_squeeze %dma_start3A_527 : memref<1x8x128xf32, #tpu.memory_space<hbm>> -> memref<8x128xf32, #tpu.memory_space<hbm>>
      tpu.enqueue_dma source(%dma_start3A_528 : memref<8x128xf32, #tpu.memory_space<hbm>>) target(%dma_start3A_525 : memref<8x128xf32, #tpu.memory_space<vmem>>) target_semaphore(%arg16 : memref<!tpu.dma_semaphore, #tpu.memory_space<semaphore_mem>>)
      %dma_start3A_529 = arith.constant 1 : i32
      %dma_start3A_530 = arith.constant 8 : i32
      %dma_start3A_531 = arith.constant 896 : i32
      %dma_start3A_532 = tpu.memref_slice %arg12[%dma_start3A_530, %dma_start3A_531] : memref<16x2048xf32, #tpu.memory_space<vmem>> -> memref<8x128xf32, #tpu.memory_space<vmem>>
      %dma_start3A_533 = arith.constant 0 : i32
      %dma_start3A_534 = tpu.memref_slice %arg5[%dma_start3A_529, %dma_start3A_533, %multiple_of3A_489] : memref<2x8x1000000xf32, #tpu.memory_space<hbm>> -> memref<1x8x128xf32, #tpu.memory_space<hbm>>
      %dma_start3A_535 = tpu.memref_squeeze %dma_start3A_534 : memref<1x8x128xf32, #tpu.memory_space<hbm>> -> memref<8x128xf32, #tpu.memory_space<hbm>>
      %dma_start3A_536 = arith.constant 8 : i32
      %dma_start3A_537 = arith.constant 896 : i32
      %dma_start3A_538 = tpu.memref_slice %arg12[%dma_start3A_536, %dma_start3A_537] : memref<16x2048xf32, #tpu.memory_space<vmem>> -> memref<8x128xf32, #tpu.memory_space<vmem>>
      %dma_start3A_539 = arith.constant 0 : i32
      %dma_start3A_540 = tpu.memref_slice %arg5[%dma_start3A_529, %dma_start3A_539, %multiple_of3A_489] : memref<2x8x1000000xf32, #tpu.memory_space<hbm>> -> memref<1x8x128xf32, #tpu.memory_space<hbm>>
      %dma_start3A_541 = tpu.memref_squeeze %dma_start3A_540 : memref<1x8x128xf32, #tpu.memory_space<hbm>> -> memref<8x128xf32, #tpu.memory_space<hbm>>
      tpu.enqueue_dma source(%dma_start3A_541 : memref<8x128xf32, #tpu.memory_space<hbm>>) target(%dma_start3A_538 : memref<8x128xf32, #tpu.memory_space<vmem>>) target_semaphore(%arg16 : memref<!tpu.dma_semaphore, #tpu.memory_space<semaphore_mem>>)
      %slice3A_542 = vector.extract_strided_slice %get3A_14 {offsets = [8], sizes = [1], strides = [1]} : vector<16xi32> to vector<1xi32>
      %squeeze3A_543 = vector.extract %slice3A_542[0] : i32 from vector<1xi32>
      %shift_right_arithmetic3A_544 = arith.constant 7 : i32
      %shift_right_arithmetic3A_545 = arith.shrsi %squeeze3A_543, %shift_right_arithmetic3A_544 : i32
      %mul3A_546 = arith.constant 128 : i32
      %mul3A_547 = arith.muli %shift_right_arithmetic3A_545, %mul3A_546 : i32
      %multiple_of3A_548 = tpu.assume_multiple %mul3A_547, 128 : i32
      %slice3A_549 = vector.extract_strided_slice %get3A_18 {offsets = [8], sizes = [1], strides = [1]} : vector<16xi32> to vector<1xi32>
      %squeeze3A_550 = vector.extract %slice3A_549[0] : i32 from vector<1xi32>
      %shift_right_arithmetic3A_551 = arith.constant 7 : i32
      %shift_right_arithmetic3A_552 = arith.shrsi %squeeze3A_550, %shift_right_arithmetic3A_551 : i32
      %mul3A_553 = arith.constant 128 : i32
      %mul3A_554 = arith.muli %shift_right_arithmetic3A_552, %mul3A_553 : i32
      %multiple_of3A_555 = tpu.assume_multiple %mul3A_554, 128 : i32
      %dma_start3A_556 = arith.constant 0 : i32
      %dma_start3A_557 = arith.constant 0 : i32
      %dma_start3A_558 = arith.constant 1024 : i32
      %dma_start3A_559 = tpu.memref_slice %arg11[%dma_start3A_557, %dma_start3A_558] : memref<16x2048xf32, #tpu.memory_space<vmem>> -> memref<8x128xf32, #tpu.memory_space<vmem>>
      %dma_start3A_560 = arith.constant 0 : i32
      %dma_start3A_561 = tpu.memref_slice %arg4[%dma_start3A_556, %dma_start3A_560, %multiple_of3A_548] : memref<2x8x1000000xf32, #tpu.memory_space<hbm>> -> memref<1x8x128xf32, #tpu.memory_space<hbm>>
      %dma_start3A_562 = tpu.memref_squeeze %dma_start3A_561 : memref<1x8x128xf32, #tpu.memory_space<hbm>> -> memref<8x128xf32, #tpu.memory_space<hbm>>
      %dma_start3A_563 = arith.constant 0 : i32
      %dma_start3A_564 = arith.constant 1024 : i32
      %dma_start3A_565 = tpu.memref_slice %arg11[%dma_start3A_563, %dma_start3A_564] : memref<16x2048xf32, #tpu.memory_space<vmem>> -> memref<8x128xf32, #tpu.memory_space<vmem>>
      %dma_start3A_566 = arith.constant 0 : i32
      %dma_start3A_567 = tpu.memref_slice %arg4[%dma_start3A_556, %dma_start3A_566, %multiple_of3A_548] : memref<2x8x1000000xf32, #tpu.memory_space<hbm>> -> memref<1x8x128xf32, #tpu.memory_space<hbm>>
      %dma_start3A_568 = tpu.memref_squeeze %dma_start3A_567 : memref<1x8x128xf32, #tpu.memory_space<hbm>> -> memref<8x128xf32, #tpu.memory_space<hbm>>
      tpu.enqueue_dma source(%dma_start3A_568 : memref<8x128xf32, #tpu.memory_space<hbm>>) target(%dma_start3A_565 : memref<8x128xf32, #tpu.memory_space<vmem>>) target_semaphore(%arg16 : memref<!tpu.dma_semaphore, #tpu.memory_space<semaphore_mem>>)
      %dma_start3A_569 = arith.constant 0 : i32
      %dma_start3A_570 = arith.constant 0 : i32
      %dma_start3A_571 = arith.constant 1024 : i32
      %dma_start3A_572 = tpu.memref_slice %arg12[%dma_start3A_570, %dma_start3A_571] : memref<16x2048xf32, #tpu.memory_space<vmem>> -> memref<8x128xf32, #tpu.memory_space<vmem>>
      %dma_start3A_573 = arith.constant 0 : i32
      %dma_start3A_574 = tpu.memref_slice %arg5[%dma_start3A_569, %dma_start3A_573, %multiple_of3A_555] : memref<2x8x1000000xf32, #tpu.memory_space<hbm>> -> memref<1x8x128xf32, #tpu.memory_space<hbm>>
      %dma_start3A_575 = tpu.memref_squeeze %dma_start3A_574 : memref<1x8x128xf32, #tpu.memory_space<hbm>> -> memref<8x128xf32, #tpu.memory_space<hbm>>
      %dma_start3A_576 = arith.constant 0 : i32
      %dma_start3A_577 = arith.constant 1024 : i32
      %dma_start3A_578 = tpu.memref_slice %arg12[%dma_start3A_576, %dma_start3A_577] : memref<16x2048xf32, #tpu.memory_space<vmem>> -> memref<8x128xf32, #tpu.memory_space<vmem>>
      %dma_start3A_579 = arith.constant 0 : i32
      %dma_start3A_580 = tpu.memref_slice %arg5[%dma_start3A_569, %dma_start3A_579, %multiple_of3A_555] : memref<2x8x1000000xf32, #tpu.memory_space<hbm>> -> memref<1x8x128xf32, #tpu.memory_space<hbm>>
      %dma_start3A_581 = tpu.memref_squeeze %dma_start3A_580 : memref<1x8x128xf32, #tpu.memory_space<hbm>> -> memref<8x128xf32, #tpu.memory_space<hbm>>
      tpu.enqueue_dma source(%dma_start3A_581 : memref<8x128xf32, #tpu.memory_space<hbm>>) target(%dma_start3A_578 : memref<8x128xf32, #tpu.memory_space<vmem>>) target_semaphore(%arg16 : memref<!tpu.dma_semaphore, #tpu.memory_space<semaphore_mem>>)
      %dma_start3A_582 = arith.constant 1 : i32
      %dma_start3A_583 = arith.constant 8 : i32
      %dma_start3A_584 = arith.constant 1024 : i32
      %dma_start3A_585 = tpu.memref_slice %arg11[%dma_start3A_583, %dma_start3A_584] : memref<16x2048xf32, #tpu.memory_space<vmem>> -> memref<8x128xf32, #tpu.memory_space<vmem>>
      %dma_start3A_586 = arith.constant 0 : i32
      %dma_start3A_587 = tpu.memref_slice %arg4[%dma_start3A_582, %dma_start3A_586, %multiple_of3A_548] : memref<2x8x1000000xf32, #tpu.memory_space<hbm>> -> memref<1x8x128xf32, #tpu.memory_space<hbm>>
      %dma_start3A_588 = tpu.memref_squeeze %dma_start3A_587 : memref<1x8x128xf32, #tpu.memory_space<hbm>> -> memref<8x128xf32, #tpu.memory_space<hbm>>
      %dma_start3A_589 = arith.constant 8 : i32
      %dma_start3A_590 = arith.constant 1024 : i32
      %dma_start3A_591 = tpu.memref_slice %arg11[%dma_start3A_589, %dma_start3A_590] : memref<16x2048xf32, #tpu.memory_space<vmem>> -> memref<8x128xf32, #tpu.memory_space<vmem>>
      %dma_start3A_592 = arith.constant 0 : i32
      %dma_start3A_593 = tpu.memref_slice %arg4[%dma_start3A_582, %dma_start3A_592, %multiple_of3A_548] : memref<2x8x1000000xf32, #tpu.memory_space<hbm>> -> memref<1x8x128xf32, #tpu.memory_space<hbm>>
      %dma_start3A_594 = tpu.memref_squeeze %dma_start3A_593 : memref<1x8x128xf32, #tpu.memory_space<hbm>> -> memref<8x128xf32, #tpu.memory_space<hbm>>
      tpu.enqueue_dma source(%dma_start3A_594 : memref<8x128xf32, #tpu.memory_space<hbm>>) target(%dma_start3A_591 : memref<8x128xf32, #tpu.memory_space<vmem>>) target_semaphore(%arg16 : memref<!tpu.dma_semaphore, #tpu.memory_space<semaphore_mem>>)
      %dma_start3A_595 = arith.constant 1 : i32
      %dma_start3A_596 = arith.constant 8 : i32
      %dma_start3A_597 = arith.constant 1024 : i32
      %dma_start3A_598 = tpu.memref_slice %arg12[%dma_start3A_596, %dma_start3A_597] : memref<16x2048xf32, #tpu.memory_space<vmem>> -> memref<8x128xf32, #tpu.memory_space<vmem>>
      %dma_start3A_599 = arith.constant 0 : i32
      %dma_start3A_600 = tpu.memref_slice %arg5[%dma_start3A_595, %dma_start3A_599, %multiple_of3A_555] : memref<2x8x1000000xf32, #tpu.memory_space<hbm>> -> memref<1x8x128xf32, #tpu.memory_space<hbm>>
      %dma_start3A_601 = tpu.memref_squeeze %dma_start3A_600 : memref<1x8x128xf32, #tpu.memory_space<hbm>> -> memref<8x128xf32, #tpu.memory_space<hbm>>
      %dma_start3A_602 = arith.constant 8 : i32
      %dma_start3A_603 = arith.constant 1024 : i32
      %dma_start3A_604 = tpu.memref_slice %arg12[%dma_start3A_602, %dma_start3A_603] : memref<16x2048xf32, #tpu.memory_space<vmem>> -> memref<8x128xf32, #tpu.memory_space<vmem>>
      %dma_start3A_605 = arith.constant 0 : i32
      %dma_start3A_606 = tpu.memref_slice %arg5[%dma_start3A_595, %dma_start3A_605, %multiple_of3A_555] : memref<2x8x1000000xf32, #tpu.memory_space<hbm>> -> memref<1x8x128xf32, #tpu.memory_space<hbm>>
      %dma_start3A_607 = tpu.memref_squeeze %dma_start3A_606 : memref<1x8x128xf32, #tpu.memory_space<hbm>> -> memref<8x128xf32, #tpu.memory_space<hbm>>
      tpu.enqueue_dma source(%dma_start3A_607 : memref<8x128xf32, #tpu.memory_space<hbm>>) target(%dma_start3A_604 : memref<8x128xf32, #tpu.memory_space<vmem>>) target_semaphore(%arg16 : memref<!tpu.dma_semaphore, #tpu.memory_space<semaphore_mem>>)
      %slice3A_608 = vector.extract_strided_slice %get3A_14 {offsets = [9], sizes = [1], strides = [1]} : vector<16xi32> to vector<1xi32>
      %squeeze3A_609 = vector.extract %slice3A_608[0] : i32 from vector<1xi32>
      %shift_right_arithmetic3A_610 = arith.constant 7 : i32
      %shift_right_arithmetic3A_611 = arith.shrsi %squeeze3A_609, %shift_right_arithmetic3A_610 : i32
      %mul3A_612 = arith.constant 128 : i32
      %mul3A_613 = arith.muli %shift_right_arithmetic3A_611, %mul3A_612 : i32
      %multiple_of3A_614 = tpu.assume_multiple %mul3A_613, 128 : i32
      %slice3A_615 = vector.extract_strided_slice %get3A_18 {offsets = [9], sizes = [1], strides = [1]} : vector<16xi32> to vector<1xi32>
      %squeeze3A_616 = vector.extract %slice3A_615[0] : i32 from vector<1xi32>
      %shift_right_arithmetic3A_617 = arith.constant 7 : i32
      %shift_right_arithmetic3A_618 = arith.shrsi %squeeze3A_616, %shift_right_arithmetic3A_617 : i32
      %mul3A_619 = arith.constant 128 : i32
      %mul3A_620 = arith.muli %shift_right_arithmetic3A_618, %mul3A_619 : i32
      %multiple_of3A_621 = tpu.assume_multiple %mul3A_620, 128 : i32
      %dma_start3A_622 = arith.constant 0 : i32
      %dma_start3A_623 = arith.constant 0 : i32
      %dma_start3A_624 = arith.constant 1152 : i32
      %dma_start3A_625 = tpu.memref_slice %arg11[%dma_start3A_623, %dma_start3A_624] : memref<16x2048xf32, #tpu.memory_space<vmem>> -> memref<8x128xf32, #tpu.memory_space<vmem>>
      %dma_start3A_626 = arith.constant 0 : i32
      %dma_start3A_627 = tpu.memref_slice %arg4[%dma_start3A_622, %dma_start3A_626, %multiple_of3A_614] : memref<2x8x1000000xf32, #tpu.memory_space<hbm>> -> memref<1x8x128xf32, #tpu.memory_space<hbm>>
      %dma_start3A_628 = tpu.memref_squeeze %dma_start3A_627 : memref<1x8x128xf32, #tpu.memory_space<hbm>> -> memref<8x128xf32, #tpu.memory_space<hbm>>
      %dma_start3A_629 = arith.constant 0 : i32
      %dma_start3A_630 = arith.constant 1152 : i32
      %dma_start3A_631 = tpu.memref_slice %arg11[%dma_start3A_629, %dma_start3A_630] : memref<16x2048xf32, #tpu.memory_space<vmem>> -> memref<8x128xf32, #tpu.memory_space<vmem>>
      %dma_start3A_632 = arith.constant 0 : i32
      %dma_start3A_633 = tpu.memref_slice %arg4[%dma_start3A_622, %dma_start3A_632, %multiple_of3A_614] : memref<2x8x1000000xf32, #tpu.memory_space<hbm>> -> memref<1x8x128xf32, #tpu.memory_space<hbm>>
      %dma_start3A_634 = tpu.memref_squeeze %dma_start3A_633 : memref<1x8x128xf32, #tpu.memory_space<hbm>> -> memref<8x128xf32, #tpu.memory_space<hbm>>
      tpu.enqueue_dma source(%dma_start3A_634 : memref<8x128xf32, #tpu.memory_space<hbm>>) target(%dma_start3A_631 : memref<8x128xf32, #tpu.memory_space<vmem>>) target_semaphore(%arg16 : memref<!tpu.dma_semaphore, #tpu.memory_space<semaphore_mem>>)
      %dma_start3A_635 = arith.constant 0 : i32
      %dma_start3A_636 = arith.constant 0 : i32
      %dma_start3A_637 = arith.constant 1152 : i32
      %dma_start3A_638 = tpu.memref_slice %arg12[%dma_start3A_636, %dma_start3A_637] : memref<16x2048xf32, #tpu.memory_space<vmem>> -> memref<8x128xf32, #tpu.memory_space<vmem>>
      %dma_start3A_639 = arith.constant 0 : i32
      %dma_start3A_640 = tpu.memref_slice %arg5[%dma_start3A_635, %dma_start3A_639, %multiple_of3A_621] : memref<2x8x1000000xf32, #tpu.memory_space<hbm>> -> memref<1x8x128xf32, #tpu.memory_space<hbm>>
      %dma_start3A_641 = tpu.memref_squeeze %dma_start3A_640 : memref<1x8x128xf32, #tpu.memory_space<hbm>> -> memref<8x128xf32, #tpu.memory_space<hbm>>
      %dma_start3A_642 = arith.constant 0 : i32
      %dma_start3A_643 = arith.constant 1152 : i32
      %dma_start3A_644 = tpu.memref_slice %arg12[%dma_start3A_642, %dma_start3A_643] : memref<16x2048xf32, #tpu.memory_space<vmem>> -> memref<8x128xf32, #tpu.memory_space<vmem>>
      %dma_start3A_645 = arith.constant 0 : i32
      %dma_start3A_646 = tpu.memref_slice %arg5[%dma_start3A_635, %dma_start3A_645, %multiple_of3A_621] : memref<2x8x1000000xf32, #tpu.memory_space<hbm>> -> memref<1x8x128xf32, #tpu.memory_space<hbm>>
      %dma_start3A_647 = tpu.memref_squeeze %dma_start3A_646 : memref<1x8x128xf32, #tpu.memory_space<hbm>> -> memref<8x128xf32, #tpu.memory_space<hbm>>
      tpu.enqueue_dma source(%dma_start3A_647 : memref<8x128xf32, #tpu.memory_space<hbm>>) target(%dma_start3A_644 : memref<8x128xf32, #tpu.memory_space<vmem>>) target_semaphore(%arg16 : memref<!tpu.dma_semaphore, #tpu.memory_space<semaphore_mem>>)
      %dma_start3A_648 = arith.constant 1 : i32
      %dma_start3A_649 = arith.constant 8 : i32
      %dma_start3A_650 = arith.constant 1152 : i32
      %dma_start3A_651 = tpu.memref_slice %arg11[%dma_start3A_649, %dma_start3A_650] : memref<16x2048xf32, #tpu.memory_space<vmem>> -> memref<8x128xf32, #tpu.memory_space<vmem>>
      %dma_start3A_652 = arith.constant 0 : i32
      %dma_start3A_653 = tpu.memref_slice %arg4[%dma_start3A_648, %dma_start3A_652, %multiple_of3A_614] : memref<2x8x1000000xf32, #tpu.memory_space<hbm>> -> memref<1x8x128xf32, #tpu.memory_space<hbm>>
      %dma_start3A_654 = tpu.memref_squeeze %dma_start3A_653 : memref<1x8x128xf32, #tpu.memory_space<hbm>> -> memref<8x128xf32, #tpu.memory_space<hbm>>
      %dma_start3A_655 = arith.constant 8 : i32
      %dma_start3A_656 = arith.constant 1152 : i32
      %dma_start3A_657 = tpu.memref_slice %arg11[%dma_start3A_655, %dma_start3A_656] : memref<16x2048xf32, #tpu.memory_space<vmem>> -> memref<8x128xf32, #tpu.memory_space<vmem>>
      %dma_start3A_658 = arith.constant 0 : i32
      %dma_start3A_659 = tpu.memref_slice %arg4[%dma_start3A_648, %dma_start3A_658, %multiple_of3A_614] : memref<2x8x1000000xf32, #tpu.memory_space<hbm>> -> memref<1x8x128xf32, #tpu.memory_space<hbm>>
      %dma_start3A_660 = tpu.memref_squeeze %dma_start3A_659 : memref<1x8x128xf32, #tpu.memory_space<hbm>> -> memref<8x128xf32, #tpu.memory_space<hbm>>
      tpu.enqueue_dma source(%dma_start3A_660 : memref<8x128xf32, #tpu.memory_space<hbm>>) target(%dma_start3A_657 : memref<8x128xf32, #tpu.memory_space<vmem>>) target_semaphore(%arg16 : memref<!tpu.dma_semaphore, #tpu.memory_space<semaphore_mem>>)
      %dma_start3A_661 = arith.constant 1 : i32
      %dma_start3A_662 = arith.constant 8 : i32
      %dma_start3A_663 = arith.constant 1152 : i32
      %dma_start3A_664 = tpu.memref_slice %arg12[%dma_start3A_662, %dma_start3A_663] : memref<16x2048xf32, #tpu.memory_space<vmem>> -> memref<8x128xf32, #tpu.memory_space<vmem>>
      %dma_start3A_665 = arith.constant 0 : i32
      %dma_start3A_666 = tpu.memref_slice %arg5[%dma_start3A_661, %dma_start3A_665, %multiple_of3A_621] : memref<2x8x1000000xf32, #tpu.memory_space<hbm>> -> memref<1x8x128xf32, #tpu.memory_space<hbm>>
      %dma_start3A_667 = tpu.memref_squeeze %dma_start3A_666 : memref<1x8x128xf32, #tpu.memory_space<hbm>> -> memref<8x128xf32, #tpu.memory_space<hbm>>
      %dma_start3A_668 = arith.constant 8 : i32
      %dma_start3A_669 = arith.constant 1152 : i32
      %dma_start3A_670 = tpu.memref_slice %arg12[%dma_start3A_668, %dma_start3A_669] : memref<16x2048xf32, #tpu.memory_space<vmem>> -> memref<8x128xf32, #tpu.memory_space<vmem>>
      %dma_start3A_671 = arith.constant 0 : i32
      %dma_start3A_672 = tpu.memref_slice %arg5[%dma_start3A_661, %dma_start3A_671, %multiple_of3A_621] : memref<2x8x1000000xf32, #tpu.memory_space<hbm>> -> memref<1x8x128xf32, #tpu.memory_space<hbm>>
      %dma_start3A_673 = tpu.memref_squeeze %dma_start3A_672 : memref<1x8x128xf32, #tpu.memory_space<hbm>> -> memref<8x128xf32, #tpu.memory_space<hbm>>
      tpu.enqueue_dma source(%dma_start3A_673 : memref<8x128xf32, #tpu.memory_space<hbm>>) target(%dma_start3A_670 : memref<8x128xf32, #tpu.memory_space<vmem>>) target_semaphore(%arg16 : memref<!tpu.dma_semaphore, #tpu.memory_space<semaphore_mem>>)
      %slice3A_674 = vector.extract_strided_slice %get3A_14 {offsets = [10], sizes = [1], strides = [1]} : vector<16xi32> to vector<1xi32>
      %squeeze3A_675 = vector.extract %slice3A_674[0] : i32 from vector<1xi32>
      %shift_right_arithmetic3A_676 = arith.constant 7 : i32
      %shift_right_arithmetic3A_677 = arith.shrsi %squeeze3A_675, %shift_right_arithmetic3A_676 : i32
      %mul3A_678 = arith.constant 128 : i32
      %mul3A_679 = arith.muli %shift_right_arithmetic3A_677, %mul3A_678 : i32
      %multiple_of3A_680 = tpu.assume_multiple %mul3A_679, 128 : i32
      %slice3A_681 = vector.extract_strided_slice %get3A_18 {offsets = [10], sizes = [1], strides = [1]} : vector<16xi32> to vector<1xi32>
      %squeeze3A_682 = vector.extract %slice3A_681[0] : i32 from vector<1xi32>
      %shift_right_arithmetic3A_683 = arith.constant 7 : i32
      %shift_right_arithmetic3A_684 = arith.shrsi %squeeze3A_682, %shift_right_arithmetic3A_683 : i32
      %mul3A_685 = arith.constant 128 : i32
      %mul3A_686 = arith.muli %shift_right_arithmetic3A_684, %mul3A_685 : i32
      %multiple_of3A_687 = tpu.assume_multiple %mul3A_686, 128 : i32
      %dma_start3A_688 = arith.constant 0 : i32
      %dma_start3A_689 = arith.constant 0 : i32
      %dma_start3A_690 = arith.constant 1280 : i32
      %dma_start3A_691 = tpu.memref_slice %arg11[%dma_start3A_689, %dma_start3A_690] : memref<16x2048xf32, #tpu.memory_space<vmem>> -> memref<8x128xf32, #tpu.memory_space<vmem>>
      %dma_start3A_692 = arith.constant 0 : i32
      %dma_start3A_693 = tpu.memref_slice %arg4[%dma_start3A_688, %dma_start3A_692, %multiple_of3A_680] : memref<2x8x1000000xf32, #tpu.memory_space<hbm>> -> memref<1x8x128xf32, #tpu.memory_space<hbm>>
      %dma_start3A_694 = tpu.memref_squeeze %dma_start3A_693 : memref<1x8x128xf32, #tpu.memory_space<hbm>> -> memref<8x128xf32, #tpu.memory_space<hbm>>
      %dma_start3A_695 = arith.constant 0 : i32
      %dma_start3A_696 = arith.constant 1280 : i32
      %dma_start3A_697 = tpu.memref_slice %arg11[%dma_start3A_695, %dma_start3A_696] : memref<16x2048xf32, #tpu.memory_space<vmem>> -> memref<8x128xf32, #tpu.memory_space<vmem>>
      %dma_start3A_698 = arith.constant 0 : i32
      %dma_start3A_699 = tpu.memref_slice %arg4[%dma_start3A_688, %dma_start3A_698, %multiple_of3A_680] : memref<2x8x1000000xf32, #tpu.memory_space<hbm>> -> memref<1x8x128xf32, #tpu.memory_space<hbm>>
      %dma_start3A_700 = tpu.memref_squeeze %dma_start3A_699 : memref<1x8x128xf32, #tpu.memory_space<hbm>> -> memref<8x128xf32, #tpu.memory_space<hbm>>
      tpu.enqueue_dma source(%dma_start3A_700 : memref<8x128xf32, #tpu.memory_space<hbm>>) target(%dma_start3A_697 : memref<8x128xf32, #tpu.memory_space<vmem>>) target_semaphore(%arg16 : memref<!tpu.dma_semaphore, #tpu.memory_space<semaphore_mem>>)
      %dma_start3A_701 = arith.constant 0 : i32
      %dma_start3A_702 = arith.constant 0 : i32
      %dma_start3A_703 = arith.constant 1280 : i32
      %dma_start3A_704 = tpu.memref_slice %arg12[%dma_start3A_702, %dma_start3A_703] : memref<16x2048xf32, #tpu.memory_space<vmem>> -> memref<8x128xf32, #tpu.memory_space<vmem>>
      %dma_start3A_705 = arith.constant 0 : i32
      %dma_start3A_706 = tpu.memref_slice %arg5[%dma_start3A_701, %dma_start3A_705, %multiple_of3A_687] : memref<2x8x1000000xf32, #tpu.memory_space<hbm>> -> memref<1x8x128xf32, #tpu.memory_space<hbm>>
      %dma_start3A_707 = tpu.memref_squeeze %dma_start3A_706 : memref<1x8x128xf32, #tpu.memory_space<hbm>> -> memref<8x128xf32, #tpu.memory_space<hbm>>
      %dma_start3A_708 = arith.constant 0 : i32
      %dma_start3A_709 = arith.constant 1280 : i32
      %dma_start3A_710 = tpu.memref_slice %arg12[%dma_start3A_708, %dma_start3A_709] : memref<16x2048xf32, #tpu.memory_space<vmem>> -> memref<8x128xf32, #tpu.memory_space<vmem>>
      %dma_start3A_711 = arith.constant 0 : i32
      %dma_start3A_712 = tpu.memref_slice %arg5[%dma_start3A_701, %dma_start3A_711, %multiple_of3A_687] : memref<2x8x1000000xf32, #tpu.memory_space<hbm>> -> memref<1x8x128xf32, #tpu.memory_space<hbm>>
      %dma_start3A_713 = tpu.memref_squeeze %dma_start3A_712 : memref<1x8x128xf32, #tpu.memory_space<hbm>> -> memref<8x128xf32, #tpu.memory_space<hbm>>
      tpu.enqueue_dma source(%dma_start3A_713 : memref<8x128xf32, #tpu.memory_space<hbm>>) target(%dma_start3A_710 : memref<8x128xf32, #tpu.memory_space<vmem>>) target_semaphore(%arg16 : memref<!tpu.dma_semaphore, #tpu.memory_space<semaphore_mem>>)
      %dma_start3A_714 = arith.constant 1 : i32
      %dma_start3A_715 = arith.constant 8 : i32
      %dma_start3A_716 = arith.constant 1280 : i32
      %dma_start3A_717 = tpu.memref_slice %arg11[%dma_start3A_715, %dma_start3A_716] : memref<16x2048xf32, #tpu.memory_space<vmem>> -> memref<8x128xf32, #tpu.memory_space<vmem>>
      %dma_start3A_718 = arith.constant 0 : i32
      %dma_start3A_719 = tpu.memref_slice %arg4[%dma_start3A_714, %dma_start3A_718, %multiple_of3A_680] : memref<2x8x1000000xf32, #tpu.memory_space<hbm>> -> memref<1x8x128xf32, #tpu.memory_space<hbm>>
      %dma_start3A_720 = tpu.memref_squeeze %dma_start3A_719 : memref<1x8x128xf32, #tpu.memory_space<hbm>> -> memref<8x128xf32, #tpu.memory_space<hbm>>
      %dma_start3A_721 = arith.constant 8 : i32
      %dma_start3A_722 = arith.constant 1280 : i32
      %dma_start3A_723 = tpu.memref_slice %arg11[%dma_start3A_721, %dma_start3A_722] : memref<16x2048xf32, #tpu.memory_space<vmem>> -> memref<8x128xf32, #tpu.memory_space<vmem>>
      %dma_start3A_724 = arith.constant 0 : i32
      %dma_start3A_725 = tpu.memref_slice %arg4[%dma_start3A_714, %dma_start3A_724, %multiple_of3A_680] : memref<2x8x1000000xf32, #tpu.memory_space<hbm>> -> memref<1x8x128xf32, #tpu.memory_space<hbm>>
      %dma_start3A_726 = tpu.memref_squeeze %dma_start3A_725 : memref<1x8x128xf32, #tpu.memory_space<hbm>> -> memref<8x128xf32, #tpu.memory_space<hbm>>
      tpu.enqueue_dma source(%dma_start3A_726 : memref<8x128xf32, #tpu.memory_space<hbm>>) target(%dma_start3A_723 : memref<8x128xf32, #tpu.memory_space<vmem>>) target_semaphore(%arg16 : memref<!tpu.dma_semaphore, #tpu.memory_space<semaphore_mem>>)
      %dma_start3A_727 = arith.constant 1 : i32
      %dma_start3A_728 = arith.constant 8 : i32
      %dma_start3A_729 = arith.constant 1280 : i32
      %dma_start3A_730 = tpu.memref_slice %arg12[%dma_start3A_728, %dma_start3A_729] : memref<16x2048xf32, #tpu.memory_space<vmem>> -> memref<8x128xf32, #tpu.memory_space<vmem>>
      %dma_start3A_731 = arith.constant 0 : i32
      %dma_start3A_732 = tpu.memref_slice %arg5[%dma_start3A_727, %dma_start3A_731, %multiple_of3A_687] : memref<2x8x1000000xf32, #tpu.memory_space<hbm>> -> memref<1x8x128xf32, #tpu.memory_space<hbm>>
      %dma_start3A_733 = tpu.memref_squeeze %dma_start3A_732 : memref<1x8x128xf32, #tpu.memory_space<hbm>> -> memref<8x128xf32, #tpu.memory_space<hbm>>
      %dma_start3A_734 = arith.constant 8 : i32
      %dma_start3A_735 = arith.constant 1280 : i32
      %dma_start3A_736 = tpu.memref_slice %arg12[%dma_start3A_734, %dma_start3A_735] : memref<16x2048xf32, #tpu.memory_space<vmem>> -> memref<8x128xf32, #tpu.memory_space<vmem>>
      %dma_start3A_737 = arith.constant 0 : i32
      %dma_start3A_738 = tpu.memref_slice %arg5[%dma_start3A_727, %dma_start3A_737, %multiple_of3A_687] : memref<2x8x1000000xf32, #tpu.memory_space<hbm>> -> memref<1x8x128xf32, #tpu.memory_space<hbm>>
      %dma_start3A_739 = tpu.memref_squeeze %dma_start3A_738 : memref<1x8x128xf32, #tpu.memory_space<hbm>> -> memref<8x128xf32, #tpu.memory_space<hbm>>
      tpu.enqueue_dma source(%dma_start3A_739 : memref<8x128xf32, #tpu.memory_space<hbm>>) target(%dma_start3A_736 : memref<8x128xf32, #tpu.memory_space<vmem>>) target_semaphore(%arg16 : memref<!tpu.dma_semaphore, #tpu.memory_space<semaphore_mem>>)
      %slice3A_740 = vector.extract_strided_slice %get3A_14 {offsets = [11], sizes = [1], strides = [1]} : vector<16xi32> to vector<1xi32>
      %squeeze3A_741 = vector.extract %slice3A_740[0] : i32 from vector<1xi32>
      %shift_right_arithmetic3A_742 = arith.constant 7 : i32
      %shift_right_arithmetic3A_743 = arith.shrsi %squeeze3A_741, %shift_right_arithmetic3A_742 : i32
      %mul3A_744 = arith.constant 128 : i32
      %mul3A_745 = arith.muli %shift_right_arithmetic3A_743, %mul3A_744 : i32
      %multiple_of3A_746 = tpu.assume_multiple %mul3A_745, 128 : i32
      %slice3A_747 = vector.extract_strided_slice %get3A_18 {offsets = [11], sizes = [1], strides = [1]} : vector<16xi32> to vector<1xi32>
      %squeeze3A_748 = vector.extract %slice3A_747[0] : i32 from vector<1xi32>
      %shift_right_arithmetic3A_749 = arith.constant 7 : i32
      %shift_right_arithmetic3A_750 = arith.shrsi %squeeze3A_748, %shift_right_arithmetic3A_749 : i32
      %mul3A_751 = arith.constant 128 : i32
      %mul3A_752 = arith.muli %shift_right_arithmetic3A_750, %mul3A_751 : i32
      %multiple_of3A_753 = tpu.assume_multiple %mul3A_752, 128 : i32
      %dma_start3A_754 = arith.constant 0 : i32
      %dma_start3A_755 = arith.constant 0 : i32
      %dma_start3A_756 = arith.constant 1408 : i32
      %dma_start3A_757 = tpu.memref_slice %arg11[%dma_start3A_755, %dma_start3A_756] : memref<16x2048xf32, #tpu.memory_space<vmem>> -> memref<8x128xf32, #tpu.memory_space<vmem>>
      %dma_start3A_758 = arith.constant 0 : i32
      %dma_start3A_759 = tpu.memref_slice %arg4[%dma_start3A_754, %dma_start3A_758, %multiple_of3A_746] : memref<2x8x1000000xf32, #tpu.memory_space<hbm>> -> memref<1x8x128xf32, #tpu.memory_space<hbm>>
      %dma_start3A_760 = tpu.memref_squeeze %dma_start3A_759 : memref<1x8x128xf32, #tpu.memory_space<hbm>> -> memref<8x128xf32, #tpu.memory_space<hbm>>
      %dma_start3A_761 = arith.constant 0 : i32
      %dma_start3A_762 = arith.constant 1408 : i32
      %dma_start3A_763 = tpu.memref_slice %arg11[%dma_start3A_761, %dma_start3A_762] : memref<16x2048xf32, #tpu.memory_space<vmem>> -> memref<8x128xf32, #tpu.memory_space<vmem>>
      %dma_start3A_764 = arith.constant 0 : i32
      %dma_start3A_765 = tpu.memref_slice %arg4[%dma_start3A_754, %dma_start3A_764, %multiple_of3A_746] : memref<2x8x1000000xf32, #tpu.memory_space<hbm>> -> memref<1x8x128xf32, #tpu.memory_space<hbm>>
      %dma_start3A_766 = tpu.memref_squeeze %dma_start3A_765 : memref<1x8x128xf32, #tpu.memory_space<hbm>> -> memref<8x128xf32, #tpu.memory_space<hbm>>
      tpu.enqueue_dma source(%dma_start3A_766 : memref<8x128xf32, #tpu.memory_space<hbm>>) target(%dma_start3A_763 : memref<8x128xf32, #tpu.memory_space<vmem>>) target_semaphore(%arg16 : memref<!tpu.dma_semaphore, #tpu.memory_space<semaphore_mem>>)
      %dma_start3A_767 = arith.constant 0 : i32
      %dma_start3A_768 = arith.constant 0 : i32
      %dma_start3A_769 = arith.constant 1408 : i32
      %dma_start3A_770 = tpu.memref_slice %arg12[%dma_start3A_768, %dma_start3A_769] : memref<16x2048xf32, #tpu.memory_space<vmem>> -> memref<8x128xf32, #tpu.memory_space<vmem>>
      %dma_start3A_771 = arith.constant 0 : i32
      %dma_start3A_772 = tpu.memref_slice %arg5[%dma_start3A_767, %dma_start3A_771, %multiple_of3A_753] : memref<2x8x1000000xf32, #tpu.memory_space<hbm>> -> memref<1x8x128xf32, #tpu.memory_space<hbm>>
      %dma_start3A_773 = tpu.memref_squeeze %dma_start3A_772 : memref<1x8x128xf32, #tpu.memory_space<hbm>> -> memref<8x128xf32, #tpu.memory_space<hbm>>
      %dma_start3A_774 = arith.constant 0 : i32
      %dma_start3A_775 = arith.constant 1408 : i32
      %dma_start3A_776 = tpu.memref_slice %arg12[%dma_start3A_774, %dma_start3A_775] : memref<16x2048xf32, #tpu.memory_space<vmem>> -> memref<8x128xf32, #tpu.memory_space<vmem>>
      %dma_start3A_777 = arith.constant 0 : i32
      %dma_start3A_778 = tpu.memref_slice %arg5[%dma_start3A_767, %dma_start3A_777, %multiple_of3A_753] : memref<2x8x1000000xf32, #tpu.memory_space<hbm>> -> memref<1x8x128xf32, #tpu.memory_space<hbm>>
      %dma_start3A_779 = tpu.memref_squeeze %dma_start3A_778 : memref<1x8x128xf32, #tpu.memory_space<hbm>> -> memref<8x128xf32, #tpu.memory_space<hbm>>
      tpu.enqueue_dma source(%dma_start3A_779 : memref<8x128xf32, #tpu.memory_space<hbm>>) target(%dma_start3A_776 : memref<8x128xf32, #tpu.memory_space<vmem>>) target_semaphore(%arg16 : memref<!tpu.dma_semaphore, #tpu.memory_space<semaphore_mem>>)
      %dma_start3A_780 = arith.constant 1 : i32
      %dma_start3A_781 = arith.constant 8 : i32
      %dma_start3A_782 = arith.constant 1408 : i32
      %dma_start3A_783 = tpu.memref_slice %arg11[%dma_start3A_781, %dma_start3A_782] : memref<16x2048xf32, #tpu.memory_space<vmem>> -> memref<8x128xf32, #tpu.memory_space<vmem>>
      %dma_start3A_784 = arith.constant 0 : i32
      %dma_start3A_785 = tpu.memref_slice %arg4[%dma_start3A_780, %dma_start3A_784, %multiple_of3A_746] : memref<2x8x1000000xf32, #tpu.memory_space<hbm>> -> memref<1x8x128xf32, #tpu.memory_space<hbm>>
      %dma_start3A_786 = tpu.memref_squeeze %dma_start3A_785 : memref<1x8x128xf32, #tpu.memory_space<hbm>> -> memref<8x128xf32, #tpu.memory_space<hbm>>
      %dma_start3A_787 = arith.constant 8 : i32
      %dma_start3A_788 = arith.constant 1408 : i32
      %dma_start3A_789 = tpu.memref_slice %arg11[%dma_start3A_787, %dma_start3A_788] : memref<16x2048xf32, #tpu.memory_space<vmem>> -> memref<8x128xf32, #tpu.memory_space<vmem>>
      %dma_start3A_790 = arith.constant 0 : i32
      %dma_start3A_791 = tpu.memref_slice %arg4[%dma_start3A_780, %dma_start3A_790, %multiple_of3A_746] : memref<2x8x1000000xf32, #tpu.memory_space<hbm>> -> memref<1x8x128xf32, #tpu.memory_space<hbm>>
      %dma_start3A_792 = tpu.memref_squeeze %dma_start3A_791 : memref<1x8x128xf32, #tpu.memory_space<hbm>> -> memref<8x128xf32, #tpu.memory_space<hbm>>
      tpu.enqueue_dma source(%dma_start3A_792 : memref<8x128xf32, #tpu.memory_space<hbm>>) target(%dma_start3A_789 : memref<8x128xf32, #tpu.memory_space<vmem>>) target_semaphore(%arg16 : memref<!tpu.dma_semaphore, #tpu.memory_space<semaphore_mem>>)
      %dma_start3A_793 = arith.constant 1 : i32
      %dma_start3A_794 = arith.constant 8 : i32
      %dma_start3A_795 = arith.constant 1408 : i32
      %dma_start3A_796 = tpu.memref_slice %arg12[%dma_start3A_794, %dma_start3A_795] : memref<16x2048xf32, #tpu.memory_space<vmem>> -> memref<8x128xf32, #tpu.memory_space<vmem>>
      %dma_start3A_797 = arith.constant 0 : i32
      %dma_start3A_798 = tpu.memref_slice %arg5[%dma_start3A_793, %dma_start3A_797, %multiple_of3A_753] : memref<2x8x1000000xf32, #tpu.memory_space<hbm>> -> memref<1x8x128xf32, #tpu.memory_space<hbm>>
      %dma_start3A_799 = tpu.memref_squeeze %dma_start3A_798 : memref<1x8x128xf32, #tpu.memory_space<hbm>> -> memref<8x128xf32, #tpu.memory_space<hbm>>
      %dma_start3A_800 = arith.constant 8 : i32
      %dma_start3A_801 = arith.constant 1408 : i32
      %dma_start3A_802 = tpu.memref_slice %arg12[%dma_start3A_800, %dma_start3A_801] : memref<16x2048xf32, #tpu.memory_space<vmem>> -> memref<8x128xf32, #tpu.memory_space<vmem>>
      %dma_start3A_803 = arith.constant 0 : i32
      %dma_start3A_804 = tpu.memref_slice %arg5[%dma_start3A_793, %dma_start3A_803, %multiple_of3A_753] : memref<2x8x1000000xf32, #tpu.memory_space<hbm>> -> memref<1x8x128xf32, #tpu.memory_space<hbm>>
      %dma_start3A_805 = tpu.memref_squeeze %dma_start3A_804 : memref<1x8x128xf32, #tpu.memory_space<hbm>> -> memref<8x128xf32, #tpu.memory_space<hbm>>
      tpu.enqueue_dma source(%dma_start3A_805 : memref<8x128xf32, #tpu.memory_space<hbm>>) target(%dma_start3A_802 : memref<8x128xf32, #tpu.memory_space<vmem>>) target_semaphore(%arg16 : memref<!tpu.dma_semaphore, #tpu.memory_space<semaphore_mem>>)
      %slice3A_806 = vector.extract_strided_slice %get3A_14 {offsets = [12], sizes = [1], strides = [1]} : vector<16xi32> to vector<1xi32>
      %squeeze3A_807 = vector.extract %slice3A_806[0] : i32 from vector<1xi32>
      %shift_right_arithmetic3A_808 = arith.constant 7 : i32
      %shift_right_arithmetic3A_809 = arith.shrsi %squeeze3A_807, %shift_right_arithmetic3A_808 : i32
      %mul3A_810 = arith.constant 128 : i32
      %mul3A_811 = arith.muli %shift_right_arithmetic3A_809, %mul3A_810 : i32
      %multiple_of3A_812 = tpu.assume_multiple %mul3A_811, 128 : i32
      %slice3A_813 = vector.extract_strided_slice %get3A_18 {offsets = [12], sizes = [1], strides = [1]} : vector<16xi32> to vector<1xi32>
      %squeeze3A_814 = vector.extract %slice3A_813[0] : i32 from vector<1xi32>
      %shift_right_arithmetic3A_815 = arith.constant 7 : i32
      %shift_right_arithmetic3A_816 = arith.shrsi %squeeze3A_814, %shift_right_arithmetic3A_815 : i32
      %mul3A_817 = arith.constant 128 : i32
      %mul3A_818 = arith.muli %shift_right_arithmetic3A_816, %mul3A_817 : i32
      %multiple_of3A_819 = tpu.assume_multiple %mul3A_818, 128 : i32
      %dma_start3A_820 = arith.constant 0 : i32
      %dma_start3A_821 = arith.constant 0 : i32
      %dma_start3A_822 = arith.constant 1536 : i32
      %dma_start3A_823 = tpu.memref_slice %arg11[%dma_start3A_821, %dma_start3A_822] : memref<16x2048xf32, #tpu.memory_space<vmem>> -> memref<8x128xf32, #tpu.memory_space<vmem>>
      %dma_start3A_824 = arith.constant 0 : i32
      %dma_start3A_825 = tpu.memref_slice %arg4[%dma_start3A_820, %dma_start3A_824, %multiple_of3A_812] : memref<2x8x1000000xf32, #tpu.memory_space<hbm>> -> memref<1x8x128xf32, #tpu.memory_space<hbm>>
      %dma_start3A_826 = tpu.memref_squeeze %dma_start3A_825 : memref<1x8x128xf32, #tpu.memory_space<hbm>> -> memref<8x128xf32, #tpu.memory_space<hbm>>
      %dma_start3A_827 = arith.constant 0 : i32
      %dma_start3A_828 = arith.constant 1536 : i32
      %dma_start3A_829 = tpu.memref_slice %arg11[%dma_start3A_827, %dma_start3A_828] : memref<16x2048xf32, #tpu.memory_space<vmem>> -> memref<8x128xf32, #tpu.memory_space<vmem>>
      %dma_start3A_830 = arith.constant 0 : i32
      %dma_start3A_831 = tpu.memref_slice %arg4[%dma_start3A_820, %dma_start3A_830, %multiple_of3A_812] : memref<2x8x1000000xf32, #tpu.memory_space<hbm>> -> memref<1x8x128xf32, #tpu.memory_space<hbm>>
      %dma_start3A_832 = tpu.memref_squeeze %dma_start3A_831 : memref<1x8x128xf32, #tpu.memory_space<hbm>> -> memref<8x128xf32, #tpu.memory_space<hbm>>
      tpu.enqueue_dma source(%dma_start3A_832 : memref<8x128xf32, #tpu.memory_space<hbm>>) target(%dma_start3A_829 : memref<8x128xf32, #tpu.memory_space<vmem>>) target_semaphore(%arg16 : memref<!tpu.dma_semaphore, #tpu.memory_space<semaphore_mem>>)
      %dma_start3A_833 = arith.constant 0 : i32
      %dma_start3A_834 = arith.constant 0 : i32
      %dma_start3A_835 = arith.constant 1536 : i32
      %dma_start3A_836 = tpu.memref_slice %arg12[%dma_start3A_834, %dma_start3A_835] : memref<16x2048xf32, #tpu.memory_space<vmem>> -> memref<8x128xf32, #tpu.memory_space<vmem>>
      %dma_start3A_837 = arith.constant 0 : i32
      %dma_start3A_838 = tpu.memref_slice %arg5[%dma_start3A_833, %dma_start3A_837, %multiple_of3A_819] : memref<2x8x1000000xf32, #tpu.memory_space<hbm>> -> memref<1x8x128xf32, #tpu.memory_space<hbm>>
      %dma_start3A_839 = tpu.memref_squeeze %dma_start3A_838 : memref<1x8x128xf32, #tpu.memory_space<hbm>> -> memref<8x128xf32, #tpu.memory_space<hbm>>
      %dma_start3A_840 = arith.constant 0 : i32
      %dma_start3A_841 = arith.constant 1536 : i32
      %dma_start3A_842 = tpu.memref_slice %arg12[%dma_start3A_840, %dma_start3A_841] : memref<16x2048xf32, #tpu.memory_space<vmem>> -> memref<8x128xf32, #tpu.memory_space<vmem>>
      %dma_start3A_843 = arith.constant 0 : i32
      %dma_start3A_844 = tpu.memref_slice %arg5[%dma_start3A_833, %dma_start3A_843, %multiple_of3A_819] : memref<2x8x1000000xf32, #tpu.memory_space<hbm>> -> memref<1x8x128xf32, #tpu.memory_space<hbm>>
      %dma_start3A_845 = tpu.memref_squeeze %dma_start3A_844 : memref<1x8x128xf32, #tpu.memory_space<hbm>> -> memref<8x128xf32, #tpu.memory_space<hbm>>
      tpu.enqueue_dma source(%dma_start3A_845 : memref<8x128xf32, #tpu.memory_space<hbm>>) target(%dma_start3A_842 : memref<8x128xf32, #tpu.memory_space<vmem>>) target_semaphore(%arg16 : memref<!tpu.dma_semaphore, #tpu.memory_space<semaphore_mem>>)
      %dma_start3A_846 = arith.constant 1 : i32
      %dma_start3A_847 = arith.constant 8 : i32
      %dma_start3A_848 = arith.constant 1536 : i32
      %dma_start3A_849 = tpu.memref_slice %arg11[%dma_start3A_847, %dma_start3A_848] : memref<16x2048xf32, #tpu.memory_space<vmem>> -> memref<8x128xf32, #tpu.memory_space<vmem>>
      %dma_start3A_850 = arith.constant 0 : i32
      %dma_start3A_851 = tpu.memref_slice %arg4[%dma_start3A_846, %dma_start3A_850, %multiple_of3A_812] : memref<2x8x1000000xf32, #tpu.memory_space<hbm>> -> memref<1x8x128xf32, #tpu.memory_space<hbm>>
      %dma_start3A_852 = tpu.memref_squeeze %dma_start3A_851 : memref<1x8x128xf32, #tpu.memory_space<hbm>> -> memref<8x128xf32, #tpu.memory_space<hbm>>
      %dma_start3A_853 = arith.constant 8 : i32
      %dma_start3A_854 = arith.constant 1536 : i32
      %dma_start3A_855 = tpu.memref_slice %arg11[%dma_start3A_853, %dma_start3A_854] : memref<16x2048xf32, #tpu.memory_space<vmem>> -> memref<8x128xf32, #tpu.memory_space<vmem>>
      %dma_start3A_856 = arith.constant 0 : i32
      %dma_start3A_857 = tpu.memref_slice %arg4[%dma_start3A_846, %dma_start3A_856, %multiple_of3A_812] : memref<2x8x1000000xf32, #tpu.memory_space<hbm>> -> memref<1x8x128xf32, #tpu.memory_space<hbm>>
      %dma_start3A_858 = tpu.memref_squeeze %dma_start3A_857 : memref<1x8x128xf32, #tpu.memory_space<hbm>> -> memref<8x128xf32, #tpu.memory_space<hbm>>
      tpu.enqueue_dma source(%dma_start3A_858 : memref<8x128xf32, #tpu.memory_space<hbm>>) target(%dma_start3A_855 : memref<8x128xf32, #tpu.memory_space<vmem>>) target_semaphore(%arg16 : memref<!tpu.dma_semaphore, #tpu.memory_space<semaphore_mem>>)
      %dma_start3A_859 = arith.constant 1 : i32
      %dma_start3A_860 = arith.constant 8 : i32
      %dma_start3A_861 = arith.constant 1536 : i32
      %dma_start3A_862 = tpu.memref_slice %arg12[%dma_start3A_860, %dma_start3A_861] : memref<16x2048xf32, #tpu.memory_space<vmem>> -> memref<8x128xf32, #tpu.memory_space<vmem>>
      %dma_start3A_863 = arith.constant 0 : i32
      %dma_start3A_864 = tpu.memref_slice %arg5[%dma_start3A_859, %dma_start3A_863, %multiple_of3A_819] : memref<2x8x1000000xf32, #tpu.memory_space<hbm>> -> memref<1x8x128xf32, #tpu.memory_space<hbm>>
      %dma_start3A_865 = tpu.memref_squeeze %dma_start3A_864 : memref<1x8x128xf32, #tpu.memory_space<hbm>> -> memref<8x128xf32, #tpu.memory_space<hbm>>
      %dma_start3A_866 = arith.constant 8 : i32
      %dma_start3A_867 = arith.constant 1536 : i32
      %dma_start3A_868 = tpu.memref_slice %arg12[%dma_start3A_866, %dma_start3A_867] : memref<16x2048xf32, #tpu.memory_space<vmem>> -> memref<8x128xf32, #tpu.memory_space<vmem>>
      %dma_start3A_869 = arith.constant 0 : i32
      %dma_start3A_870 = tpu.memref_slice %arg5[%dma_start3A_859, %dma_start3A_869, %multiple_of3A_819] : memref<2x8x1000000xf32, #tpu.memory_space<hbm>> -> memref<1x8x128xf32, #tpu.memory_space<hbm>>
      %dma_start3A_871 = tpu.memref_squeeze %dma_start3A_870 : memref<1x8x128xf32, #tpu.memory_space<hbm>> -> memref<8x128xf32, #tpu.memory_space<hbm>>
      tpu.enqueue_dma source(%dma_start3A_871 : memref<8x128xf32, #tpu.memory_space<hbm>>) target(%dma_start3A_868 : memref<8x128xf32, #tpu.memory_space<vmem>>) target_semaphore(%arg16 : memref<!tpu.dma_semaphore, #tpu.memory_space<semaphore_mem>>)
      %slice3A_872 = vector.extract_strided_slice %get3A_14 {offsets = [13], sizes = [1], strides = [1]} : vector<16xi32> to vector<1xi32>
      %squeeze3A_873 = vector.extract %slice3A_872[0] : i32 from vector<1xi32>
      %shift_right_arithmetic3A_874 = arith.constant 7 : i32
      %shift_right_arithmetic3A_875 = arith.shrsi %squeeze3A_873, %shift_right_arithmetic3A_874 : i32
      %mul3A_876 = arith.constant 128 : i32
      %mul3A_877 = arith.muli %shift_right_arithmetic3A_875, %mul3A_876 : i32
      %multiple_of3A_878 = tpu.assume_multiple %mul3A_877, 128 : i32
      %slice3A_879 = vector.extract_strided_slice %get3A_18 {offsets = [13], sizes = [1], strides = [1]} : vector<16xi32> to vector<1xi32>
      %squeeze3A_880 = vector.extract %slice3A_879[0] : i32 from vector<1xi32>
      %shift_right_arithmetic3A_881 = arith.constant 7 : i32
      %shift_right_arithmetic3A_882 = arith.shrsi %squeeze3A_880, %shift_right_arithmetic3A_881 : i32
      %mul3A_883 = arith.constant 128 : i32
      %mul3A_884 = arith.muli %shift_right_arithmetic3A_882, %mul3A_883 : i32
      %multiple_of3A_885 = tpu.assume_multiple %mul3A_884, 128 : i32
      %dma_start3A_886 = arith.constant 0 : i32
      %dma_start3A_887 = arith.constant 0 : i32
      %dma_start3A_888 = arith.constant 1664 : i32
      %dma_start3A_889 = tpu.memref_slice %arg11[%dma_start3A_887, %dma_start3A_888] : memref<16x2048xf32, #tpu.memory_space<vmem>> -> memref<8x128xf32, #tpu.memory_space<vmem>>
      %dma_start3A_890 = arith.constant 0 : i32
      %dma_start3A_891 = tpu.memref_slice %arg4[%dma_start3A_886, %dma_start3A_890, %multiple_of3A_878] : memref<2x8x1000000xf32, #tpu.memory_space<hbm>> -> memref<1x8x128xf32, #tpu.memory_space<hbm>>
      %dma_start3A_892 = tpu.memref_squeeze %dma_start3A_891 : memref<1x8x128xf32, #tpu.memory_space<hbm>> -> memref<8x128xf32, #tpu.memory_space<hbm>>
      %dma_start3A_893 = arith.constant 0 : i32
      %dma_start3A_894 = arith.constant 1664 : i32
      %dma_start3A_895 = tpu.memref_slice %arg11[%dma_start3A_893, %dma_start3A_894] : memref<16x2048xf32, #tpu.memory_space<vmem>> -> memref<8x128xf32, #tpu.memory_space<vmem>>
      %dma_start3A_896 = arith.constant 0 : i32
      %dma_start3A_897 = tpu.memref_slice %arg4[%dma_start3A_886, %dma_start3A_896, %multiple_of3A_878] : memref<2x8x1000000xf32, #tpu.memory_space<hbm>> -> memref<1x8x128xf32, #tpu.memory_space<hbm>>
      %dma_start3A_898 = tpu.memref_squeeze %dma_start3A_897 : memref<1x8x128xf32, #tpu.memory_space<hbm>> -> memref<8x128xf32, #tpu.memory_space<hbm>>
      tpu.enqueue_dma source(%dma_start3A_898 : memref<8x128xf32, #tpu.memory_space<hbm>>) target(%dma_start3A_895 : memref<8x128xf32, #tpu.memory_space<vmem>>) target_semaphore(%arg16 : memref<!tpu.dma_semaphore, #tpu.memory_space<semaphore_mem>>)
      %dma_start3A_899 = arith.constant 0 : i32
      %dma_start3A_900 = arith.constant 0 : i32
      %dma_start3A_901 = arith.constant 1664 : i32
      %dma_start3A_902 = tpu.memref_slice %arg12[%dma_start3A_900, %dma_start3A_901] : memref<16x2048xf32, #tpu.memory_space<vmem>> -> memref<8x128xf32, #tpu.memory_space<vmem>>
      %dma_start3A_903 = arith.constant 0 : i32
      %dma_start3A_904 = tpu.memref_slice %arg5[%dma_start3A_899, %dma_start3A_903, %multiple_of3A_885] : memref<2x8x1000000xf32, #tpu.memory_space<hbm>> -> memref<1x8x128xf32, #tpu.memory_space<hbm>>
      %dma_start3A_905 = tpu.memref_squeeze %dma_start3A_904 : memref<1x8x128xf32, #tpu.memory_space<hbm>> -> memref<8x128xf32, #tpu.memory_space<hbm>>
      %dma_start3A_906 = arith.constant 0 : i32
      %dma_start3A_907 = arith.constant 1664 : i32
      %dma_start3A_908 = tpu.memref_slice %arg12[%dma_start3A_906, %dma_start3A_907] : memref<16x2048xf32, #tpu.memory_space<vmem>> -> memref<8x128xf32, #tpu.memory_space<vmem>>
      %dma_start3A_909 = arith.constant 0 : i32
      %dma_start3A_910 = tpu.memref_slice %arg5[%dma_start3A_899, %dma_start3A_909, %multiple_of3A_885] : memref<2x8x1000000xf32, #tpu.memory_space<hbm>> -> memref<1x8x128xf32, #tpu.memory_space<hbm>>
      %dma_start3A_911 = tpu.memref_squeeze %dma_start3A_910 : memref<1x8x128xf32, #tpu.memory_space<hbm>> -> memref<8x128xf32, #tpu.memory_space<hbm>>
      tpu.enqueue_dma source(%dma_start3A_911 : memref<8x128xf32, #tpu.memory_space<hbm>>) target(%dma_start3A_908 : memref<8x128xf32, #tpu.memory_space<vmem>>) target_semaphore(%arg16 : memref<!tpu.dma_semaphore, #tpu.memory_space<semaphore_mem>>)
      %dma_start3A_912 = arith.constant 1 : i32
      %dma_start3A_913 = arith.constant 8 : i32
      %dma_start3A_914 = arith.constant 1664 : i32
      %dma_start3A_915 = tpu.memref_slice %arg11[%dma_start3A_913, %dma_start3A_914] : memref<16x2048xf32, #tpu.memory_space<vmem>> -> memref<8x128xf32, #tpu.memory_space<vmem>>
      %dma_start3A_916 = arith.constant 0 : i32
      %dma_start3A_917 = tpu.memref_slice %arg4[%dma_start3A_912, %dma_start3A_916, %multiple_of3A_878] : memref<2x8x1000000xf32, #tpu.memory_space<hbm>> -> memref<1x8x128xf32, #tpu.memory_space<hbm>>
      %dma_start3A_918 = tpu.memref_squeeze %dma_start3A_917 : memref<1x8x128xf32, #tpu.memory_space<hbm>> -> memref<8x128xf32, #tpu.memory_space<hbm>>
      %dma_start3A_919 = arith.constant 8 : i32
      %dma_start3A_920 = arith.constant 1664 : i32
      %dma_start3A_921 = tpu.memref_slice %arg11[%dma_start3A_919, %dma_start3A_920] : memref<16x2048xf32, #tpu.memory_space<vmem>> -> memref<8x128xf32, #tpu.memory_space<vmem>>
      %dma_start3A_922 = arith.constant 0 : i32
      %dma_start3A_923 = tpu.memref_slice %arg4[%dma_start3A_912, %dma_start3A_922, %multiple_of3A_878] : memref<2x8x1000000xf32, #tpu.memory_space<hbm>> -> memref<1x8x128xf32, #tpu.memory_space<hbm>>
      %dma_start3A_924 = tpu.memref_squeeze %dma_start3A_923 : memref<1x8x128xf32, #tpu.memory_space<hbm>> -> memref<8x128xf32, #tpu.memory_space<hbm>>
      tpu.enqueue_dma source(%dma_start3A_924 : memref<8x128xf32, #tpu.memory_space<hbm>>) target(%dma_start3A_921 : memref<8x128xf32, #tpu.memory_space<vmem>>) target_semaphore(%arg16 : memref<!tpu.dma_semaphore, #tpu.memory_space<semaphore_mem>>)
      %dma_start3A_925 = arith.constant 1 : i32
      %dma_start3A_926 = arith.constant 8 : i32
      %dma_start3A_927 = arith.constant 1664 : i32
      %dma_start3A_928 = tpu.memref_slice %arg12[%dma_start3A_926, %dma_start3A_927] : memref<16x2048xf32, #tpu.memory_space<vmem>> -> memref<8x128xf32, #tpu.memory_space<vmem>>
      %dma_start3A_929 = arith.constant 0 : i32
      %dma_start3A_930 = tpu.memref_slice %arg5[%dma_start3A_925, %dma_start3A_929, %multiple_of3A_885] : memref<2x8x1000000xf32, #tpu.memory_space<hbm>> -> memref<1x8x128xf32, #tpu.memory_space<hbm>>
      %dma_start3A_931 = tpu.memref_squeeze %dma_start3A_930 : memref<1x8x128xf32, #tpu.memory_space<hbm>> -> memref<8x128xf32, #tpu.memory_space<hbm>>
      %dma_start3A_932 = arith.constant 8 : i32
      %dma_start3A_933 = arith.constant 1664 : i32
      %dma_start3A_934 = tpu.memref_slice %arg12[%dma_start3A_932, %dma_start3A_933] : memref<16x2048xf32, #tpu.memory_space<vmem>> -> memref<8x128xf32, #tpu.memory_space<vmem>>
      %dma_start3A_935 = arith.constant 0 : i32
      %dma_start3A_936 = tpu.memref_slice %arg5[%dma_start3A_925, %dma_start3A_935, %multiple_of3A_885] : memref<2x8x1000000xf32, #tpu.memory_space<hbm>> -> memref<1x8x128xf32, #tpu.memory_space<hbm>>
      %dma_start3A_937 = tpu.memref_squeeze %dma_start3A_936 : memref<1x8x128xf32, #tpu.memory_space<hbm>> -> memref<8x128xf32, #tpu.memory_space<hbm>>
      tpu.enqueue_dma source(%dma_start3A_937 : memref<8x128xf32, #tpu.memory_space<hbm>>) target(%dma_start3A_934 : memref<8x128xf32, #tpu.memory_space<vmem>>) target_semaphore(%arg16 : memref<!tpu.dma_semaphore, #tpu.memory_space<semaphore_mem>>)
      %slice3A_938 = vector.extract_strided_slice %get3A_14 {offsets = [14], sizes = [1], strides = [1]} : vector<16xi32> to vector<1xi32>
      %squeeze3A_939 = vector.extract %slice3A_938[0] : i32 from vector<1xi32>
      %shift_right_arithmetic3A_940 = arith.constant 7 : i32
      %shift_right_arithmetic3A_941 = arith.shrsi %squeeze3A_939, %shift_right_arithmetic3A_940 : i32
      %mul3A_942 = arith.constant 128 : i32
      %mul3A_943 = arith.muli %shift_right_arithmetic3A_941, %mul3A_942 : i32
      %multiple_of3A_944 = tpu.assume_multiple %mul3A_943, 128 : i32
      %slice3A_945 = vector.extract_strided_slice %get3A_18 {offsets = [14], sizes = [1], strides = [1]} : vector<16xi32> to vector<1xi32>
      %squeeze3A_946 = vector.extract %slice3A_945[0] : i32 from vector<1xi32>
      %shift_right_arithmetic3A_947 = arith.constant 7 : i32
      %shift_right_arithmetic3A_948 = arith.shrsi %squeeze3A_946, %shift_right_arithmetic3A_947 : i32
      %mul3A_949 = arith.constant 128 : i32
      %mul3A_950 = arith.muli %shift_right_arithmetic3A_948, %mul3A_949 : i32
      %multiple_of3A_951 = tpu.assume_multiple %mul3A_950, 128 : i32
      %dma_start3A_952 = arith.constant 0 : i32
      %dma_start3A_953 = arith.constant 0 : i32
      %dma_start3A_954 = arith.constant 1792 : i32
      %dma_start3A_955 = tpu.memref_slice %arg11[%dma_start3A_953, %dma_start3A_954] : memref<16x2048xf32, #tpu.memory_space<vmem>> -> memref<8x128xf32, #tpu.memory_space<vmem>>
      %dma_start3A_956 = arith.constant 0 : i32
      %dma_start3A_957 = tpu.memref_slice %arg4[%dma_start3A_952, %dma_start3A_956, %multiple_of3A_944] : memref<2x8x1000000xf32, #tpu.memory_space<hbm>> -> memref<1x8x128xf32, #tpu.memory_space<hbm>>
      %dma_start3A_958 = tpu.memref_squeeze %dma_start3A_957 : memref<1x8x128xf32, #tpu.memory_space<hbm>> -> memref<8x128xf32, #tpu.memory_space<hbm>>
      %dma_start3A_959 = arith.constant 0 : i32
      %dma_start3A_960 = arith.constant 1792 : i32
      %dma_start3A_961 = tpu.memref_slice %arg11[%dma_start3A_959, %dma_start3A_960] : memref<16x2048xf32, #tpu.memory_space<vmem>> -> memref<8x128xf32, #tpu.memory_space<vmem>>
      %dma_start3A_962 = arith.constant 0 : i32
      %dma_start3A_963 = tpu.memref_slice %arg4[%dma_start3A_952, %dma_start3A_962, %multiple_of3A_944] : memref<2x8x1000000xf32, #tpu.memory_space<hbm>> -> memref<1x8x128xf32, #tpu.memory_space<hbm>>
      %dma_start3A_964 = tpu.memref_squeeze %dma_start3A_963 : memref<1x8x128xf32, #tpu.memory_space<hbm>> -> memref<8x128xf32, #tpu.memory_space<hbm>>
      tpu.enqueue_dma source(%dma_start3A_964 : memref<8x128xf32, #tpu.memory_space<hbm>>) target(%dma_start3A_961 : memref<8x128xf32, #tpu.memory_space<vmem>>) target_semaphore(%arg16 : memref<!tpu.dma_semaphore, #tpu.memory_space<semaphore_mem>>)
      %dma_start3A_965 = arith.constant 0 : i32
      %dma_start3A_966 = arith.constant 0 : i32
      %dma_start3A_967 = arith.constant 1792 : i32
      %dma_start3A_968 = tpu.memref_slice %arg12[%dma_start3A_966, %dma_start3A_967] : memref<16x2048xf32, #tpu.memory_space<vmem>> -> memref<8x128xf32, #tpu.memory_space<vmem>>
      %dma_start3A_969 = arith.constant 0 : i32
      %dma_start3A_970 = tpu.memref_slice %arg5[%dma_start3A_965, %dma_start3A_969, %multiple_of3A_951] : memref<2x8x1000000xf32, #tpu.memory_space<hbm>> -> memref<1x8x128xf32, #tpu.memory_space<hbm>>
      %dma_start3A_971 = tpu.memref_squeeze %dma_start3A_970 : memref<1x8x128xf32, #tpu.memory_space<hbm>> -> memref<8x128xf32, #tpu.memory_space<hbm>>
      %dma_start3A_972 = arith.constant 0 : i32
      %dma_start3A_973 = arith.constant 1792 : i32
      %dma_start3A_974 = tpu.memref_slice %arg12[%dma_start3A_972, %dma_start3A_973] : memref<16x2048xf32, #tpu.memory_space<vmem>> -> memref<8x128xf32, #tpu.memory_space<vmem>>
      %dma_start3A_975 = arith.constant 0 : i32
      %dma_start3A_976 = tpu.memref_slice %arg5[%dma_start3A_965, %dma_start3A_975, %multiple_of3A_951] : memref<2x8x1000000xf32, #tpu.memory_space<hbm>> -> memref<1x8x128xf32, #tpu.memory_space<hbm>>
      %dma_start3A_977 = tpu.memref_squeeze %dma_start3A_976 : memref<1x8x128xf32, #tpu.memory_space<hbm>> -> memref<8x128xf32, #tpu.memory_space<hbm>>
      tpu.enqueue_dma source(%dma_start3A_977 : memref<8x128xf32, #tpu.memory_space<hbm>>) target(%dma_start3A_974 : memref<8x128xf32, #tpu.memory_space<vmem>>) target_semaphore(%arg16 : memref<!tpu.dma_semaphore, #tpu.memory_space<semaphore_mem>>)
      %dma_start3A_978 = arith.constant 1 : i32
      %dma_start3A_979 = arith.constant 8 : i32
      %dma_start3A_980 = arith.constant 1792 : i32
      %dma_start3A_981 = tpu.memref_slice %arg11[%dma_start3A_979, %dma_start3A_980] : memref<16x2048xf32, #tpu.memory_space<vmem>> -> memref<8x128xf32, #tpu.memory_space<vmem>>
      %dma_start3A_982 = arith.constant 0 : i32
      %dma_start3A_983 = tpu.memref_slice %arg4[%dma_start3A_978, %dma_start3A_982, %multiple_of3A_944] : memref<2x8x1000000xf32, #tpu.memory_space<hbm>> -> memref<1x8x128xf32, #tpu.memory_space<hbm>>
      %dma_start3A_984 = tpu.memref_squeeze %dma_start3A_983 : memref<1x8x128xf32, #tpu.memory_space<hbm>> -> memref<8x128xf32, #tpu.memory_space<hbm>>
      %dma_start3A_985 = arith.constant 8 : i32
      %dma_start3A_986 = arith.constant 1792 : i32
      %dma_start3A_987 = tpu.memref_slice %arg11[%dma_start3A_985, %dma_start3A_986] : memref<16x2048xf32, #tpu.memory_space<vmem>> -> memref<8x128xf32, #tpu.memory_space<vmem>>
      %dma_start3A_988 = arith.constant 0 : i32
      %dma_start3A_989 = tpu.memref_slice %arg4[%dma_start3A_978, %dma_start3A_988, %multiple_of3A_944] : memref<2x8x1000000xf32, #tpu.memory_space<hbm>> -> memref<1x8x128xf32, #tpu.memory_space<hbm>>
      %dma_start3A_990 = tpu.memref_squeeze %dma_start3A_989 : memref<1x8x128xf32, #tpu.memory_space<hbm>> -> memref<8x128xf32, #tpu.memory_space<hbm>>
      tpu.enqueue_dma source(%dma_start3A_990 : memref<8x128xf32, #tpu.memory_space<hbm>>) target(%dma_start3A_987 : memref<8x128xf32, #tpu.memory_space<vmem>>) target_semaphore(%arg16 : memref<!tpu.dma_semaphore, #tpu.memory_space<semaphore_mem>>)
      %dma_start3A_991 = arith.constant 1 : i32
      %dma_start3A_992 = arith.constant 8 : i32
      %dma_start3A_993 = arith.constant 1792 : i32
      %dma_start3A_994 = tpu.memref_slice %arg12[%dma_start3A_992, %dma_start3A_993] : memref<16x2048xf32, #tpu.memory_space<vmem>> -> memref<8x128xf32, #tpu.memory_space<vmem>>
      %dma_start3A_995 = arith.constant 0 : i32
      %dma_start3A_996 = tpu.memref_slice %arg5[%dma_start3A_991, %dma_start3A_995, %multiple_of3A_951] : memref<2x8x1000000xf32, #tpu.memory_space<hbm>> -> memref<1x8x128xf32, #tpu.memory_space<hbm>>
      %dma_start3A_997 = tpu.memref_squeeze %dma_start3A_996 : memref<1x8x128xf32, #tpu.memory_space<hbm>> -> memref<8x128xf32, #tpu.memory_space<hbm>>
      %dma_start3A_998 = arith.constant 8 : i32
      %dma_start3A_999 = arith.constant 1792 : i32
      %dma_start3A_1000 = tpu.memref_slice %arg12[%dma_start3A_998, %dma_start3A_999] : memref<16x2048xf32, #tpu.memory_space<vmem>> -> memref<8x128xf32, #tpu.memory_space<vmem>>
      %dma_start3A_1001 = arith.constant 0 : i32
      %dma_start3A_1002 = tpu.memref_slice %arg5[%dma_start3A_991, %dma_start3A_1001, %multiple_of3A_951] : memref<2x8x1000000xf32, #tpu.memory_space<hbm>> -> memref<1x8x128xf32, #tpu.memory_space<hbm>>
      %dma_start3A_1003 = tpu.memref_squeeze %dma_start3A_1002 : memref<1x8x128xf32, #tpu.memory_space<hbm>> -> memref<8x128xf32, #tpu.memory_space<hbm>>
      tpu.enqueue_dma source(%dma_start3A_1003 : memref<8x128xf32, #tpu.memory_space<hbm>>) target(%dma_start3A_1000 : memref<8x128xf32, #tpu.memory_space<vmem>>) target_semaphore(%arg16 : memref<!tpu.dma_semaphore, #tpu.memory_space<semaphore_mem>>)
      %slice3A_1004 = vector.extract_strided_slice %get3A_14 {offsets = [15], sizes = [1], strides = [1]} : vector<16xi32> to vector<1xi32>
      %squeeze3A_1005 = vector.extract %slice3A_1004[0] : i32 from vector<1xi32>
      %shift_right_arithmetic3A_1006 = arith.constant 7 : i32
      %shift_right_arithmetic3A_1007 = arith.shrsi %squeeze3A_1005, %shift_right_arithmetic3A_1006 : i32
      %mul3A_1008 = arith.constant 128 : i32
      %mul3A_1009 = arith.muli %shift_right_arithmetic3A_1007, %mul3A_1008 : i32
      %multiple_of3A_1010 = tpu.assume_multiple %mul3A_1009, 128 : i32
      %slice3A_1011 = vector.extract_strided_slice %get3A_18 {offsets = [15], sizes = [1], strides = [1]} : vector<16xi32> to vector<1xi32>
      %squeeze3A_1012 = vector.extract %slice3A_1011[0] : i32 from vector<1xi32>
      %shift_right_arithmetic3A_1013 = arith.constant 7 : i32
      %shift_right_arithmetic3A_1014 = arith.shrsi %squeeze3A_1012, %shift_right_arithmetic3A_1013 : i32
      %mul3A_1015 = arith.constant 128 : i32
      %mul3A_1016 = arith.muli %shift_right_arithmetic3A_1014, %mul3A_1015 : i32
      %multiple_of3A_1017 = tpu.assume_multiple %mul3A_1016, 128 : i32
      %dma_start3A_1018 = arith.constant 0 : i32
      %dma_start3A_1019 = arith.constant 0 : i32
      %dma_start3A_1020 = arith.constant 1920 : i32
      %dma_start3A_1021 = tpu.memref_slice %arg11[%dma_start3A_1019, %dma_start3A_1020] : memref<16x2048xf32, #tpu.memory_space<vmem>> -> memref<8x128xf32, #tpu.memory_space<vmem>>
      %dma_start3A_1022 = arith.constant 0 : i32
      %dma_start3A_1023 = tpu.memref_slice %arg4[%dma_start3A_1018, %dma_start3A_1022, %multiple_of3A_1010] : memref<2x8x1000000xf32, #tpu.memory_space<hbm>> -> memref<1x8x128xf32, #tpu.memory_space<hbm>>
      %dma_start3A_1024 = tpu.memref_squeeze %dma_start3A_1023 : memref<1x8x128xf32, #tpu.memory_space<hbm>> -> memref<8x128xf32, #tpu.memory_space<hbm>>
      %dma_start3A_1025 = arith.constant 0 : i32
      %dma_start3A_1026 = arith.constant 1920 : i32
      %dma_start3A_1027 = tpu.memref_slice %arg11[%dma_start3A_1025, %dma_start3A_1026] : memref<16x2048xf32, #tpu.memory_space<vmem>> -> memref<8x128xf32, #tpu.memory_space<vmem>>
      %dma_start3A_1028 = arith.constant 0 : i32
      %dma_start3A_1029 = tpu.memref_slice %arg4[%dma_start3A_1018, %dma_start3A_1028, %multiple_of3A_1010] : memref<2x8x1000000xf32, #tpu.memory_space<hbm>> -> memref<1x8x128xf32, #tpu.memory_space<hbm>>
      %dma_start3A_1030 = tpu.memref_squeeze %dma_start3A_1029 : memref<1x8x128xf32, #tpu.memory_space<hbm>> -> memref<8x128xf32, #tpu.memory_space<hbm>>
      tpu.enqueue_dma source(%dma_start3A_1030 : memref<8x128xf32, #tpu.memory_space<hbm>>) target(%dma_start3A_1027 : memref<8x128xf32, #tpu.memory_space<vmem>>) target_semaphore(%arg16 : memref<!tpu.dma_semaphore, #tpu.memory_space<semaphore_mem>>)
      %dma_start3A_1031 = arith.constant 0 : i32
      %dma_start3A_1032 = arith.constant 0 : i32
      %dma_start3A_1033 = arith.constant 1920 : i32
      %dma_start3A_1034 = tpu.memref_slice %arg12[%dma_start3A_1032, %dma_start3A_1033] : memref<16x2048xf32, #tpu.memory_space<vmem>> -> memref<8x128xf32, #tpu.memory_space<vmem>>
      %dma_start3A_1035 = arith.constant 0 : i32
      %dma_start3A_1036 = tpu.memref_slice %arg5[%dma_start3A_1031, %dma_start3A_1035, %multiple_of3A_1017] : memref<2x8x1000000xf32, #tpu.memory_space<hbm>> -> memref<1x8x128xf32, #tpu.memory_space<hbm>>
      %dma_start3A_1037 = tpu.memref_squeeze %dma_start3A_1036 : memref<1x8x128xf32, #tpu.memory_space<hbm>> -> memref<8x128xf32, #tpu.memory_space<hbm>>
      %dma_start3A_1038 = arith.constant 0 : i32
      %dma_start3A_1039 = arith.constant 1920 : i32
      %dma_start3A_1040 = tpu.memref_slice %arg12[%dma_start3A_1038, %dma_start3A_1039] : memref<16x2048xf32, #tpu.memory_space<vmem>> -> memref<8x128xf32, #tpu.memory_space<vmem>>
      %dma_start3A_1041 = arith.constant 0 : i32
      %dma_start3A_1042 = tpu.memref_slice %arg5[%dma_start3A_1031, %dma_start3A_1041, %multiple_of3A_1017] : memref<2x8x1000000xf32, #tpu.memory_space<hbm>> -> memref<1x8x128xf32, #tpu.memory_space<hbm>>
      %dma_start3A_1043 = tpu.memref_squeeze %dma_start3A_1042 : memref<1x8x128xf32, #tpu.memory_space<hbm>> -> memref<8x128xf32, #tpu.memory_space<hbm>>
      tpu.enqueue_dma source(%dma_start3A_1043 : memref<8x128xf32, #tpu.memory_space<hbm>>) target(%dma_start3A_1040 : memref<8x128xf32, #tpu.memory_space<vmem>>) target_semaphore(%arg16 : memref<!tpu.dma_semaphore, #tpu.memory_space<semaphore_mem>>)
      %dma_start3A_1044 = arith.constant 1 : i32
      %dma_start3A_1045 = arith.constant 8 : i32
      %dma_start3A_1046 = arith.constant 1920 : i32
      %dma_start3A_1047 = tpu.memref_slice %arg11[%dma_start3A_1045, %dma_start3A_1046] : memref<16x2048xf32, #tpu.memory_space<vmem>> -> memref<8x128xf32, #tpu.memory_space<vmem>>
      %dma_start3A_1048 = arith.constant 0 : i32
      %dma_start3A_1049 = tpu.memref_slice %arg4[%dma_start3A_1044, %dma_start3A_1048, %multiple_of3A_1010] : memref<2x8x1000000xf32, #tpu.memory_space<hbm>> -> memref<1x8x128xf32, #tpu.memory_space<hbm>>
      %dma_start3A_1050 = tpu.memref_squeeze %dma_start3A_1049 : memref<1x8x128xf32, #tpu.memory_space<hbm>> -> memref<8x128xf32, #tpu.memory_space<hbm>>
      %dma_start3A_1051 = arith.constant 8 : i32
      %dma_start3A_1052 = arith.constant 1920 : i32
      %dma_start3A_1053 = tpu.memref_slice %arg11[%dma_start3A_1051, %dma_start3A_1052] : memref<16x2048xf32, #tpu.memory_space<vmem>> -> memref<8x128xf32, #tpu.memory_space<vmem>>
      %dma_start3A_1054 = arith.constant 0 : i32
      %dma_start3A_1055 = tpu.memref_slice %arg4[%dma_start3A_1044, %dma_start3A_1054, %multiple_of3A_1010] : memref<2x8x1000000xf32, #tpu.memory_space<hbm>> -> memref<1x8x128xf32, #tpu.memory_space<hbm>>
      %dma_start3A_1056 = tpu.memref_squeeze %dma_start3A_1055 : memref<1x8x128xf32, #tpu.memory_space<hbm>> -> memref<8x128xf32, #tpu.memory_space<hbm>>
      tpu.enqueue_dma source(%dma_start3A_1056 : memref<8x128xf32, #tpu.memory_space<hbm>>) target(%dma_start3A_1053 : memref<8x128xf32, #tpu.memory_space<vmem>>) target_semaphore(%arg16 : memref<!tpu.dma_semaphore, #tpu.memory_space<semaphore_mem>>)
      %dma_start3A_1057 = arith.constant 1 : i32
      %dma_start3A_1058 = arith.constant 8 : i32
      %dma_start3A_1059 = arith.constant 1920 : i32
      %dma_start3A_1060 = tpu.memref_slice %arg12[%dma_start3A_1058, %dma_start3A_1059] : memref<16x2048xf32, #tpu.memory_space<vmem>> -> memref<8x128xf32, #tpu.memory_space<vmem>>
      %dma_start3A_1061 = arith.constant 0 : i32
      %dma_start3A_1062 = tpu.memref_slice %arg5[%dma_start3A_1057, %dma_start3A_1061, %multiple_of3A_1017] : memref<2x8x1000000xf32, #tpu.memory_space<hbm>> -> memref<1x8x128xf32, #tpu.memory_space<hbm>>
      %dma_start3A_1063 = tpu.memref_squeeze %dma_start3A_1062 : memref<1x8x128xf32, #tpu.memory_space<hbm>> -> memref<8x128xf32, #tpu.memory_space<hbm>>
      %dma_start3A_1064 = arith.constant 8 : i32
      %dma_start3A_1065 = arith.constant 1920 : i32
      %dma_start3A_1066 = tpu.memref_slice %arg12[%dma_start3A_1064, %dma_start3A_1065] : memref<16x2048xf32, #tpu.memory_space<vmem>> -> memref<8x128xf32, #tpu.memory_space<vmem>>
      %dma_start3A_1067 = arith.constant 0 : i32
      %dma_start3A_1068 = tpu.memref_slice %arg5[%dma_start3A_1057, %dma_start3A_1067, %multiple_of3A_1017] : memref<2x8x1000000xf32, #tpu.memory_space<hbm>> -> memref<1x8x128xf32, #tpu.memory_space<hbm>>
      %dma_start3A_1069 = tpu.memref_squeeze %dma_start3A_1068 : memref<1x8x128xf32, #tpu.memory_space<hbm>> -> memref<8x128xf32, #tpu.memory_space<hbm>>
      tpu.enqueue_dma source(%dma_start3A_1069 : memref<8x128xf32, #tpu.memory_space<hbm>>) target(%dma_start3A_1066 : memref<8x128xf32, #tpu.memory_space<vmem>>) target_semaphore(%arg16 : memref<!tpu.dma_semaphore, #tpu.memory_space<semaphore_mem>>)
      %dma_wait3A = arith.constant 0 : i32
      %dma_wait3A_1070 = arith.constant 0 : i32
      %dma_wait3A_1071 = arith.constant 0 : i32
      %dma_wait3A_1072 = tpu.memref_slice %arg11[%dma_wait3A_1070, %dma_wait3A_1071] : memref<16x2048xf32, #tpu.memory_space<vmem>> -> memref<8x2048xf32, #tpu.memory_space<vmem>>
      %dma_wait3A_1073 = arith.constant 0 : i32
      %dma_wait3A_1074 = arith.constant 0 : i32
      %dma_wait3A_1075 = tpu.memref_slice %arg4[%dma_wait3A, %dma_wait3A_1073, %dma_wait3A_1074] : memref<2x8x1000000xf32, #tpu.memory_space<hbm>> -> memref<1x8x2048xf32, #tpu.memory_space<hbm>>
      %dma_wait3A_1076 = tpu.memref_squeeze %dma_wait3A_1075 : memref<1x8x2048xf32, #tpu.memory_space<hbm>> -> memref<8x2048xf32, #tpu.memory_space<hbm>>
      %dma_wait3A_1077 = arith.constant 0 : i32
      %dma_wait3A_1078 = arith.constant 0 : i32
      %dma_wait3A_1079 = tpu.memref_slice %arg11[%dma_wait3A_1077, %dma_wait3A_1078] : memref<16x2048xf32, #tpu.memory_space<vmem>> -> memref<8x2048xf32, #tpu.memory_space<vmem>>
      %dma_wait3A_1080 = arith.constant 0 : i32
      %dma_wait3A_1081 = arith.constant 0 : i32
      %dma_wait3A_1082 = tpu.memref_slice %arg4[%dma_wait3A, %dma_wait3A_1080, %dma_wait3A_1081] : memref<2x8x1000000xf32, #tpu.memory_space<hbm>> -> memref<1x8x2048xf32, #tpu.memory_space<hbm>>
      %dma_wait3A_1083 = tpu.memref_squeeze %dma_wait3A_1082 : memref<1x8x2048xf32, #tpu.memory_space<hbm>> -> memref<8x2048xf32, #tpu.memory_space<hbm>>
      tpu.wait_dma2 semaphore(%arg16 : memref<!tpu.dma_semaphore, #tpu.memory_space<semaphore_mem>>) src(%dma_wait3A_1083 : memref<8x2048xf32, #tpu.memory_space<hbm>>) dst(%dma_wait3A_1079 : memref<8x2048xf32, #tpu.memory_space<vmem>>)
      %dma_wait3A_1084 = arith.constant 0 : i32
      %dma_wait3A_1085 = arith.constant 8 : i32
      %dma_wait3A_1086 = arith.constant 0 : i32
      %dma_wait3A_1087 = tpu.memref_slice %arg11[%dma_wait3A_1085, %dma_wait3A_1086] : memref<16x2048xf32, #tpu.memory_space<vmem>> -> memref<8x2048xf32, #tpu.memory_space<vmem>>
      %dma_wait3A_1088 = arith.constant 0 : i32
      %dma_wait3A_1089 = arith.constant 0 : i32
      %dma_wait3A_1090 = tpu.memref_slice %arg4[%dma_wait3A_1084, %dma_wait3A_1088, %dma_wait3A_1089] : memref<2x8x1000000xf32, #tpu.memory_space<hbm>> -> memref<1x8x2048xf32, #tpu.memory_space<hbm>>
      %dma_wait3A_1091 = tpu.memref_squeeze %dma_wait3A_1090 : memref<1x8x2048xf32, #tpu.memory_space<hbm>> -> memref<8x2048xf32, #tpu.memory_space<hbm>>
      %dma_wait3A_1092 = arith.constant 8 : i32
      %dma_wait3A_1093 = arith.constant 0 : i32
      %dma_wait3A_1094 = tpu.memref_slice %arg11[%dma_wait3A_1092, %dma_wait3A_1093] : memref<16x2048xf32, #tpu.memory_space<vmem>> -> memref<8x2048xf32, #tpu.memory_space<vmem>>
      %dma_wait3A_1095 = arith.constant 0 : i32
      %dma_wait3A_1096 = arith.constant 0 : i32
      %dma_wait3A_1097 = tpu.memref_slice %arg4[%dma_wait3A_1084, %dma_wait3A_1095, %dma_wait3A_1096] : memref<2x8x1000000xf32, #tpu.memory_space<hbm>> -> memref<1x8x2048xf32, #tpu.memory_space<hbm>>
      %dma_wait3A_1098 = tpu.memref_squeeze %dma_wait3A_1097 : memref<1x8x2048xf32, #tpu.memory_space<hbm>> -> memref<8x2048xf32, #tpu.memory_space<hbm>>
      tpu.wait_dma2 semaphore(%arg16 : memref<!tpu.dma_semaphore, #tpu.memory_space<semaphore_mem>>) src(%dma_wait3A_1098 : memref<8x2048xf32, #tpu.memory_space<hbm>>) dst(%dma_wait3A_1094 : memref<8x2048xf32, #tpu.memory_space<vmem>>)
      %dma_wait3A_1099 = arith.constant 0 : i32
      %dma_wait3A_1100 = arith.constant 0 : i32
      %dma_wait3A_1101 = arith.constant 0 : i32
      %dma_wait3A_1102 = tpu.memref_slice %arg12[%dma_wait3A_1100, %dma_wait3A_1101] : memref<16x2048xf32, #tpu.memory_space<vmem>> -> memref<8x2048xf32, #tpu.memory_space<vmem>>
      %dma_wait3A_1103 = arith.constant 0 : i32
      %dma_wait3A_1104 = arith.constant 0 : i32
      %dma_wait3A_1105 = tpu.memref_slice %arg4[%dma_wait3A_1099, %dma_wait3A_1103, %dma_wait3A_1104] : memref<2x8x1000000xf32, #tpu.memory_space<hbm>> -> memref<1x8x2048xf32, #tpu.memory_space<hbm>>
      %dma_wait3A_1106 = tpu.memref_squeeze %dma_wait3A_1105 : memref<1x8x2048xf32, #tpu.memory_space<hbm>> -> memref<8x2048xf32, #tpu.memory_space<hbm>>
      %dma_wait3A_1107 = arith.constant 0 : i32
      %dma_wait3A_1108 = arith.constant 0 : i32
      %dma_wait3A_1109 = tpu.memref_slice %arg12[%dma_wait3A_1107, %dma_wait3A_1108] : memref<16x2048xf32, #tpu.memory_space<vmem>> -> memref<8x2048xf32, #tpu.memory_space<vmem>>
      %dma_wait3A_1110 = arith.constant 0 : i32
      %dma_wait3A_1111 = arith.constant 0 : i32
      %dma_wait3A_1112 = tpu.memref_slice %arg4[%dma_wait3A_1099, %dma_wait3A_1110, %dma_wait3A_1111] : memref<2x8x1000000xf32, #tpu.memory_space<hbm>> -> memref<1x8x2048xf32, #tpu.memory_space<hbm>>
      %dma_wait3A_1113 = tpu.memref_squeeze %dma_wait3A_1112 : memref<1x8x2048xf32, #tpu.memory_space<hbm>> -> memref<8x2048xf32, #tpu.memory_space<hbm>>
      tpu.wait_dma2 semaphore(%arg16 : memref<!tpu.dma_semaphore, #tpu.memory_space<semaphore_mem>>) src(%dma_wait3A_1113 : memref<8x2048xf32, #tpu.memory_space<hbm>>) dst(%dma_wait3A_1109 : memref<8x2048xf32, #tpu.memory_space<vmem>>)
      %dma_wait3A_1114 = arith.constant 0 : i32
      %dma_wait3A_1115 = arith.constant 8 : i32
      %dma_wait3A_1116 = arith.constant 0 : i32
      %dma_wait3A_1117 = tpu.memref_slice %arg12[%dma_wait3A_1115, %dma_wait3A_1116] : memref<16x2048xf32, #tpu.memory_space<vmem>> -> memref<8x2048xf32, #tpu.memory_space<vmem>>
      %dma_wait3A_1118 = arith.constant 0 : i32
      %dma_wait3A_1119 = arith.constant 0 : i32
      %dma_wait3A_1120 = tpu.memref_slice %arg4[%dma_wait3A_1114, %dma_wait3A_1118, %dma_wait3A_1119] : memref<2x8x1000000xf32, #tpu.memory_space<hbm>> -> memref<1x8x2048xf32, #tpu.memory_space<hbm>>
      %dma_wait3A_1121 = tpu.memref_squeeze %dma_wait3A_1120 : memref<1x8x2048xf32, #tpu.memory_space<hbm>> -> memref<8x2048xf32, #tpu.memory_space<hbm>>
      %dma_wait3A_1122 = arith.constant 8 : i32
      %dma_wait3A_1123 = arith.constant 0 : i32
      %dma_wait3A_1124 = tpu.memref_slice %arg12[%dma_wait3A_1122, %dma_wait3A_1123] : memref<16x2048xf32, #tpu.memory_space<vmem>> -> memref<8x2048xf32, #tpu.memory_space<vmem>>
      %dma_wait3A_1125 = arith.constant 0 : i32
      %dma_wait3A_1126 = arith.constant 0 : i32
      %dma_wait3A_1127 = tpu.memref_slice %arg4[%dma_wait3A_1114, %dma_wait3A_1125, %dma_wait3A_1126] : memref<2x8x1000000xf32, #tpu.memory_space<hbm>> -> memref<1x8x2048xf32, #tpu.memory_space<hbm>>
      %dma_wait3A_1128 = tpu.memref_squeeze %dma_wait3A_1127 : memref<1x8x2048xf32, #tpu.memory_space<hbm>> -> memref<8x2048xf32, #tpu.memory_space<hbm>>
      tpu.wait_dma2 semaphore(%arg16 : memref<!tpu.dma_semaphore, #tpu.memory_space<semaphore_mem>>) src(%dma_wait3A_1128 : memref<8x2048xf32, #tpu.memory_space<hbm>>) dst(%dma_wait3A_1124 : memref<8x2048xf32, #tpu.memory_space<vmem>>)
      %broadcast_in_dim3A = arith.constant 0.000000e+00 : f32
      %broadcast_in_dim3A_1129 = vector.broadcast %broadcast_in_dim3A : f32 to vector<16xf32>
      %broadcast_in_dim3A_1130 = arith.constant 0 : i32
      %broadcast_in_dim3A_1131 = vector.broadcast %broadcast_in_dim3A_1130 : i32 to vector<16xi32>
      %slice3A_1132 = vector.extract_strided_slice %get3A_14 {offsets = [0], sizes = [1], strides = [1]} : vector<16xi32> to vector<1xi32>
      %squeeze3A_1133 = vector.extract %slice3A_1132[0] : i32 from vector<1xi32>
      %and3A = arith.constant 127 : i32
      %and3A_1134 = arith.andi %squeeze3A_1133, %and3A : i32
      %add3A_1135 = vector.broadcast %and3A_1134 : i32 to vector<16xi32>
      %add3A_1136 = arith.addi %broadcast_in_dim3A_1131, %add3A_1135 : vector<16xi32>
      %broadcast_in_dim3A_1137 = arith.constant 0 : i32
      %broadcast_in_dim3A_1138 = vector.broadcast %broadcast_in_dim3A_1137 : i32 to vector<16xi32>
      %slice3A_1139 = vector.extract_strided_slice %get3A_18 {offsets = [0], sizes = [1], strides = [1]} : vector<16xi32> to vector<1xi32>
      %squeeze3A_1140 = vector.extract %slice3A_1139[0] : i32 from vector<1xi32>
      %and3A_1141 = arith.constant 127 : i32
      %and3A_1142 = arith.andi %squeeze3A_1140, %and3A_1141 : i32
      %add3A_1143 = vector.broadcast %and3A_1142 : i32 to vector<16xi32>
      %add3A_1144 = arith.addi %broadcast_in_dim3A_1138, %add3A_1143 : vector<16xi32>
      %gather3A = tpu.vector_load_idx %arg11[%iota3A, %add3A_1136] : memref<16x2048xf32, #tpu.memory_space<vmem>>[vector<16xi32>, vector<16xi32>], vector<16xf32>,
      %gather3A_1145 = tpu.vector_load_idx %arg12[%iota3A, %add3A_1144] : memref<16x2048xf32, #tpu.memory_space<vmem>>[vector<16xi32>, vector<16xi32>], vector<16xf32>,
      %mul3A_1146 = arith.mulf %gather3A, %gather3A_1145 : vector<16xf32>
      %mul3A_1147 = arith.mulf %mul3A_1146, %get3A_5 : vector<16xf32>
      %reduce_sum3A = arith.constant true
      %reduce_sum3A_1148 = vector.broadcast %reduce_sum3A : i1 to vector<16xi1>
      %reduce_sum3A_1149 = tpu.scan <sum>, %mul3A_1147 masked %reduce_sum3A_1148 : vector<16xf32>, vector<16xi1> -> vector<16xf32>
      %reduce_sum3A_1150 = vector.extract %reduce_sum3A_1149[15] : f32 from vector<16xf32>
      %eq3A = arith.constant 0 : i32
      %eq3A_1151 = vector.broadcast %eq3A : i32 to vector<16xi32>
      %eq3A_1152 = arith.cmpi eq, %iota3A, %eq3A_1151 : vector<16xi32>
      %add3A_1153 = vector.broadcast %reduce_sum3A_1150 : f32 to vector<16xf32>
      %add3A_1154 = arith.addf %broadcast_in_dim3A_1129, %add3A_1153 : vector<16xf32>
      %select_n3A = arith.select %eq3A_1152, %add3A_1154, %broadcast_in_dim3A_1129 : vector<16xi1>, vector<16xf32>
      %broadcast_in_dim3A_1155 = arith.constant 128 : i32
      %broadcast_in_dim3A_1156 = vector.broadcast %broadcast_in_dim3A_1155 : i32 to vector<16xi32>
      %slice3A_1157 = vector.extract_strided_slice %get3A_14 {offsets = [1], sizes = [1], strides = [1]} : vector<16xi32> to vector<1xi32>
      %squeeze3A_1158 = vector.extract %slice3A_1157[0] : i32 from vector<1xi32>
      %and3A_1159 = arith.constant 127 : i32
      %and3A_1160 = arith.andi %squeeze3A_1158, %and3A_1159 : i32
      %add3A_1161 = vector.broadcast %and3A_1160 : i32 to vector<16xi32>
      %add3A_1162 = arith.addi %broadcast_in_dim3A_1156, %add3A_1161 : vector<16xi32>
      %broadcast_in_dim3A_1163 = arith.constant 128 : i32
      %broadcast_in_dim3A_1164 = vector.broadcast %broadcast_in_dim3A_1163 : i32 to vector<16xi32>
      %slice3A_1165 = vector.extract_strided_slice %get3A_18 {offsets = [1], sizes = [1], strides = [1]} : vector<16xi32> to vector<1xi32>
      %squeeze3A_1166 = vector.extract %slice3A_1165[0] : i32 from vector<1xi32>
      %and3A_1167 = arith.constant 127 : i32
      %and3A_1168 = arith.andi %squeeze3A_1166, %and3A_1167 : i32
      %add3A_1169 = vector.broadcast %and3A_1168 : i32 to vector<16xi32>
      %add3A_1170 = arith.addi %broadcast_in_dim3A_1164, %add3A_1169 : vector<16xi32>
      %gather3A_1171 = tpu.vector_load_idx %arg11[%iota3A, %add3A_1162] : memref<16x2048xf32, #tpu.memory_space<vmem>>[vector<16xi32>, vector<16xi32>], vector<16xf32>,
      %gather3A_1172 = tpu.vector_load_idx %arg12[%iota3A, %add3A_1170] : memref<16x2048xf32, #tpu.memory_space<vmem>>[vector<16xi32>, vector<16xi32>], vector<16xf32>,
      %mul3A_1173 = arith.mulf %gather3A_1171, %gather3A_1172 : vector<16xf32>
      %mul3A_1174 = arith.mulf %mul3A_1173, %get3A_5 : vector<16xf32>
      %reduce_sum3A_1175 = arith.constant true
      %reduce_sum3A_1176 = vector.broadcast %reduce_sum3A_1175 : i1 to vector<16xi1>
      %reduce_sum3A_1177 = tpu.scan <sum>, %mul3A_1174 masked %reduce_sum3A_1176 : vector<16xf32>, vector<16xi1> -> vector<16xf32>
      %reduce_sum3A_1178 = vector.extract %reduce_sum3A_1177[15] : f32 from vector<16xf32>
      %eq3A_1179 = arith.constant 1 : i32
      %eq3A_1180 = vector.broadcast %eq3A_1179 : i32 to vector<16xi32>
      %eq3A_1181 = arith.cmpi eq, %iota3A, %eq3A_1180 : vector<16xi32>
      %add3A_1182 = vector.broadcast %reduce_sum3A_1178 : f32 to vector<16xf32>
      %add3A_1183 = arith.addf %select_n3A, %add3A_1182 : vector<16xf32>
      %select_n3A_1184 = arith.select %eq3A_1181, %add3A_1183, %select_n3A : vector<16xi1>, vector<16xf32>
      %broadcast_in_dim3A_1185 = arith.constant 256 : i32
      %broadcast_in_dim3A_1186 = vector.broadcast %broadcast_in_dim3A_1185 : i32 to vector<16xi32>
      %slice3A_1187 = vector.extract_strided_slice %get3A_14 {offsets = [2], sizes = [1], strides = [1]} : vector<16xi32> to vector<1xi32>
      %squeeze3A_1188 = vector.extract %slice3A_1187[0] : i32 from vector<1xi32>
      %and3A_1189 = arith.constant 127 : i32
      %and3A_1190 = arith.andi %squeeze3A_1188, %and3A_1189 : i32
      %add3A_1191 = vector.broadcast %and3A_1190 : i32 to vector<16xi32>
      %add3A_1192 = arith.addi %broadcast_in_dim3A_1186, %add3A_1191 : vector<16xi32>
      %broadcast_in_dim3A_1193 = arith.constant 256 : i32
      %broadcast_in_dim3A_1194 = vector.broadcast %broadcast_in_dim3A_1193 : i32 to vector<16xi32>
      %slice3A_1195 = vector.extract_strided_slice %get3A_18 {offsets = [2], sizes = [1], strides = [1]} : vector<16xi32> to vector<1xi32>
      %squeeze3A_1196 = vector.extract %slice3A_1195[0] : i32 from vector<1xi32>
      %and3A_1197 = arith.constant 127 : i32
      %and3A_1198 = arith.andi %squeeze3A_1196, %and3A_1197 : i32
      %add3A_1199 = vector.broadcast %and3A_1198 : i32 to vector<16xi32>
      %add3A_1200 = arith.addi %broadcast_in_dim3A_1194, %add3A_1199 : vector<16xi32>
      %gather3A_1201 = tpu.vector_load_idx %arg11[%iota3A, %add3A_1192] : memref<16x2048xf32, #tpu.memory_space<vmem>>[vector<16xi32>, vector<16xi32>], vector<16xf32>,
      %gather3A_1202 = tpu.vector_load_idx %arg12[%iota3A, %add3A_1200] : memref<16x2048xf32, #tpu.memory_space<vmem>>[vector<16xi32>, vector<16xi32>], vector<16xf32>,
      %mul3A_1203 = arith.mulf %gather3A_1201, %gather3A_1202 : vector<16xf32>
      %mul3A_1204 = arith.mulf %mul3A_1203, %get3A_5 : vector<16xf32>
      %reduce_sum3A_1205 = arith.constant true
      %reduce_sum3A_1206 = vector.broadcast %reduce_sum3A_1205 : i1 to vector<16xi1>
      %reduce_sum3A_1207 = tpu.scan <sum>, %mul3A_1204 masked %reduce_sum3A_1206 : vector<16xf32>, vector<16xi1> -> vector<16xf32>
      %reduce_sum3A_1208 = vector.extract %reduce_sum3A_1207[15] : f32 from vector<16xf32>
      %eq3A_1209 = arith.constant 2 : i32
      %eq3A_1210 = vector.broadcast %eq3A_1209 : i32 to vector<16xi32>
      %eq3A_1211 = arith.cmpi eq, %iota3A, %eq3A_1210 : vector<16xi32>
      %add3A_1212 = vector.broadcast %reduce_sum3A_1208 : f32 to vector<16xf32>
      %add3A_1213 = arith.addf %select_n3A_1184, %add3A_1212 : vector<16xf32>
      %select_n3A_1214 = arith.select %eq3A_1211, %add3A_1213, %select_n3A_1184 : vector<16xi1>, vector<16xf32>
      %broadcast_in_dim3A_1215 = arith.constant 384 : i32
      %broadcast_in_dim3A_1216 = vector.broadcast %broadcast_in_dim3A_1215 : i32 to vector<16xi32>
      %slice3A_1217 = vector.extract_strided_slice %get3A_14 {offsets = [3], sizes = [1], strides = [1]} : vector<16xi32> to vector<1xi32>
      %squeeze3A_1218 = vector.extract %slice3A_1217[0] : i32 from vector<1xi32>
      %and3A_1219 = arith.constant 127 : i32
      %and3A_1220 = arith.andi %squeeze3A_1218, %and3A_1219 : i32
      %add3A_1221 = vector.broadcast %and3A_1220 : i32 to vector<16xi32>
      %add3A_1222 = arith.addi %broadcast_in_dim3A_1216, %add3A_1221 : vector<16xi32>
      %broadcast_in_dim3A_1223 = arith.constant 384 : i32
      %broadcast_in_dim3A_1224 = vector.broadcast %broadcast_in_dim3A_1223 : i32 to vector<16xi32>
      %slice3A_1225 = vector.extract_strided_slice %get3A_18 {offsets = [3], sizes = [1], strides = [1]} : vector<16xi32> to vector<1xi32>
      %squeeze3A_1226 = vector.extract %slice3A_1225[0] : i32 from vector<1xi32>
      %and3A_1227 = arith.constant 127 : i32
      %and3A_1228 = arith.andi %squeeze3A_1226, %and3A_1227 : i32
      %add3A_1229 = vector.broadcast %and3A_1228 : i32 to vector<16xi32>
      %add3A_1230 = arith.addi %broadcast_in_dim3A_1224, %add3A_1229 : vector<16xi32>
      %gather3A_1231 = tpu.vector_load_idx %arg11[%iota3A, %add3A_1222] : memref<16x2048xf32, #tpu.memory_space<vmem>>[vector<16xi32>, vector<16xi32>], vector<16xf32>,
      %gather3A_1232 = tpu.vector_load_idx %arg12[%iota3A, %add3A_1230] : memref<16x2048xf32, #tpu.memory_space<vmem>>[vector<16xi32>, vector<16xi32>], vector<16xf32>,
      %mul3A_1233 = arith.mulf %gather3A_1231, %gather3A_1232 : vector<16xf32>
      %mul3A_1234 = arith.mulf %mul3A_1233, %get3A_5 : vector<16xf32>
      %reduce_sum3A_1235 = arith.constant true
      %reduce_sum3A_1236 = vector.broadcast %reduce_sum3A_1235 : i1 to vector<16xi1>
      %reduce_sum3A_1237 = tpu.scan <sum>, %mul3A_1234 masked %reduce_sum3A_1236 : vector<16xf32>, vector<16xi1> -> vector<16xf32>
      %reduce_sum3A_1238 = vector.extract %reduce_sum3A_1237[15] : f32 from vector<16xf32>
      %eq3A_1239 = arith.constant 3 : i32
      %eq3A_1240 = vector.broadcast %eq3A_1239 : i32 to vector<16xi32>
      %eq3A_1241 = arith.cmpi eq, %iota3A, %eq3A_1240 : vector<16xi32>
      %add3A_1242 = vector.broadcast %reduce_sum3A_1238 : f32 to vector<16xf32>
      %add3A_1243 = arith.addf %select_n3A_1214, %add3A_1242 : vector<16xf32>
      %select_n3A_1244 = arith.select %eq3A_1241, %add3A_1243, %select_n3A_1214 : vector<16xi1>, vector<16xf32>
      %broadcast_in_dim3A_1245 = arith.constant 512 : i32
      %broadcast_in_dim3A_1246 = vector.broadcast %broadcast_in_dim3A_1245 : i32 to vector<16xi32>
      %slice3A_1247 = vector.extract_strided_slice %get3A_14 {offsets = [4], sizes = [1], strides = [1]} : vector<16xi32> to vector<1xi32>
      %squeeze3A_1248 = vector.extract %slice3A_1247[0] : i32 from vector<1xi32>
      %and3A_1249 = arith.constant 127 : i32
      %and3A_1250 = arith.andi %squeeze3A_1248, %and3A_1249 : i32
      %add3A_1251 = vector.broadcast %and3A_1250 : i32 to vector<16xi32>
      %add3A_1252 = arith.addi %broadcast_in_dim3A_1246, %add3A_1251 : vector<16xi32>
      %broadcast_in_dim3A_1253 = arith.constant 512 : i32
      %broadcast_in_dim3A_1254 = vector.broadcast %broadcast_in_dim3A_1253 : i32 to vector<16xi32>
      %slice3A_1255 = vector.extract_strided_slice %get3A_18 {offsets = [4], sizes = [1], strides = [1]} : vector<16xi32> to vector<1xi32>
      %squeeze3A_1256 = vector.extract %slice3A_1255[0] : i32 from vector<1xi32>
      %and3A_1257 = arith.constant 127 : i32
      %and3A_1258 = arith.andi %squeeze3A_1256, %and3A_1257 : i32
      %add3A_1259 = vector.broadcast %and3A_1258 : i32 to vector<16xi32>
      %add3A_1260 = arith.addi %broadcast_in_dim3A_1254, %add3A_1259 : vector<16xi32>
      %gather3A_1261 = tpu.vector_load_idx %arg11[%iota3A, %add3A_1252] : memref<16x2048xf32, #tpu.memory_space<vmem>>[vector<16xi32>, vector<16xi32>], vector<16xf32>,
      %gather3A_1262 = tpu.vector_load_idx %arg12[%iota3A, %add3A_1260] : memref<16x2048xf32, #tpu.memory_space<vmem>>[vector<16xi32>, vector<16xi32>], vector<16xf32>,
      %mul3A_1263 = arith.mulf %gather3A_1261, %gather3A_1262 : vector<16xf32>
      %mul3A_1264 = arith.mulf %mul3A_1263, %get3A_5 : vector<16xf32>
      %reduce_sum3A_1265 = arith.constant true
      %reduce_sum3A_1266 = vector.broadcast %reduce_sum3A_1265 : i1 to vector<16xi1>
      %reduce_sum3A_1267 = tpu.scan <sum>, %mul3A_1264 masked %reduce_sum3A_1266 : vector<16xf32>, vector<16xi1> -> vector<16xf32>
      %reduce_sum3A_1268 = vector.extract %reduce_sum3A_1267[15] : f32 from vector<16xf32>
      %eq3A_1269 = arith.constant 4 : i32
      %eq3A_1270 = vector.broadcast %eq3A_1269 : i32 to vector<16xi32>
      %eq3A_1271 = arith.cmpi eq, %iota3A, %eq3A_1270 : vector<16xi32>
      %add3A_1272 = vector.broadcast %reduce_sum3A_1268 : f32 to vector<16xf32>
      %add3A_1273 = arith.addf %select_n3A_1244, %add3A_1272 : vector<16xf32>
      %select_n3A_1274 = arith.select %eq3A_1271, %add3A_1273, %select_n3A_1244 : vector<16xi1>, vector<16xf32>
      %broadcast_in_dim3A_1275 = arith.constant 640 : i32
      %broadcast_in_dim3A_1276 = vector.broadcast %broadcast_in_dim3A_1275 : i32 to vector<16xi32>
      %slice3A_1277 = vector.extract_strided_slice %get3A_14 {offsets = [5], sizes = [1], strides = [1]} : vector<16xi32> to vector<1xi32>
      %squeeze3A_1278 = vector.extract %slice3A_1277[0] : i32 from vector<1xi32>
      %and3A_1279 = arith.constant 127 : i32
      %and3A_1280 = arith.andi %squeeze3A_1278, %and3A_1279 : i32
      %add3A_1281 = vector.broadcast %and3A_1280 : i32 to vector<16xi32>
      %add3A_1282 = arith.addi %broadcast_in_dim3A_1276, %add3A_1281 : vector<16xi32>
      %broadcast_in_dim3A_1283 = arith.constant 640 : i32
      %broadcast_in_dim3A_1284 = vector.broadcast %broadcast_in_dim3A_1283 : i32 to vector<16xi32>
      %slice3A_1285 = vector.extract_strided_slice %get3A_18 {offsets = [5], sizes = [1], strides = [1]} : vector<16xi32> to vector<1xi32>
      %squeeze3A_1286 = vector.extract %slice3A_1285[0] : i32 from vector<1xi32>
      %and3A_1287 = arith.constant 127 : i32
      %and3A_1288 = arith.andi %squeeze3A_1286, %and3A_1287 : i32
      %add3A_1289 = vector.broadcast %and3A_1288 : i32 to vector<16xi32>
      %add3A_1290 = arith.addi %broadcast_in_dim3A_1284, %add3A_1289 : vector<16xi32>
      %gather3A_1291 = tpu.vector_load_idx %arg11[%iota3A, %add3A_1282] : memref<16x2048xf32, #tpu.memory_space<vmem>>[vector<16xi32>, vector<16xi32>], vector<16xf32>,
      %gather3A_1292 = tpu.vector_load_idx %arg12[%iota3A, %add3A_1290] : memref<16x2048xf32, #tpu.memory_space<vmem>>[vector<16xi32>, vector<16xi32>], vector<16xf32>,
      %mul3A_1293 = arith.mulf %gather3A_1291, %gather3A_1292 : vector<16xf32>
      %mul3A_1294 = arith.mulf %mul3A_1293, %get3A_5 : vector<16xf32>
      %reduce_sum3A_1295 = arith.constant true
      %reduce_sum3A_1296 = vector.broadcast %reduce_sum3A_1295 : i1 to vector<16xi1>
      %reduce_sum3A_1297 = tpu.scan <sum>, %mul3A_1294 masked %reduce_sum3A_1296 : vector<16xf32>, vector<16xi1> -> vector<16xf32>
      %reduce_sum3A_1298 = vector.extract %reduce_sum3A_1297[15] : f32 from vector<16xf32>
      %eq3A_1299 = arith.constant 5 : i32
      %eq3A_1300 = vector.broadcast %eq3A_1299 : i32 to vector<16xi32>
      %eq3A_1301 = arith.cmpi eq, %iota3A, %eq3A_1300 : vector<16xi32>
      %add3A_1302 = vector.broadcast %reduce_sum3A_1298 : f32 to vector<16xf32>
      %add3A_1303 = arith.addf %select_n3A_1274, %add3A_1302 : vector<16xf32>
      %select_n3A_1304 = arith.select %eq3A_1301, %add3A_1303, %select_n3A_1274 : vector<16xi1>, vector<16xf32>
      %broadcast_in_dim3A_1305 = arith.constant 768 : i32
      %broadcast_in_dim3A_1306 = vector.broadcast %broadcast_in_dim3A_1305 : i32 to vector<16xi32>
      %slice3A_1307 = vector.extract_strided_slice %get3A_14 {offsets = [6], sizes = [1], strides = [1]} : vector<16xi32> to vector<1xi32>
      %squeeze3A_1308 = vector.extract %slice3A_1307[0] : i32 from vector<1xi32>
      %and3A_1309 = arith.constant 127 : i32
      %and3A_1310 = arith.andi %squeeze3A_1308, %and3A_1309 : i32
      %add3A_1311 = vector.broadcast %and3A_1310 : i32 to vector<16xi32>
      %add3A_1312 = arith.addi %broadcast_in_dim3A_1306, %add3A_1311 : vector<16xi32>
      %broadcast_in_dim3A_1313 = arith.constant 768 : i32
      %broadcast_in_dim3A_1314 = vector.broadcast %broadcast_in_dim3A_1313 : i32 to vector<16xi32>
      %slice3A_1315 = vector.extract_strided_slice %get3A_18 {offsets = [6], sizes = [1], strides = [1]} : vector<16xi32> to vector<1xi32>
      %squeeze3A_1316 = vector.extract %slice3A_1315[0] : i32 from vector<1xi32>
      %and3A_1317 = arith.constant 127 : i32
      %and3A_1318 = arith.andi %squeeze3A_1316, %and3A_1317 : i32
      %add3A_1319 = vector.broadcast %and3A_1318 : i32 to vector<16xi32>
      %add3A_1320 = arith.addi %broadcast_in_dim3A_1314, %add3A_1319 : vector<16xi32>
      %gather3A_1321 = tpu.vector_load_idx %arg11[%iota3A, %add3A_1312] : memref<16x2048xf32, #tpu.memory_space<vmem>>[vector<16xi32>, vector<16xi32>], vector<16xf32>,
      %gather3A_1322 = tpu.vector_load_idx %arg12[%iota3A, %add3A_1320] : memref<16x2048xf32, #tpu.memory_space<vmem>>[vector<16xi32>, vector<16xi32>], vector<16xf32>,
      %mul3A_1323 = arith.mulf %gather3A_1321, %gather3A_1322 : vector<16xf32>
      %mul3A_1324 = arith.mulf %mul3A_1323, %get3A_5 : vector<16xf32>
      %reduce_sum3A_1325 = arith.constant true
      %reduce_sum3A_1326 = vector.broadcast %reduce_sum3A_1325 : i1 to vector<16xi1>
      %reduce_sum3A_1327 = tpu.scan <sum>, %mul3A_1324 masked %reduce_sum3A_1326 : vector<16xf32>, vector<16xi1> -> vector<16xf32>
      %reduce_sum3A_1328 = vector.extract %reduce_sum3A_1327[15] : f32 from vector<16xf32>
      %eq3A_1329 = arith.constant 6 : i32
      %eq3A_1330 = vector.broadcast %eq3A_1329 : i32 to vector<16xi32>
      %eq3A_1331 = arith.cmpi eq, %iota3A, %eq3A_1330 : vector<16xi32>
      %add3A_1332 = vector.broadcast %reduce_sum3A_1328 : f32 to vector<16xf32>
      %add3A_1333 = arith.addf %select_n3A_1304, %add3A_1332 : vector<16xf32>
      %select_n3A_1334 = arith.select %eq3A_1331, %add3A_1333, %select_n3A_1304 : vector<16xi1>, vector<16xf32>
      %broadcast_in_dim3A_1335 = arith.constant 896 : i32
      %broadcast_in_dim3A_1336 = vector.broadcast %broadcast_in_dim3A_1335 : i32 to vector<16xi32>
      %slice3A_1337 = vector.extract_strided_slice %get3A_14 {offsets = [7], sizes = [1], strides = [1]} : vector<16xi32> to vector<1xi32>
      %squeeze3A_1338 = vector.extract %slice3A_1337[0] : i32 from vector<1xi32>
      %and3A_1339 = arith.constant 127 : i32
      %and3A_1340 = arith.andi %squeeze3A_1338, %and3A_1339 : i32
      %add3A_1341 = vector.broadcast %and3A_1340 : i32 to vector<16xi32>
      %add3A_1342 = arith.addi %broadcast_in_dim3A_1336, %add3A_1341 : vector<16xi32>
      %broadcast_in_dim3A_1343 = arith.constant 896 : i32
      %broadcast_in_dim3A_1344 = vector.broadcast %broadcast_in_dim3A_1343 : i32 to vector<16xi32>
      %slice3A_1345 = vector.extract_strided_slice %get3A_18 {offsets = [7], sizes = [1], strides = [1]} : vector<16xi32> to vector<1xi32>
      %squeeze3A_1346 = vector.extract %slice3A_1345[0] : i32 from vector<1xi32>
      %and3A_1347 = arith.constant 127 : i32
      %and3A_1348 = arith.andi %squeeze3A_1346, %and3A_1347 : i32
      %add3A_1349 = vector.broadcast %and3A_1348 : i32 to vector<16xi32>
      %add3A_1350 = arith.addi %broadcast_in_dim3A_1344, %add3A_1349 : vector<16xi32>
      %gather3A_1351 = tpu.vector_load_idx %arg11[%iota3A, %add3A_1342] : memref<16x2048xf32, #tpu.memory_space<vmem>>[vector<16xi32>, vector<16xi32>], vector<16xf32>,
      %gather3A_1352 = tpu.vector_load_idx %arg12[%iota3A, %add3A_1350] : memref<16x2048xf32, #tpu.memory_space<vmem>>[vector<16xi32>, vector<16xi32>], vector<16xf32>,
      %mul3A_1353 = arith.mulf %gather3A_1351, %gather3A_1352 : vector<16xf32>
      %mul3A_1354 = arith.mulf %mul3A_1353, %get3A_5 : vector<16xf32>
      %reduce_sum3A_1355 = arith.constant true
      %reduce_sum3A_1356 = vector.broadcast %reduce_sum3A_1355 : i1 to vector<16xi1>
      %reduce_sum3A_1357 = tpu.scan <sum>, %mul3A_1354 masked %reduce_sum3A_1356 : vector<16xf32>, vector<16xi1> -> vector<16xf32>
      %reduce_sum3A_1358 = vector.extract %reduce_sum3A_1357[15] : f32 from vector<16xf32>
      %eq3A_1359 = arith.constant 7 : i32
      %eq3A_1360 = vector.broadcast %eq3A_1359 : i32 to vector<16xi32>
      %eq3A_1361 = arith.cmpi eq, %iota3A, %eq3A_1360 : vector<16xi32>
      %add3A_1362 = vector.broadcast %reduce_sum3A_1358 : f32 to vector<16xf32>
      %add3A_1363 = arith.addf %select_n3A_1334, %add3A_1362 : vector<16xf32>
      %select_n3A_1364 = arith.select %eq3A_1361, %add3A_1363, %select_n3A_1334 : vector<16xi1>, vector<16xf32>
      %broadcast_in_dim3A_1365 = arith.constant 1024 : i32
      %broadcast_in_dim3A_1366 = vector.broadcast %broadcast_in_dim3A_1365 : i32 to vector<16xi32>
      %slice3A_1367 = vector.extract_strided_slice %get3A_14 {offsets = [8], sizes = [1], strides = [1]} : vector<16xi32> to vector<1xi32>
      %squeeze3A_1368 = vector.extract %slice3A_1367[0] : i32 from vector<1xi32>
      %and3A_1369 = arith.constant 127 : i32
      %and3A_1370 = arith.andi %squeeze3A_1368, %and3A_1369 : i32
      %add3A_1371 = vector.broadcast %and3A_1370 : i32 to vector<16xi32>
      %add3A_1372 = arith.addi %broadcast_in_dim3A_1366, %add3A_1371 : vector<16xi32>
      %broadcast_in_dim3A_1373 = arith.constant 1024 : i32
      %broadcast_in_dim3A_1374 = vector.broadcast %broadcast_in_dim3A_1373 : i32 to vector<16xi32>
      %slice3A_1375 = vector.extract_strided_slice %get3A_18 {offsets = [8], sizes = [1], strides = [1]} : vector<16xi32> to vector<1xi32>
      %squeeze3A_1376 = vector.extract %slice3A_1375[0] : i32 from vector<1xi32>
      %and3A_1377 = arith.constant 127 : i32
      %and3A_1378 = arith.andi %squeeze3A_1376, %and3A_1377 : i32
      %add3A_1379 = vector.broadcast %and3A_1378 : i32 to vector<16xi32>
      %add3A_1380 = arith.addi %broadcast_in_dim3A_1374, %add3A_1379 : vector<16xi32>
      %gather3A_1381 = tpu.vector_load_idx %arg11[%iota3A, %add3A_1372] : memref<16x2048xf32, #tpu.memory_space<vmem>>[vector<16xi32>, vector<16xi32>], vector<16xf32>,
      %gather3A_1382 = tpu.vector_load_idx %arg12[%iota3A, %add3A_1380] : memref<16x2048xf32, #tpu.memory_space<vmem>>[vector<16xi32>, vector<16xi32>], vector<16xf32>,
      %mul3A_1383 = arith.mulf %gather3A_1381, %gather3A_1382 : vector<16xf32>
      %mul3A_1384 = arith.mulf %mul3A_1383, %get3A_5 : vector<16xf32>
      %reduce_sum3A_1385 = arith.constant true
      %reduce_sum3A_1386 = vector.broadcast %reduce_sum3A_1385 : i1 to vector<16xi1>
      %reduce_sum3A_1387 = tpu.scan <sum>, %mul3A_1384 masked %reduce_sum3A_1386 : vector<16xf32>, vector<16xi1> -> vector<16xf32>
      %reduce_sum3A_1388 = vector.extract %reduce_sum3A_1387[15] : f32 from vector<16xf32>
      %eq3A_1389 = arith.constant 8 : i32
      %eq3A_1390 = vector.broadcast %eq3A_1389 : i32 to vector<16xi32>
      %eq3A_1391 = arith.cmpi eq, %iota3A, %eq3A_1390 : vector<16xi32>
      %add3A_1392 = vector.broadcast %reduce_sum3A_1388 : f32 to vector<16xf32>
      %add3A_1393 = arith.addf %select_n3A_1364, %add3A_1392 : vector<16xf32>
      %select_n3A_1394 = arith.select %eq3A_1391, %add3A_1393, %select_n3A_1364 : vector<16xi1>, vector<16xf32>
      %broadcast_in_dim3A_1395 = arith.constant 1152 : i32
      %broadcast_in_dim3A_1396 = vector.broadcast %broadcast_in_dim3A_1395 : i32 to vector<16xi32>
      %slice3A_1397 = vector.extract_strided_slice %get3A_14 {offsets = [9], sizes = [1], strides = [1]} : vector<16xi32> to vector<1xi32>
      %squeeze3A_1398 = vector.extract %slice3A_1397[0] : i32 from vector<1xi32>
      %and3A_1399 = arith.constant 127 : i32
      %and3A_1400 = arith.andi %squeeze3A_1398, %and3A_1399 : i32
      %add3A_1401 = vector.broadcast %and3A_1400 : i32 to vector<16xi32>
      %add3A_1402 = arith.addi %broadcast_in_dim3A_1396, %add3A_1401 : vector<16xi32>
      %broadcast_in_dim3A_1403 = arith.constant 1152 : i32
      %broadcast_in_dim3A_1404 = vector.broadcast %broadcast_in_dim3A_1403 : i32 to vector<16xi32>
      %slice3A_1405 = vector.extract_strided_slice %get3A_18 {offsets = [9], sizes = [1], strides = [1]} : vector<16xi32> to vector<1xi32>
      %squeeze3A_1406 = vector.extract %slice3A_1405[0] : i32 from vector<1xi32>
      %and3A_1407 = arith.constant 127 : i32
      %and3A_1408 = arith.andi %squeeze3A_1406, %and3A_1407 : i32
      %add3A_1409 = vector.broadcast %and3A_1408 : i32 to vector<16xi32>
      %add3A_1410 = arith.addi %broadcast_in_dim3A_1404, %add3A_1409 : vector<16xi32>
      %gather3A_1411 = tpu.vector_load_idx %arg11[%iota3A, %add3A_1402] : memref<16x2048xf32, #tpu.memory_space<vmem>>[vector<16xi32>, vector<16xi32>], vector<16xf32>,
      %gather3A_1412 = tpu.vector_load_idx %arg12[%iota3A, %add3A_1410] : memref<16x2048xf32, #tpu.memory_space<vmem>>[vector<16xi32>, vector<16xi32>], vector<16xf32>,
      %mul3A_1413 = arith.mulf %gather3A_1411, %gather3A_1412 : vector<16xf32>
      %mul3A_1414 = arith.mulf %mul3A_1413, %get3A_5 : vector<16xf32>
      %reduce_sum3A_1415 = arith.constant true
      %reduce_sum3A_1416 = vector.broadcast %reduce_sum3A_1415 : i1 to vector<16xi1>
      %reduce_sum3A_1417 = tpu.scan <sum>, %mul3A_1414 masked %reduce_sum3A_1416 : vector<16xf32>, vector<16xi1> -> vector<16xf32>
      %reduce_sum3A_1418 = vector.extract %reduce_sum3A_1417[15] : f32 from vector<16xf32>
      %eq3A_1419 = arith.constant 9 : i32
      %eq3A_1420 = vector.broadcast %eq3A_1419 : i32 to vector<16xi32>
      %eq3A_1421 = arith.cmpi eq, %iota3A, %eq3A_1420 : vector<16xi32>
      %add3A_1422 = vector.broadcast %reduce_sum3A_1418 : f32 to vector<16xf32>
      %add3A_1423 = arith.addf %select_n3A_1394, %add3A_1422 : vector<16xf32>
      %select_n3A_1424 = arith.select %eq3A_1421, %add3A_1423, %select_n3A_1394 : vector<16xi1>, vector<16xf32>
      %broadcast_in_dim3A_1425 = arith.constant 1280 : i32
      %broadcast_in_dim3A_1426 = vector.broadcast %broadcast_in_dim3A_1425 : i32 to vector<16xi32>
      %slice3A_1427 = vector.extract_strided_slice %get3A_14 {offsets = [10], sizes = [1], strides = [1]} : vector<16xi32> to vector<1xi32>
      %squeeze3A_1428 = vector.extract %slice3A_1427[0] : i32 from vector<1xi32>
      %and3A_1429 = arith.constant 127 : i32
      %and3A_1430 = arith.andi %squeeze3A_1428, %and3A_1429 : i32
      %add3A_1431 = vector.broadcast %and3A_1430 : i32 to vector<16xi32>
      %add3A_1432 = arith.addi %broadcast_in_dim3A_1426, %add3A_1431 : vector<16xi32>
      %broadcast_in_dim3A_1433 = arith.constant 1280 : i32
      %broadcast_in_dim3A_1434 = vector.broadcast %broadcast_in_dim3A_1433 : i32 to vector<16xi32>
      %slice3A_1435 = vector.extract_strided_slice %get3A_18 {offsets = [10], sizes = [1], strides = [1]} : vector<16xi32> to vector<1xi32>
      %squeeze3A_1436 = vector.extract %slice3A_1435[0] : i32 from vector<1xi32>
      %and3A_1437 = arith.constant 127 : i32
      %and3A_1438 = arith.andi %squeeze3A_1436, %and3A_1437 : i32
      %add3A_1439 = vector.broadcast %and3A_1438 : i32 to vector<16xi32>
      %add3A_1440 = arith.addi %broadcast_in_dim3A_1434, %add3A_1439 : vector<16xi32>
      %gather3A_1441 = tpu.vector_load_idx %arg11[%iota3A, %add3A_1432] : memref<16x2048xf32, #tpu.memory_space<vmem>>[vector<16xi32>, vector<16xi32>], vector<16xf32>,
      %gather3A_1442 = tpu.vector_load_idx %arg12[%iota3A, %add3A_1440] : memref<16x2048xf32, #tpu.memory_space<vmem>>[vector<16xi32>, vector<16xi32>], vector<16xf32>,
      %mul3A_1443 = arith.mulf %gather3A_1441, %gather3A_1442 : vector<16xf32>
      %mul3A_1444 = arith.mulf %mul3A_1443, %get3A_5 : vector<16xf32>
      %reduce_sum3A_1445 = arith.constant true
      %reduce_sum3A_1446 = vector.broadcast %reduce_sum3A_1445 : i1 to vector<16xi1>
      %reduce_sum3A_1447 = tpu.scan <sum>, %mul3A_1444 masked %reduce_sum3A_1446 : vector<16xf32>, vector<16xi1> -> vector<16xf32>
      %reduce_sum3A_1448 = vector.extract %reduce_sum3A_1447[15] : f32 from vector<16xf32>
      %eq3A_1449 = arith.constant 10 : i32
      %eq3A_1450 = vector.broadcast %eq3A_1449 : i32 to vector<16xi32>
      %eq3A_1451 = arith.cmpi eq, %iota3A, %eq3A_1450 : vector<16xi32>
      %add3A_1452 = vector.broadcast %reduce_sum3A_1448 : f32 to vector<16xf32>
      %add3A_1453 = arith.addf %select_n3A_1424, %add3A_1452 : vector<16xf32>
      %select_n3A_1454 = arith.select %eq3A_1451, %add3A_1453, %select_n3A_1424 : vector<16xi1>, vector<16xf32>
      %broadcast_in_dim3A_1455 = arith.constant 1408 : i32
      %broadcast_in_dim3A_1456 = vector.broadcast %broadcast_in_dim3A_1455 : i32 to vector<16xi32>
      %slice3A_1457 = vector.extract_strided_slice %get3A_14 {offsets = [11], sizes = [1], strides = [1]} : vector<16xi32> to vector<1xi32>
      %squeeze3A_1458 = vector.extract %slice3A_1457[0] : i32 from vector<1xi32>
      %and3A_1459 = arith.constant 127 : i32
      %and3A_1460 = arith.andi %squeeze3A_1458, %and3A_1459 : i32
      %add3A_1461 = vector.broadcast %and3A_1460 : i32 to vector<16xi32>
      %add3A_1462 = arith.addi %broadcast_in_dim3A_1456, %add3A_1461 : vector<16xi32>
      %broadcast_in_dim3A_1463 = arith.constant 1408 : i32
      %broadcast_in_dim3A_1464 = vector.broadcast %broadcast_in_dim3A_1463 : i32 to vector<16xi32>
      %slice3A_1465 = vector.extract_strided_slice %get3A_18 {offsets = [11], sizes = [1], strides = [1]} : vector<16xi32> to vector<1xi32>
      %squeeze3A_1466 = vector.extract %slice3A_1465[0] : i32 from vector<1xi32>
      %and3A_1467 = arith.constant 127 : i32
      %and3A_1468 = arith.andi %squeeze3A_1466, %and3A_1467 : i32
      %add3A_1469 = vector.broadcast %and3A_1468 : i32 to vector<16xi32>
      %add3A_1470 = arith.addi %broadcast_in_dim3A_1464, %add3A_1469 : vector<16xi32>
      %gather3A_1471 = tpu.vector_load_idx %arg11[%iota3A, %add3A_1462] : memref<16x2048xf32, #tpu.memory_space<vmem>>[vector<16xi32>, vector<16xi32>], vector<16xf32>,
      %gather3A_1472 = tpu.vector_load_idx %arg12[%iota3A, %add3A_1470] : memref<16x2048xf32, #tpu.memory_space<vmem>>[vector<16xi32>, vector<16xi32>], vector<16xf32>,
      %mul3A_1473 = arith.mulf %gather3A_1471, %gather3A_1472 : vector<16xf32>
      %mul3A_1474 = arith.mulf %mul3A_1473, %get3A_5 : vector<16xf32>
      %reduce_sum3A_1475 = arith.constant true
      %reduce_sum3A_1476 = vector.broadcast %reduce_sum3A_1475 : i1 to vector<16xi1>
      %reduce_sum3A_1477 = tpu.scan <sum>, %mul3A_1474 masked %reduce_sum3A_1476 : vector<16xf32>, vector<16xi1> -> vector<16xf32>
      %reduce_sum3A_1478 = vector.extract %reduce_sum3A_1477[15] : f32 from vector<16xf32>
      %eq3A_1479 = arith.constant 11 : i32
      %eq3A_1480 = vector.broadcast %eq3A_1479 : i32 to vector<16xi32>
      %eq3A_1481 = arith.cmpi eq, %iota3A, %eq3A_1480 : vector<16xi32>
      %add3A_1482 = vector.broadcast %reduce_sum3A_1478 : f32 to vector<16xf32>
      %add3A_1483 = arith.addf %select_n3A_1454, %add3A_1482 : vector<16xf32>
      %select_n3A_1484 = arith.select %eq3A_1481, %add3A_1483, %select_n3A_1454 : vector<16xi1>, vector<16xf32>
      %broadcast_in_dim3A_1485 = arith.constant 1536 : i32
      %broadcast_in_dim3A_1486 = vector.broadcast %broadcast_in_dim3A_1485 : i32 to vector<16xi32>
      %slice3A_1487 = vector.extract_strided_slice %get3A_14 {offsets = [12], sizes = [1], strides = [1]} : vector<16xi32> to vector<1xi32>
      %squeeze3A_1488 = vector.extract %slice3A_1487[0] : i32 from vector<1xi32>
      %and3A_1489 = arith.constant 127 : i32
      %and3A_1490 = arith.andi %squeeze3A_1488, %and3A_1489 : i32
      %add3A_1491 = vector.broadcast %and3A_1490 : i32 to vector<16xi32>
      %add3A_1492 = arith.addi %broadcast_in_dim3A_1486, %add3A_1491 : vector<16xi32>
      %broadcast_in_dim3A_1493 = arith.constant 1536 : i32
      %broadcast_in_dim3A_1494 = vector.broadcast %broadcast_in_dim3A_1493 : i32 to vector<16xi32>
      %slice3A_1495 = vector.extract_strided_slice %get3A_18 {offsets = [12], sizes = [1], strides = [1]} : vector<16xi32> to vector<1xi32>
      %squeeze3A_1496 = vector.extract %slice3A_1495[0] : i32 from vector<1xi32>
      %and3A_1497 = arith.constant 127 : i32
      %and3A_1498 = arith.andi %squeeze3A_1496, %and3A_1497 : i32
      %add3A_1499 = vector.broadcast %and3A_1498 : i32 to vector<16xi32>
      %add3A_1500 = arith.addi %broadcast_in_dim3A_1494, %add3A_1499 : vector<16xi32>
      %gather3A_1501 = tpu.vector_load_idx %arg11[%iota3A, %add3A_1492] : memref<16x2048xf32, #tpu.memory_space<vmem>>[vector<16xi32>, vector<16xi32>], vector<16xf32>,
      %gather3A_1502 = tpu.vector_load_idx %arg12[%iota3A, %add3A_1500] : memref<16x2048xf32, #tpu.memory_space<vmem>>[vector<16xi32>, vector<16xi32>], vector<16xf32>,
      %mul3A_1503 = arith.mulf %gather3A_1501, %gather3A_1502 : vector<16xf32>
      %mul3A_1504 = arith.mulf %mul3A_1503, %get3A_5 : vector<16xf32>
      %reduce_sum3A_1505 = arith.constant true
      %reduce_sum3A_1506 = vector.broadcast %reduce_sum3A_1505 : i1 to vector<16xi1>
      %reduce_sum3A_1507 = tpu.scan <sum>, %mul3A_1504 masked %reduce_sum3A_1506 : vector<16xf32>, vector<16xi1> -> vector<16xf32>
      %reduce_sum3A_1508 = vector.extract %reduce_sum3A_1507[15] : f32 from vector<16xf32>
      %eq3A_1509 = arith.constant 12 : i32
      %eq3A_1510 = vector.broadcast %eq3A_1509 : i32 to vector<16xi32>
      %eq3A_1511 = arith.cmpi eq, %iota3A, %eq3A_1510 : vector<16xi32>
      %add3A_1512 = vector.broadcast %reduce_sum3A_1508 : f32 to vector<16xf32>
      %add3A_1513 = arith.addf %select_n3A_1484, %add3A_1512 : vector<16xf32>
      %select_n3A_1514 = arith.select %eq3A_1511, %add3A_1513, %select_n3A_1484 : vector<16xi1>, vector<16xf32>
      %broadcast_in_dim3A_1515 = arith.constant 1664 : i32
      %broadcast_in_dim3A_1516 = vector.broadcast %broadcast_in_dim3A_1515 : i32 to vector<16xi32>
      %slice3A_1517 = vector.extract_strided_slice %get3A_14 {offsets = [13], sizes = [1], strides = [1]} : vector<16xi32> to vector<1xi32>
      %squeeze3A_1518 = vector.extract %slice3A_1517[0] : i32 from vector<1xi32>
      %and3A_1519 = arith.constant 127 : i32
      %and3A_1520 = arith.andi %squeeze3A_1518, %and3A_1519 : i32
      %add3A_1521 = vector.broadcast %and3A_1520 : i32 to vector<16xi32>
      %add3A_1522 = arith.addi %broadcast_in_dim3A_1516, %add3A_1521 : vector<16xi32>
      %broadcast_in_dim3A_1523 = arith.constant 1664 : i32
      %broadcast_in_dim3A_1524 = vector.broadcast %broadcast_in_dim3A_1523 : i32 to vector<16xi32>
      %slice3A_1525 = vector.extract_strided_slice %get3A_18 {offsets = [13], sizes = [1], strides = [1]} : vector<16xi32> to vector<1xi32>
      %squeeze3A_1526 = vector.extract %slice3A_1525[0] : i32 from vector<1xi32>
      %and3A_1527 = arith.constant 127 : i32
      %and3A_1528 = arith.andi %squeeze3A_1526, %and3A_1527 : i32
      %add3A_1529 = vector.broadcast %and3A_1528 : i32 to vector<16xi32>
      %add3A_1530 = arith.addi %broadcast_in_dim3A_1524, %add3A_1529 : vector<16xi32>
      %gather3A_1531 = tpu.vector_load_idx %arg11[%iota3A, %add3A_1522] : memref<16x2048xf32, #tpu.memory_space<vmem>>[vector<16xi32>, vector<16xi32>], vector<16xf32>,
      %gather3A_1532 = tpu.vector_load_idx %arg12[%iota3A, %add3A_1530] : memref<16x2048xf32, #tpu.memory_space<vmem>>[vector<16xi32>, vector<16xi32>], vector<16xf32>,
      %mul3A_1533 = arith.mulf %gather3A_1531, %gather3A_1532 : vector<16xf32>
      %mul3A_1534 = arith.mulf %mul3A_1533, %get3A_5 : vector<16xf32>
      %reduce_sum3A_1535 = arith.constant true
      %reduce_sum3A_1536 = vector.broadcast %reduce_sum3A_1535 : i1 to vector<16xi1>
      %reduce_sum3A_1537 = tpu.scan <sum>, %mul3A_1534 masked %reduce_sum3A_1536 : vector<16xf32>, vector<16xi1> -> vector<16xf32>
      %reduce_sum3A_1538 = vector.extract %reduce_sum3A_1537[15] : f32 from vector<16xf32>
      %eq3A_1539 = arith.constant 13 : i32
      %eq3A_1540 = vector.broadcast %eq3A_1539 : i32 to vector<16xi32>
      %eq3A_1541 = arith.cmpi eq, %iota3A, %eq3A_1540 : vector<16xi32>
      %add3A_1542 = vector.broadcast %reduce_sum3A_1538 : f32 to vector<16xf32>
      %add3A_1543 = arith.addf %select_n3A_1514, %add3A_1542 : vector<16xf32>
      %select_n3A_1544 = arith.select %eq3A_1541, %add3A_1543, %select_n3A_1514 : vector<16xi1>, vector<16xf32>
      %broadcast_in_dim3A_1545 = arith.constant 1792 : i32
      %broadcast_in_dim3A_1546 = vector.broadcast %broadcast_in_dim3A_1545 : i32 to vector<16xi32>
      %slice3A_1547 = vector.extract_strided_slice %get3A_14 {offsets = [14], sizes = [1], strides = [1]} : vector<16xi32> to vector<1xi32>
      %squeeze3A_1548 = vector.extract %slice3A_1547[0] : i32 from vector<1xi32>
      %and3A_1549 = arith.constant 127 : i32
      %and3A_1550 = arith.andi %squeeze3A_1548, %and3A_1549 : i32
      %add3A_1551 = vector.broadcast %and3A_1550 : i32 to vector<16xi32>
      %add3A_1552 = arith.addi %broadcast_in_dim3A_1546, %add3A_1551 : vector<16xi32>
      %broadcast_in_dim3A_1553 = arith.constant 1792 : i32
      %broadcast_in_dim3A_1554 = vector.broadcast %broadcast_in_dim3A_1553 : i32 to vector<16xi32>
      %slice3A_1555 = vector.extract_strided_slice %get3A_18 {offsets = [14], sizes = [1], strides = [1]} : vector<16xi32> to vector<1xi32>
      %squeeze3A_1556 = vector.extract %slice3A_1555[0] : i32 from vector<1xi32>
      %and3A_1557 = arith.constant 127 : i32
      %and3A_1558 = arith.andi %squeeze3A_1556, %and3A_1557 : i32
      %add3A_1559 = vector.broadcast %and3A_1558 : i32 to vector<16xi32>
      %add3A_1560 = arith.addi %broadcast_in_dim3A_1554, %add3A_1559 : vector<16xi32>
      %gather3A_1561 = tpu.vector_load_idx %arg11[%iota3A, %add3A_1552] : memref<16x2048xf32, #tpu.memory_space<vmem>>[vector<16xi32>, vector<16xi32>], vector<16xf32>,
      %gather3A_1562 = tpu.vector_load_idx %arg12[%iota3A, %add3A_1560] : memref<16x2048xf32, #tpu.memory_space<vmem>>[vector<16xi32>, vector<16xi32>], vector<16xf32>,
      %mul3A_1563 = arith.mulf %gather3A_1561, %gather3A_1562 : vector<16xf32>
      %mul3A_1564 = arith.mulf %mul3A_1563, %get3A_5 : vector<16xf32>
      %reduce_sum3A_1565 = arith.constant true
      %reduce_sum3A_1566 = vector.broadcast %reduce_sum3A_1565 : i1 to vector<16xi1>
      %reduce_sum3A_1567 = tpu.scan <sum>, %mul3A_1564 masked %reduce_sum3A_1566 : vector<16xf32>, vector<16xi1> -> vector<16xf32>
      %reduce_sum3A_1568 = vector.extract %reduce_sum3A_1567[15] : f32 from vector<16xf32>
      %eq3A_1569 = arith.constant 14 : i32
      %eq3A_1570 = vector.broadcast %eq3A_1569 : i32 to vector<16xi32>
      %eq3A_1571 = arith.cmpi eq, %iota3A, %eq3A_1570 : vector<16xi32>
      %add3A_1572 = vector.broadcast %reduce_sum3A_1568 : f32 to vector<16xf32>
      %add3A_1573 = arith.addf %select_n3A_1544, %add3A_1572 : vector<16xf32>
      %select_n3A_1574 = arith.select %eq3A_1571, %add3A_1573, %select_n3A_1544 : vector<16xi1>, vector<16xf32>
      %broadcast_in_dim3A_1575 = arith.constant 1920 : i32
      %broadcast_in_dim3A_1576 = vector.broadcast %broadcast_in_dim3A_1575 : i32 to vector<16xi32>
      %slice3A_1577 = vector.extract_strided_slice %get3A_14 {offsets = [15], sizes = [1], strides = [1]} : vector<16xi32> to vector<1xi32>
      %squeeze3A_1578 = vector.extract %slice3A_1577[0] : i32 from vector<1xi32>
      %and3A_1579 = arith.constant 127 : i32
      %and3A_1580 = arith.andi %squeeze3A_1578, %and3A_1579 : i32
      %add3A_1581 = vector.broadcast %and3A_1580 : i32 to vector<16xi32>
      %add3A_1582 = arith.addi %broadcast_in_dim3A_1576, %add3A_1581 : vector<16xi32>
      %broadcast_in_dim3A_1583 = arith.constant 1920 : i32
      %broadcast_in_dim3A_1584 = vector.broadcast %broadcast_in_dim3A_1583 : i32 to vector<16xi32>
      %slice3A_1585 = vector.extract_strided_slice %get3A_18 {offsets = [15], sizes = [1], strides = [1]} : vector<16xi32> to vector<1xi32>
      %squeeze3A_1586 = vector.extract %slice3A_1585[0] : i32 from vector<1xi32>
      %and3A_1587 = arith.constant 127 : i32
      %and3A_1588 = arith.andi %squeeze3A_1586, %and3A_1587 : i32
      %add3A_1589 = vector.broadcast %and3A_1588 : i32 to vector<16xi32>
      %add3A_1590 = arith.addi %broadcast_in_dim3A_1584, %add3A_1589 : vector<16xi32>
      %gather3A_1591 = tpu.vector_load_idx %arg11[%iota3A, %add3A_1582] : memref<16x2048xf32, #tpu.memory_space<vmem>>[vector<16xi32>, vector<16xi32>], vector<16xf32>,
      %gather3A_1592 = tpu.vector_load_idx %arg12[%iota3A, %add3A_1590] : memref<16x2048xf32, #tpu.memory_space<vmem>>[vector<16xi32>, vector<16xi32>], vector<16xf32>,
      %mul3A_1593 = arith.mulf %gather3A_1591, %gather3A_1592 : vector<16xf32>
      %mul3A_1594 = arith.mulf %mul3A_1593, %get3A_5 : vector<16xf32>
      %reduce_sum3A_1595 = arith.constant true
      %reduce_sum3A_1596 = vector.broadcast %reduce_sum3A_1595 : i1 to vector<16xi1>
      %reduce_sum3A_1597 = tpu.scan <sum>, %mul3A_1594 masked %reduce_sum3A_1596 : vector<16xf32>, vector<16xi1> -> vector<16xf32>
      %reduce_sum3A_1598 = vector.extract %reduce_sum3A_1597[15] : f32 from vector<16xf32>
      %eq3A_1599 = arith.constant 15 : i32
      %eq3A_1600 = vector.broadcast %eq3A_1599 : i32 to vector<16xi32>
      %eq3A_1601 = arith.cmpi eq, %iota3A, %eq3A_1600 : vector<16xi32>
      %add3A_1602 = vector.broadcast %reduce_sum3A_1598 : f32 to vector<16xf32>
      %add3A_1603 = arith.addf %select_n3A_1574, %add3A_1602 : vector<16xf32>
      %select_n3A_1604 = arith.select %eq3A_1601, %add3A_1603, %select_n3A_1574 : vector<16xi1>, vector<16xf32>
      %add3A_1605 = arith.addf %select_n3A_1604, %get3A_3 : vector<16xf32>
      %neg3A = arith.constant 0.000000e+00 : f32
      %neg3A_1606 = vector.broadcast %neg3A : f32 to vector<16xf32>
      %neg3A_1607 = arith.subf %neg3A_1606, %add3A_1605 : vector<16xf32>
      %exp3A = math.exp %neg3A_1607 : vector<16xf32>
      %add3A_1608 = arith.constant 1.000000e+00 : f32
      %add3A_1609 = vector.broadcast %add3A_1608 : f32 to vector<16xf32>
      %add3A_1610 = arith.addf %add3A_1609, %exp3A : vector<16xf32>
      %div3A = arith.constant 1.000000e+00 : f32
      %div3A_1611 = vector.broadcast %div3A : f32 to vector<16xf32>
      %div3A_1612 = arith.divf %div3A_1611, %add3A_1610 : vector<16xf32>
      %mul3A_1613 = arith.constant 16 : i32
      %mul3A_1614 = arith.muli %scan3A_10, %mul3A_1613 : i32
      %swap3A = arith.index_cast %mul3A_1614 : i32 to index
      %swap3A_1615 = tpu.vector_load %arg15[%swap3A] {strides = array<i32>} : memref<512xf32, #tpu.memory_space<vmem>>, vector<16xf32>,
      tpu.vector_store %arg15[%swap3A], %div3A_1612 {strides = array<i32>} : memref<512xf32, #tpu.memory_space<vmem>>, vector<16xf32>,
    }
    %scan3A_9 = arith.constant 32 : i32
    "tpu.region"() ({
      %run_scoped3A = tpu.sem_alloc : memref<!tpu.dma_semaphore, #tpu.memory_space<semaphore_mem>>
      %dma_start3A = tpu.memref_slice %arg8[%mul3A_2] : memref<16384xf32, #tpu.memory_space<hbm>> -> memref<512xf32, #tpu.memory_space<hbm>>
      %dma_start3A_10 = tpu.memref_slice %arg8[%mul3A_2] : memref<16384xf32, #tpu.memory_space<hbm>> -> memref<512xf32, #tpu.memory_space<hbm>>
      tpu.enqueue_dma source(%arg15 : memref<512xf32, #tpu.memory_space<vmem>>) target(%dma_start3A_10 : memref<512xf32, #tpu.memory_space<hbm>>) target_semaphore(%run_scoped3A : memref<!tpu.dma_semaphore, #tpu.memory_space<semaphore_mem>>)
      %dma_wait3A = tpu.memref_slice %arg8[%mul3A_2] : memref<16384xf32, #tpu.memory_space<hbm>> -> memref<512xf32, #tpu.memory_space<hbm>>
      %dma_wait3A_11 = tpu.memref_slice %arg8[%mul3A_2] : memref<16384xf32, #tpu.memory_space<hbm>> -> memref<512xf32, #tpu.memory_space<hbm>>
      tpu.wait_dma2 semaphore(%run_scoped3A : memref<!tpu.dma_semaphore, #tpu.memory_space<semaphore_mem>>) src(%arg15 : memref<512xf32, #tpu.memory_space<vmem>>) dst(%dma_wait3A_11 : memref<512xf32, #tpu.memory_space<hbm>>)
      tpu.yield
    }) : () -> ()
    return
  }
}

</mosaic_0001>

<sc_bundles>
// kernel: gmf_sc.3.cloned.1.call-start
scs
__scs_entry_jumppad:
0x0: {  	(pc) =	sbr.rel $0x88, $3  }
0x1: {  	(tag) =	ssettag $0x0;
	lr =	simm.s32 $0x1  }
0x2: {  	[smem:$0x3F9B] =	sst lr;
	_ =	strace $0xD0000000  }
0x3: {  	_ = 	snop  }
0x4: {  	_ = 	snop  }
0x5: {  	_ = 	snop  }
0x6: {  	_ = 	snop  }
0x7: {  	_ = 	snop  }
__scs_overlays_trampoline_lowered:
0x8: {  	[smem:$0x3FAA] =	sst s0  }
0x9: {  	[smem:$0x3FAB] =	sst s1  }
0xa: {  	[smem:$0x3FAC] =	sst s2  }
0xb: {  	[smem:$0x3FAD] =	sst s3  }
0xc: {  	[smem:$0x3FAE] =	sst s4  }
0xd: {  	[smem:$0x3FAF] =	sst s5  }
0xe: {  	[smem:$0x3FB0] =	sst s6  }
0xf: {  	[smem:$0x3FB1] =	sst s7  }
0x10: {  	[smem:$0x3FB2] =	sst s8  }
0x11: {  	[smem:$0x3FB3] =	sst s9;
	s0 =	simm.s32 @!p0 $0x0  }
0x12: {  	s1 =	sld [smem:$0x3F99];
	s0 =	simm.s32 @p0 $0x1  }
0x13: {  	[smem:$0x3FB4] =	sst s0;
	s0 =	simm.s32 @!p1 $0x0  }
0x14: {  	s2 =	sld [smem:$0x3F98];
	s0 =	simm.s32 @p1 $0x1  }
0x15: {  	[smem:$0x3FB5] =	sst s0;
	s0 =	simm.s32 @!p2 $0x0  }
0x16: {  	s3 =	sld [smem:$0x3FDB];
	s0 =	simm.s32 @p2 $0x1  }
0x17: {  	s4 =	simm.s32 $0x1BF5;
	[smem:$0x3FB7] =	sst s0  }
0x18: {  	s0 =	sld [smem:$0x3F9A];
	_ =	swait.ge [sflag:s4], $0x0  }
0x19: {  	s7 =	sld [smem:$0x3F9B]  }
0x1a: {  	s8 =	sadd.s32 $0xFFFFE003, lr  }
0x1b: {  	s9 =	sadd.s32 $0xFFFFFEF7, lr;
	s5 =	simm.s32 $0xFFFFFFFF;
	p2 =	slt.u32 s8, $0xFFFFF086  }
0x1c: {  	p1 =	slt.u32 s9, $0xF7A;
	s5 =	simm.s32 @!p2 $0x0  }
0x1d: {  	s5 =	simm.s32 @p1 $0x1;
	p0 =	seq.s32 s7, s2  }
0x1e: {  	s7 =	smul.u32 @!p0 $0xF7A, s2;
	p2 =	seq.s32 @!p0 s5, $0x0  }
0x1f: {  	s9 =	smul.u32 $0xF7A, s1;
	s8 =	simm.s32 @!p0 $0x1BF5;
	p2 =	por !p2, p0  }
0x20: {  	[sflag:s8] =	ssyncset.s32 @!p0 $0xFFFFF086;
	s6 =	sadd.s32 @!p0 s3, s7;
	s7 =	simm.s32 @!p0 $0x108  }
0x21: {  	s3 =	sadd.s32 s3, s9;
	s6 =	sadd.s32 @!p0 $0x88, s6;
	s7 =	simm.s32 @p2 $0x1082  }
0x22: {  	[simem:s7], [sflag:s8] =	dma.local @!p0 [hbm:s6], $0xF7A  }
0x23: {  	s9 =	sor.u32 $0xD0000000, s2;
	s6 =	simm.s32 $0x108;
	_ =	swait.ge @!p0 [sflag:s8], $0x0  }
0x24: {  	s3 =	sadd.s32 $0x88, s3;
	s6 =	simm.s32 @!p1 $0x1082;
	[sflag:s4] =	ssyncset.s32 $0xFFFFF086  }
0x25: {  	[simem:s6], [sflag:s4] =	dma.local [hbm:s3], $0xF7A  }
0x26: {  	[smem:$0x3F9B] =	sst s1;
	(tag) =	ssettag s2;
	_ =	strace s9  }
0x27: {  	s1 =	sld [smem:$0x3FAB]  }
0x28: {  	s2 =	sld [smem:$0x3FAC]  }
0x29: {  	s4 =	sld [smem:$0x3FAE]  }
0x2a: {  	p0 =	seq.s32 s5, $0x0;
	s5 =	sld [smem:$0x3FAF]  }
0x2b: {  	s6 =	sld [smem:$0x3FB0]  }
0x2c: {  	s7 =	sld [smem:$0x3FB1]  }
0x2d: {  	s3 =	simm.s32 $0x108;
	s8 =	sld [smem:$0x3FB2]  }
0x2e: {  	s3 =	simm.s32 @!p0 $0x1082;
	s9 =	sld [smem:$0x3FB3]  }
0x2f: {  	lr =	sadd.s32 s0, s3;
	s0 =	sld [smem:$0x3FAA]  }
0x30: {  	s3 =	sld [smem:$0x3FAD]  }
0x31: {  	[smem:$0x3FB6] =	sst s10  }
0x32: {  	s10 =	sld [smem:$0x3FB4];
	_ =	sdelay $0x3  }
0x33: {  	p0 =	seq.s32 s10, $0x1;
	s10 =	sld [smem:$0x3FB6];
	_ =	sdelay $0x3  }
0x34: {  	[smem:$0x3FB6] =	sst s10  }
0x35: {  	s10 =	sld [smem:$0x3FB5];
	_ =	sdelay $0x3  }
0x36: {  	p1 =	seq.s32 s10, $0x1;
	s10 =	sld [smem:$0x3FB6];
	_ =	sdelay $0x3  }
0x37: {  	[smem:$0x3FB6] =	sst s10  }
0x38: {  	s10 =	sld [smem:$0x3FB7]  }
0x39: {  	_ = 	snop;
	(pc) =	sbr.ind lr, $3  }
0x3a: {  	_ = 	snop  }
0x3b: {  	_ = 	snop  }
0x3c: {  	p2 =	seq.s32 s10, $0x1;
	s10 =	sld [smem:$0x3FB6]  }
0x3d: {  	_ =	shalt  }
0x3e: {  	_ =	shalt  }
0x3f: {  	_ =	shalt  }
0x40: {  	_ =	shalt  }
0x41: {  	_ =	shalt  }
0x42: {  	_ =	shalt  }
0x43: {  	_ =	shalt  }
0x44: {  	_ =	shalt  }
0x45: {  	_ =	shalt  }
0x46: {  	_ =	shalt  }
0x47: {  	_ =	shalt  }
0x48: {  	_ =	shalt  }
0x49: {  	_ =	shalt  }
0x4a: {  	_ =	shalt  }
0x4b: {  	_ =	shalt  }
0x4c: {  	_ =	shalt  }
0x4d: {  	_ =	shalt  }
0x4e: {  	_ =	shalt  }
0x4f: {  	_ =	shalt  }
0x50: {  	_ =	shalt  }
0x51: {  	_ =	shalt  }
0x52: {  	_ =	shalt  }
0x53: {  	_ =	shalt  }
0x54: {  	_ =	shalt  }
0x55: {  	_ =	shalt  }
0x56: {  	_ =	shalt  }
0x57: {  	_ =	shalt  }
0x58: {  	_ =	shalt  }
0x59: {  	_ =	shalt  }
0x5a: {  	_ =	shalt  }
0x5b: {  	_ =	shalt  }
0x5c: {  	_ =	shalt  }
0x5d: {  	_ =	shalt  }
0x5e: {  	_ =	shalt  }
0x5f: {  	_ =	shalt  }
0x60: {  	_ =	shalt  }
0x61: {  	_ =	shalt  }
0x62: {  	_ =	shalt  }
0x63: {  	_ =	shalt  }
0x64: {  	_ =	shalt  }
0x65: {  	_ =	shalt  }
0x66: {  	_ =	shalt  }
0x67: {  	_ =	shalt  }
0x68: {  	_ =	shalt  }
0x69: {  	_ =	shalt  }
0x6a: {  	_ =	shalt  }
0x6b: {  	_ =	shalt  }
0x6c: {  	_ =	shalt  }
0x6d: {  	_ =	shalt  }
0x6e: {  	_ =	shalt  }
0x6f: {  	_ =	shalt  }
0x70: {  	_ =	shalt  }
0x71: {  	_ =	shalt  }
0x72: {  	_ =	shalt  }
0x73: {  	_ =	shalt  }
0x74: {  	_ =	shalt  }
0x75: {  	_ =	shalt  }
0x76: {  	_ =	shalt  }
0x77: {  	_ =	shalt  }
0x78: {  	_ =	shalt  }
0x79: {  	_ =	shalt  }
0x7a: {  	_ =	shalt  }
0x7b: {  	_ =	shalt  }
0x7c: {  	_ =	shalt  }
0x7d: {  	_ =	shalt  }
0x7e: {  	_ =	shalt  }
0x7f: {  	_ =	shalt  }
0x80: {  	_ =	shalt  }
0x81: {  	_ =	shalt  }
0x82: {  	_ =	shalt  }
0x83: {  	_ =	shalt  }
0x84: {  	_ =	shalt  }
0x85: {  	_ =	shalt  }
0x86: {  	_ =	shalt  }
0x87: {  	_ =	shalt  }
.Lfunc_end0:
.L_simem_size_0:
called_computation_lowered:
.L_overlay_start_0:
0x88: {  	s2 =	sld [smem:$0x3FD9]  }
0x89: {  	s3 =	sld [smem:$0x3FFE];
	_ =	sdelay $0x1  }
0x8a: {  	s1 =	srdreg.scid  }
0x8b: {  	s0 =	sand.u32 $0x1, s1  }
0x8c: {  	s17 =	sshll.u32 s0, $0xA;
	s2 =	sadd.s32 s3, s2  }
0x8d: {  	s2 =	sadd.s32 s2, s17  }
0x8e: {  	[smem:$0x3FC2] =	sst s2  }
0x8f: {  	_ = 	snop  }
0x90: {  	s2 =	sld [smem:$0x3FC9]  }
0x91: {  	s18 =	sld [smem:$0x3FC8]  }
0x92: {  	s4 =	sld [smem:$0x3FC7]  }
0x93: {  	s5 =	sld [smem:$0x3FC6]  }
0x94: {  	s6 =	sld [smem:$0x3FC5]  }
0x95: {  	s7 =	sld [smem:$0x3FD0];
	(tm) =	ssettm $0x1  }
0x96: {  	s8 =	sld [smem:$0x3FFB];
	_ =	sdelay $0x3  }
0x97: {  	_ =	strace s8  }
0x98: {  	s8 =	sld [smem:$0x3FFC];
	_ =	sdelay $0x3  }
0x99: {  	_ =	strace s8  }
0x9a: {  	s8 =	sld [smem:$0x3FFD];
	_ =	sdelay $0x3  }
0x9b: {  	_ =	strace s8  }
0x9c: {  	_ =	strace $0x8FFFFFFF  }
0x9d: {  	s19 =	sld [smem:$0x3FDB];
	_ =	sdelay $0x1  }
0x9e: {  	s9 =	simm.s32 $_scs_section_size  }
0x9f: {  	s10 =	simm.s32 $_size__tile_overlayer_lowered;
	s11 =	simm.s32 $_tile_overlayer_lowered  }
0xa0: {  	s22 =	simm.s32 $0x1BFF;
	s21 =	sshll.u32 s11, $0x1;
	s8 =	sadd.s32 s9, s19  }
0xa1: {  	s12 =	simm.s32 $0x0;
	s20 =	sshll.u32 s10, $0x1;
	s10 =	sadd.s32 s21, s8  }
0xa2: {  	[timem:s12], [sflag:s22] =	dma.local [hbm:s10], s20  }
0xa3: {  	_ =	swait.ge [sflag:s22], s20  }
0xa4: {  	s9 =	ssub.s32 $0x0, s20;
	[sflag:s22] =	ssyncset.done $0x0  }
0xa5: {  	[sflag:s22] =	ssyncadd.s32 s9;
	_ =	sdelay $0x1  }
0xa6: {  	s23 =	simm.s32 $0x1B8B  }
0xa7: {  	_ =	swait.ge [sflag:s23], $0x1  }
0xa8: {  	[sflag:s23] =	ssyncset.done $0x0  }
0xa9: {  	s25 =	simm.s32 $0x1B8E;
	s24 =	sld [smem:$0x3FFE];
	[sflag:s23] =	ssyncadd.s32 $0xFFFFFFFF  }
0xaa: {  	s26 =	simm.s32 $execute0_lowered;
	[smem:$0x3FD2] =	sst s25  }
0xab: {  	s10 =	sshll.u32 s26, $0x1;
	_ =	strace $0x80000046;
	[dreg:$0x1] =	wrdreg $0xFFFFFFFF  }
0xac: {  	s28 =	simm.s32 $_size_execute0_lowered;
	s8 =	sadd.s32 s8, s10;
	[dreg:$0x0] =	wrdreg $0x0  }
0xad: {  	s10 =	sshll.u32 s28, $0x1;
	[dreg:$0x2] =	wrdreg s8  }
0xae: {  	[dreg:$0x3] =	wrdreg s10  }
0xaf: {  	[dreg:$0x4] =	wrdreg $0xC0  }
0xb0: {  	_ =	task [dreg:s12], $0x5FFFF  }
0xb1: {  	[dreg:$0x1] =	wrdreg $0xFFFFFFFF  }
0xb2: {  	[dreg:$0x0] =	wrdreg $0x60  }
0xb3: {  	[dreg:$0x2] =	wrdreg s2  }
0xb4: {  	[dreg:$0x3] =	wrdreg s18  }
0xb5: {  	[dreg:$0x4] =	wrdreg s4  }
0xb6: {  	[dreg:$0x5] =	wrdreg s5  }
0xb7: {  	[dreg:$0x6] =	wrdreg s6  }
0xb8: {  	[dreg:$0x7] =	wrdreg s24  }
0xb9: {  	[dreg:$0x8] =	wrdreg s7  }
0xba: {  	[dreg:$0x9] =	wrdreg $0x9  }
0xbb: {  	_ =	task.clear_ibuf [dreg:s12], $0xAFFFF;
	_ =	strace $0x90000046  }
0xbc: {  	s29 =	simm.s32 $0x9;
	_ =	strace $0x80000048  }
0xbd: {  	_ =	swait.ge [sflag:s29], $0x1  }
0xbe: {  	[sflag:s29] =	ssyncadd.s32 $0xFFFFFFFF  }
0xbf: {  	_ =	strace $0x90000048  }
0xc0: {  	_ =	sfence  }
0xc1: {  	s30 =	sld [smem:$0x0];
	_ =	sdelay $0x2  }
0xc2: {  	s31 =	sshll.u32 s1, $0xD;
	s1 =	sshrl.u32 s1, $0x2  }
0xc3: {  	s3 =	sand.u32 $0x4000, s31;
	s1 =	sadd.s32 s1, s30  }
0xc4: {  	s0 =	sor.u32 s3, s0;
	s1 =	sshll.u32 s1, $0x11  }
0xc5: {  	s0 =	sor.u32 s1, s0  }
0xc6: {  	s0 =	sadd.s32 $0x8F2B, s0  }
0xc7: {  	[sflag:s0] =	ssyncadd.remote.s32 $0x1  }
0xc8: {  	_ =	sfence.sel $0xFFFF  }
0xc9: {  	[dreg:$0x0] =	wrdreg $0xFFFFFFFF;
	(pc) =	sbr.abs _section_cstart, $3  }
0xca: {  	[dreg:$0x1] =	wrdreg $0xFFFFFFFF  }
0xcb: {  	_ =	task.clear_ibuf [dreg:s12], $0x2FFFF;
	_ =	strace $0x9FFFFFFF  }
0xcc: {  	(tm) =	ssettm $0x7FFFFFFF  }
0xcd: {  	_ =	shalt  }
tec
execute0_lowered:
.L_overlay_start_1:
0x0: {  	(tag) =	ssettag $0x1  }
0x1: {  	v0 =	vimm.s32 $0x4380;
	vm1 =	vcmask $0x300  }
0x2: {  	vm2 =	vcmask $0x704;
	vm3 =	vcmask $0xB08;
	vm4 =	vcmask $0xF0C  }
0x3: {  	vm5 =	vcmask $0x1310;
	vm6 =	vcmask $0x1714;
	vm7 =	vcmask $0x1B18  }
0x4: {  	vm8 =	vcmask $0x1F1C;
	vm9 =	vcmask $0x2320;
	vm10 =	vcmask $0x2724  }
0x5: {  	vm11 =	vcmask $0x2B28;
	vm12 =	vcmask $0x2F2C;
	vm13 =	vcmask $0x3330  }
0x6: {  	vm14 =	vcmask $0x3734;
	v1 =	vimm.s32 $0x4780;
	v2 =	vimm.s32 $0x4B80  }
0x7: {  	vm15 =	vcmask $0x3B38;
	vm0 =	vmmov $0x1;
	v3 =	vimm.s32 $0x4F80  }
0x8: {  	v4 =	vimm.s32 $0x5380;
	v5 =	vimm.s32 $0x5780;
	v6 =	vimm.s32 $0x5B80  }
0x9: {  	v7 =	vimm.s32 $0x5F80;
	v8 =	vimm.s32 $0x6380;
	v9 =	vimm.s32 $0x6780  }
0xa: {  	v10 =	vimm.s32 $0x6B80;
	v11 =	vimm.s32 $0x6F80;
	v12 =	vimm.s32 $0x7380  }
0xb: {  	v13 =	vimm.s32 $0x7780;
	v14 =	vimm.s32 $0x7B80;
	v15 =	vimm.s32 $0x7F80  }
0xc: {  	v0 =	vsel vm1, $0x0, v0;
	v1 =	vsel vm1, $0x400, v1;
	v2 =	vsel vm1, $0x800, v2  }
0xd: {  	v3 =	vsel vm1, $0xC00, v3;
	v4 =	vsel vm1, $0x1000, v4;
	v5 =	vsel vm1, $0x1400, v5  }
0xe: {  	v6 =	vsel vm1, $0x1800, v6;
	v7 =	vsel vm1, $0x1C00, v7;
	v8 =	vsel vm1, $0x2000, v8  }
0xf: {  	v9 =	vsel vm1, $0x2400, v9;
	v10 =	vsel vm1, $0x2800, v10;
	v11 =	vsel vm1, $0x2C00, v11  }
0x10: {  	v12 =	vsel vm1, $0x3000, v12;
	v13 =	vsel vm1, $0x3400, v13;
	v14 =	vsel vm1, $0x3800, v14  }
0x11: {  	v15 =	vsel vm1, $0x3C00, v15;
	vm1 =	vcmask $0x30C;
	v0 =	vsel vm2, $0x80, v0  }
0x12: {  	v1 =	vsel vm2, $0x480, v1;
	v2 =	vsel vm2, $0x880, v2;
	v3 =	vsel vm2, $0xC80, v3  }
0x13: {  	v4 =	vsel vm2, $0x1080, v4;
	v5 =	vsel vm2, $0x1480, v5;
	v6 =	vsel vm2, $0x1880, v6  }
0x14: {  	v7 =	vsel vm2, $0x1C80, v7;
	v8 =	vsel vm2, $0x2080, v8;
	v9 =	vsel vm2, $0x2480, v9  }
0x15: {  	v10 =	vsel vm2, $0x2880, v10;
	v11 =	vsel vm2, $0x2C80, v11;
	v12 =	vsel vm2, $0x3080, v12  }
0x16: {  	s7 =	rddreg [dreg:$0x0];
	v13 =	vsel vm2, $0x3480, v13;
	v14 =	vsel vm2, $0x3880, v14;
	v15 =	vsel vm2, $0x3C80, v15  }
0x17: {  	s8 =	rddreg [dreg:$0x1];
	vm2 =	vcmask $0x714;
	v0 =	vsel vm3, $0x100, v0;
	v1 =	vsel vm3, $0x500, v1  }
0x18: {  	s0 =	rddreg [dreg:$0x2];
	v2 =	vsel vm3, $0x900, v2;
	v3 =	vsel vm3, $0xD00, v3;
	vm2 =	vmor vm2, vm4  }
0x19: {  	s1 =	rddreg [dreg:$0x3];
	v4 =	vsel vm3, $0x1100, v4;
	v5 =	vsel vm3, $0x1500, v5;
	v6 =	vsel vm3, $0x1900, v6  }
0x1a: {  	s2 =	rddreg [dreg:$0x4];
	v7 =	vsel vm3, $0x1D00, v7;
	v8 =	vsel vm3, $0x2100, v8;
	v9 =	vsel vm3, $0x2500, v9  }
0x1b: {  	s5 =	rddreg [dreg:$0x5];
	v10 =	vsel vm3, $0x2900, v10;
	v11 =	vsel vm3, $0x2D00, v11;
	v12 =	vsel vm3, $0x3100, v12  }
0x1c: {  	s9 =	rddreg [dreg:$0x6];
	v13 =	vsel vm3, $0x3500, v13;
	v14 =	vsel vm3, $0x3900, v14;
	v15 =	vsel vm3, $0x3D00, v15  }
0x1d: {  	s3 =	rddreg [dreg:$0x7];
	s4 =	simm.s32 $0x0;
	vm3 =	vcmask $0xB14;
	v0 =	vsel vm4, $0x180, v0;
	v1 =	vsel vm4, $0x580, v1  }
0x1e: {  	s6 =	simm.s32 $0x4400;
	[smem:$0x7FF] =	sst s4;
	v2 =	vsel vm4, $0x980, v2;
	v3 =	vsel vm4, $0xD80, v3;
	v4 =	vsel vm4, $0x1180, v4  }
0x1f: {  	s15 =	simm.s32 $0xC400;
	_ =	strace $0x80000047;
	[dreg:$0x8] =	wrdreg s6;
	v5 =	vsel vm4, $0x1580, v5;
	v6 =	vsel vm4, $0x1980, v6;
	v7 =	vsel vm4, $0x1D80, v7  }
0x20: {  	s16 =	simm.s32 $0x800;
	[dreg:$0x9] =	wrdreg s15;
	v8 =	vsel vm4, $0x2180, v8;
	v9 =	vsel vm4, $0x2580, v9;
	v10 =	vsel vm4, $0x2980, v10  }
0x21: {  	s17 =	simm.s32 $0x8800;
	[dreg:$0xa] =	wrdreg s16;
	v11 =	vsel vm4, $0x2D80, v11;
	v12 =	vsel vm4, $0x3180, v12;
	v13 =	vsel vm4, $0x3580, v13  }
0x22: {  	s18 =	simm.s32 $0x4800;
	[dreg:$0xb] =	wrdreg s17;
	v14 =	vsel vm4, $0x3980, v14;
	v15 =	vsel vm4, $0x3D80, v15;
	vm4 =	vcmask $0xF18  }
0x23: {  	s19 =	simm.s32 $0xC800;
	[dreg:$0xc] =	wrdreg s18;
	v0 =	vsel vm5, $0x200, v0;
	v1 =	vsel vm5, $0x600, v1;
	v2 =	vsel vm5, $0xA00, v2  }
0x24: {  	s20 =	simm.s32 $0xC00;
	[dreg:$0xd] =	wrdreg s19;
	v3 =	vsel vm5, $0xE00, v3;
	v4 =	vsel vm5, $0x1200, v4;
	v5 =	vsel vm5, $0x1600, v5  }
0x25: {  	s21 =	simm.s32 $0x8C00;
	[dreg:$0xe] =	wrdreg s20;
	v6 =	vsel vm5, $0x1A00, v6;
	v7 =	vsel vm5, $0x1E00, v7;
	v8 =	vsel vm5, $0x2200, v8  }
0x26: {  	s22 =	simm.s32 $0x4C00;
	[dreg:$0xf] =	wrdreg s21;
	v9 =	vsel vm5, $0x2600, v9;
	v10 =	vsel vm5, $0x2A00, v10;
	v11 =	vsel vm5, $0x2E00, v11  }
0x27: {  	s23 =	simm.s32 $0xCC00;
	[dreg:$0x10] =	wrdreg s22;
	v12 =	vsel vm5, $0x3200, v12;
	v13 =	vsel vm5, $0x3600, v13;
	v14 =	vsel vm5, $0x3A00, v14  }
0x28: {  	s24 =	simm.s32 $0x1000;
	[dreg:$0x11] =	wrdreg s23;
	v15 =	vsel vm5, $0x3E00, v15;
	vm5 =	vcmask $0x131C;
	v0 =	vsel vm6, $0x280, v0  }
0x29: {  	s25 =	simm.s32 $0x9000;
	[dreg:$0x12] =	wrdreg s24;
	v1 =	vsel vm6, $0x680, v1;
	v2 =	vsel vm6, $0xA80, v2;
	v3 =	vsel vm6, $0xE80, v3  }
0x2a: {  	s26 =	simm.s32 $0x5000;
	[dreg:$0x13] =	wrdreg s25;
	v4 =	vsel vm6, $0x1280, v4;
	v5 =	vsel vm6, $0x1680, v5;
	v6 =	vsel vm6, $0x1A80, v6  }
0x2b: {  	s28 =	simm.s32 $0xD000;
	[dreg:$0x14] =	wrdreg s26;
	v7 =	vsel vm6, $0x1E80, v7;
	v8 =	vsel vm6, $0x2280, v8;
	v9 =	vsel vm6, $0x2680, v9  }
0x2c: {  	s29 =	simm.s32 $0x1400;
	[dreg:$0x15] =	wrdreg s28;
	v10 =	vsel vm6, $0x2A80, v10;
	v11 =	vsel vm6, $0x2E80, v11;
	v12 =	vsel vm6, $0x3280, v12  }
0x2d: {  	s30 =	simm.s32 $0x9400;
	[dreg:$0x16] =	wrdreg s29;
	v13 =	vsel vm6, $0x3680, v13;
	v14 =	vsel vm6, $0x3A80, v14;
	v15 =	vsel vm6, $0x3E80, v15  }
0x2e: {  	s31 =	simm.s32 $0x5400;
	[dreg:$0x17] =	wrdreg s30;
	vm6 =	vcmask $0x1724;
	v0 =	vsel vm7, $0x300, v0;
	v1 =	vsel vm7, $0x700, v1  }
0x2f: {  	s10 =	simm.s32 $0xD400;
	[dreg:$0x18] =	wrdreg s31;
	v2 =	vsel vm7, $0xB00, v2;
	v3 =	vsel vm7, $0xF00, v3;
	v4 =	vsel vm7, $0x1300, v4  }
0x30: {  	s11 =	simm.s32 $0x1800;
	[dreg:$0x19] =	wrdreg s10;
	v5 =	vsel vm7, $0x1700, v5;
	v6 =	vsel vm7, $0x1B00, v6;
	v7 =	vsel vm7, $0x1F00, v7  }
0x31: {  	s12 =	simm.s32 $0x9800;
	[dreg:$0x1a] =	wrdreg s11;
	vm6 =	vmor vm6, vm8;
	v8 =	vsel vm7, $0x2300, v8;
	v9 =	vsel vm7, $0x2700, v9  }
0x32: {  	s13 =	simm.s32 $0x5800;
	[dreg:$0x1b] =	wrdreg s12;
	v10 =	vsel vm7, $0x2B00, v10;
	v11 =	vsel vm7, $0x2F00, v11;
	v12 =	vsel vm7, $0x3300, v12  }
0x33: {  	s14 =	simm.s32 $0xD800;
	[dreg:$0x1c] =	wrdreg s13;
	v13 =	vsel vm7, $0x3700, v13;
	v14 =	vsel vm7, $0x3B00, v14;
	v15 =	vsel vm7, $0x3F00, v15  }
0x34: {  	[dreg:$0x1d] =	wrdreg s14;
	s15 =	simm.s32 $0x1C00;
	vm7 =	vcmask $0x1B24;
	v0 =	vsel vm8, $0x380, v0;
	v1 =	vsel vm8, $0x780, v1  }
0x35: {  	s16 =	simm.s32 $0x9C00;
	[dreg:$0x1e] =	wrdreg s15;
	v2 =	vsel vm8, $0xB80, v2;
	v3 =	vsel vm8, $0xF80, v3;
	v4 =	vsel vm8, $0x1380, v4  }
0x36: {  	s17 =	simm.s32 $0x5C00;
	[dreg:$0x1f] =	wrdreg s16;
	v5 =	vsel vm8, $0x1780, v5;
	v6 =	vsel vm8, $0x1B80, v6;
	v7 =	vsel vm8, $0x1F80, v7  }
0x37: {  	s18 =	simm.s32 $0xDC00;
	[smem:$0x7D8] =	sst s17;
	v8 =	vsel vm8, $0x2380, v8;
	v9 =	vsel vm8, $0x2780, v9;
	v10 =	vsel vm8, $0x2B80, v10  }
0x38: {  	s19 =	simm.s32 $0x2000;
	[smem:$0x7D9] =	sst s18;
	v11 =	vsel vm8, $0x2F80, v11;
	v12 =	vsel vm8, $0x3380, v12;
	v13 =	vsel vm8, $0x3780, v13  }
0x39: {  	s20 =	simm.s32 $0xA000;
	[smem:$0x7DA] =	sst s19;
	v14 =	vsel vm8, $0x3B80, v14;
	v15 =	vsel vm8, $0x3F80, v15;
	vm8 =	vcmask $0x1F28  }
0x3a: {  	s21 =	simm.s32 $0x6000;
	[smem:$0x7DB] =	sst s20;
	v0 =	vsel vm9, $0x4000, v0;
	v1 =	vsel vm9, $0x4400, v1;
	v2 =	vsel vm9, $0x4800, v2  }
0x3b: {  	s22 =	simm.s32 $0xE000;
	[smem:$0x7DC] =	sst s21;
	v3 =	vsel vm9, $0x4C00, v3;
	v4 =	vsel vm9, $0x5000, v4;
	v5 =	vsel vm9, $0x5400, v5  }
0x3c: {  	s23 =	simm.s32 $0x2400;
	[smem:$0x7DD] =	sst s22;
	v6 =	vsel vm9, $0x5800, v6;
	v7 =	vsel vm9, $0x5C00, v7;
	v8 =	vsel vm9, $0x6000, v8  }
0x3d: {  	s24 =	simm.s32 $0xA400;
	[smem:$0x7DE] =	sst s23;
	v9 =	vsel vm9, $0x6400, v9;
	v10 =	vsel vm9, $0x6800, v10;
	v11 =	vsel vm9, $0x6C00, v11  }
0x3e: {  	s25 =	simm.s32 $0x6400;
	[smem:$0x7DF] =	sst s24;
	v12 =	vsel vm9, $0x7000, v12;
	v13 =	vsel vm9, $0x7400, v13;
	v14 =	vsel vm9, $0x7800, v14  }
0x3f: {  	s26 =	simm.s32 $0xE400;
	[smem:$0x7E0] =	sst s25;
	v15 =	vsel vm9, $0x7C00, v15;
	vm9 =	vcmask $0x232C;
	v0 =	vsel vm10, $0x4080, v0  }
0x40: {  	s28 =	simm.s32 $0x2800;
	[smem:$0x7E1] =	sst s26;
	v1 =	vsel vm10, $0x4480, v1;
	v2 =	vsel vm10, $0x4880, v2;
	v3 =	vsel vm10, $0x4C80, v3  }
0x41: {  	s29 =	simm.s32 $0xA800;
	[smem:$0x7E2] =	sst s28;
	v4 =	vsel vm10, $0x5080, v4;
	v5 =	vsel vm10, $0x5480, v5;
	v6 =	vsel vm10, $0x5880, v6  }
0x42: {  	s30 =	simm.s32 $0x6800;
	[smem:$0x7E3] =	sst s29;
	v7 =	vsel vm10, $0x5C80, v7;
	v8 =	vsel vm10, $0x6080, v8;
	v9 =	vsel vm10, $0x6480, v9  }
0x43: {  	s31 =	simm.s32 $0xE800;
	[smem:$0x7E4] =	sst s30;
	v10 =	vsel vm10, $0x6880, v10;
	v11 =	vsel vm10, $0x6C80, v11;
	v12 =	vsel vm10, $0x7080, v12  }
0x44: {  	s10 =	simm.s32 $0x2C00;
	[smem:$0x7E5] =	sst s31;
	v13 =	vsel vm10, $0x7480, v13;
	v14 =	vsel vm10, $0x7880, v14;
	v15 =	vsel vm10, $0x7C80, v15  }
0x45: {  	s11 =	simm.s32 $0xAC00;
	[smem:$0x7E6] =	sst s10;
	vm10 =	vcmask $0x2734;
	v0 =	vsel vm11, $0x4100, v0;
	v1 =	vsel vm11, $0x4500, v1  }
0x46: {  	s12 =	simm.s32 $0x6C00;
	[smem:$0x7E7] =	sst s11;
	v2 =	vsel vm11, $0x4900, v2;
	v3 =	vsel vm11, $0x4D00, v3;
	v4 =	vsel vm11, $0x5100, v4  }
0x47: {  	s13 =	simm.s32 $0xEC00;
	[smem:$0x7E8] =	sst s12;
	v5 =	vsel vm11, $0x5500, v5;
	v6 =	vsel vm11, $0x5900, v6;
	v7 =	vsel vm11, $0x5D00, v7  }
0x48: {  	s14 =	simm.s32 $0x3000;
	[smem:$0x7E9] =	sst s13;
	v8 =	vsel vm11, $0x6100, v8;
	v9 =	vsel vm11, $0x6500, v9;
	v10 =	vsel vm11, $0x6900, v10  }
0x49: {  	[smem:$0x7EA] =	sst s14;
	s15 =	simm.s32 $0xB000;
	v11 =	vsel vm11, $0x6D00, v11;
	v12 =	vsel vm11, $0x7100, v12;
	vm10 =	vmor vm10, vm12  }
0x4a: {  	s16 =	simm.s32 $0x7000;
	[smem:$0x7EB] =	sst s15;
	v13 =	vsel vm11, $0x7500, v13;
	v14 =	vsel vm11, $0x7900, v14;
	v15 =	vsel vm11, $0x7D00, v15  }
0x4b: {  	s11 =	simm.s32 $0xF000;
	[smem:$0x7EC] =	sst s16;
	vm11 =	vcmask $0x2B34;
	v0 =	vsel vm12, $0x4180, v0;
	v1 =	vsel vm12, $0x4580, v1  }
0x4c: {  	s17 =	simm.s32 $0x3400;
	[smem:$0x7ED] =	sst s11;
	v2 =	vsel vm12, $0x4980, v2;
	v3 =	vsel vm12, $0x4D80, v3;
	v4 =	vsel vm12, $0x5180, v4  }
0x4d: {  	s18 =	simm.s32 $0xB400;
	[smem:$0x7EE] =	sst s17;
	v5 =	vsel vm12, $0x5580, v5;
	v6 =	vsel vm12, $0x5980, v6;
	v7 =	vsel vm12, $0x5D80, v7  }
0x4e: {  	s19 =	simm.s32 $0x7400;
	[smem:$0x7EF] =	sst s18;
	v8 =	vsel vm12, $0x6180, v8;
	v9 =	vsel vm12, $0x6580, v9;
	v10 =	vsel vm12, $0x6980, v10  }
0x4f: {  	s20 =	simm.s32 $0xF400;
	[smem:$0x7F0] =	sst s19;
	v11 =	vsel vm12, $0x6D80, v11;
	v12 =	vsel vm12, $0x7180, v12;
	v13 =	vsel vm12, $0x7580, v13  }
0x50: {  	s21 =	simm.s32 $0x3800;
	[smem:$0x7F1] =	sst s20;
	v14 =	vsel vm12, $0x7980, v14;
	v15 =	vsel vm12, $0x7D80, v15;
	vm12 =	vcmask $0x2F38  }
0x51: {  	s23 =	simm.s32 $0xB800;
	[smem:$0x7F2] =	sst s21;
	v0 =	vsel vm13, $0x4200, v0;
	v1 =	vsel vm13, $0x4600, v1;
	v2 =	vsel vm13, $0x4A00, v2  }
0x52: {  	s24 =	simm.s32 $0x7800;
	[smem:$0x7F3] =	sst s23;
	v3 =	vsel vm13, $0x4E00, v3;
	v4 =	vsel vm13, $0x5200, v4;
	v5 =	vsel vm13, $0x5600, v5  }
0x53: {  	s25 =	simm.s32 $0xF800;
	[smem:$0x7F4] =	sst s24;
	v6 =	vsel vm13, $0x5A00, v6;
	v7 =	vsel vm13, $0x5E00, v7;
	v8 =	vsel vm13, $0x6200, v8  }
0x54: {  	s26 =	simm.s32 $0x3C00;
	[smem:$0x7F5] =	sst s25;
	v9 =	vsel vm13, $0x6600, v9;
	v10 =	vsel vm13, $0x6A00, v10;
	v11 =	vsel vm13, $0x6E00, v11  }
0x55: {  	s28 =	simm.s32 $0xBC00;
	[smem:$0x7F6] =	sst s26;
	v12 =	vsel vm13, $0x7200, v12;
	v13 =	vsel vm13, $0x7600, v13;
	v14 =	vsel vm13, $0x7A00, v14  }
0x56: {  	s5 =	sadd.s32 $0x400, s5;
	s29 =	simm.s32 $0x7C00;
	[smem:$0x7F7] =	sst s28;
	v15 =	vsel vm13, $0x7E00, v15;
	vm13 =	vcmask $0x333C;
	v0 =	vsel vm14, $0x4280, v0  }
0x57: {  	s6 =	stileid.u32;
	s30 =	simm.s32 $0xFC00;
	[smem:$0x7F8] =	sst s29;
	v1 =	vsel vm14, $0x4680, v1;
	v2 =	vsel vm14, $0x4A80, v2;
	v3 =	vsel vm14, $0x4E80, v3  }
0x58: {  	s10 =	srdreg.scid;
	s31 =	simm.s32 $0x4000;
	[smem:$0x7F9] =	sst s30;
	v4 =	vsel vm14, $0x5280, v4;
	v5 =	vsel vm14, $0x5680, v5;
	v6 =	vsel vm14, $0x5A80, v6  }
0x59: {  	s22 =	sshll.u32 s6, $0x7;
	s14 =	simm.s32 $0xC000;
	[smem:$0x7FA] =	sst s31;
	v7 =	vsel vm14, $0x5E80, v7;
	v8 =	vsel vm14, $0x6280, v8;
	v9 =	vsel vm14, $0x6680, v9  }
0x5a: {  	s10 =	sand.u32 $0x1, s10;
	s11 =	simm.s32 $0x2;
	[smem:$0x7FB] =	sst s14;
	v10 =	vsel vm14, $0x6A80, v10;
	v11 =	vsel vm14, $0x6E80, v11;
	v12 =	vsel vm14, $0x7280, v12  }
0x5b: {  	s15 =	simm.s32 $0x8000;
	s14 =	simm.s32 $0x10480;
	s17 =	simm.s32 $0x10000;
	v13 =	vsel vm14, $0x7680, v13;
	v14 =	vsel vm14, $0x7A80, v14;
	v15 =	vsel vm14, $0x7E80, v15  }
0x5c: {  	s16 =	simm.s32 $0x8400;
	s18 =	simm.s32 $0x10500;
	s19 =	simm.s32 $0x0;
	vm14 =	vmmov $0x3fff;
	v0 =	vsel vm15, $0x4300, v0;
	v1 =	vsel vm15, $0x4700, v1  }
0x5d: {  	s12 =	ssub.s32 $0x2, s10;
	s10 =	sshll.u32 s10, $0x6;
	[smem:$0x7FC] =	sst s15;
	v2 =	vsel vm15, $0x4B00, v2;
	v3 =	vsel vm15, $0x4F00, v3;
	v4 =	vsel vm15, $0x5300, v4  }
0x5e: {  	s15 =	simm.s32 $0x400;
	[smem:$0x7FD] =	sst s17;
	s13 =	sshrl.u32 s12, $0x1;
	v5 =	vsel vm15, $0x5700, v5;
	v6 =	vsel vm15, $0x5B00, v6;
	v7 =	vsel vm15, $0x5F00, v7  }
0x5f: {  	s17 =	simm.s32 $0x1;
	s10 =	sor.u32 s10, s22;
	s12 =	ssub.s32 s12, s13;
	v8 =	vsel vm15, $0x6300, v8;
	v9 =	vsel vm15, $0x6700, v9;
	v10 =	vsel vm15, $0x6B00, v10  }
0x60: {  	s7 =	sadd.s32 s7, s10;
	s8 =	sadd.s32 s8, s10;
	s9 =	sadd.s32 s9, s10;
	v11 =	vsel vm15, $0x6F00, v11;
	v12 =	vsel vm15, $0x7300, v12;
	v13 =	vsel vm15, $0x7700, v13  }
0x61: {  	s13 =	simm.s32 $0x10400;
	s10 =	smax.u32 s12, $0x1;
	s12 =	simm.s32 $0x200;
	v14 =	vsel vm15, $0x7B00, v14;
	v15 =	vsel vm15, $0x7F00, v15;
	vm15 =	vmmov $0x7fff  }
.LBB2_1:
0x62: {  	[tilespmem:s4], [sflag:$0x2] =	stream.linear.gather [hbm4b:s7+s4], $0x200, $0x38;
	[tilespmem:$0x10700] =	vst v63  }
0x63: {  	_ =	swait.ge [sflag:s11], $0x200  }
0x64: {  	[sflag:s11] =	ssyncset.done $0x0  }
0x65: {  	[sflag:s11] =	ssyncadd.s32 $0xFFFFFE00  }
0x66: {  	[tilespmem:s12], [sflag:$0x2] =	stream.linear.gather [hbm4b:s8+s4], $0x200, $0x38;
	[tilespmem:$0x10700] =	vst v63  }
0x67: {  	_ =	swait.ge [sflag:s11], $0x200  }
0x68: {  	[sflag:s11] =	ssyncset.done $0x0  }
0x69: {  	[sflag:s11] =	ssyncadd.s32 $0xFFFFFE00  }
0x6a: {  	[tilespmem:s13], [sflag:$0x2] =	stream.linear.gather [hbm4b:s2+s4], $0x80, $0x38;
	[tilespmem:$0x10700] =	vst v63  }
0x6b: {  	_ =	swait.ge [sflag:s11], $0x80  }
0x6c: {  	[sflag:s11] =	ssyncset.done $0x0  }
0x6d: {  	[sflag:s11] =	ssyncadd.s32 $0xFFFFFF80  }
0x6e: {  	[tilespmem:s14], [sflag:$0x2] =	stream.linear.gather [hbm4b:s5+s4], $0x80, $0x38;
	[tilespmem:$0x10700] =	vst v63  }
0x6f: {  	_ =	swait.ge [sflag:s11], $0x80  }
0x70: {  	[sflag:s11] =	ssyncset.done $0x0  }
0x71: {  	[sflag:s11] =	ssyncadd.s32 $0xFFFFFF80  }
0x72: {  	v16 =	vld [tilespmem:$0x10480]  }
0x73: {  	s20 =	simm.s32 $0x0;
	v17 =	vld [tilespmem:$0x10400]  }
.LBB2_2:
0x74: {  	s21 =	sshra.s32 s20, $0x2  }
0x75: {  	v19 =	vld [tilespmem:s21+$0x0]  }
0x76: {  	v18 =	vld [tilespmem:s21+$0x200];
	_ =	sdelay $0x3  }
0x77: {  	(v2sf) =	vpush v19, $0x0  }
0x78: {  	(v2sf) =	vpush v18, $0x0;
	_ =	sdelay $0x8  }
0x79: {  	(v2sf) =	vpush v19, $0x1;
	_ =	sdelay $0x4  }
0x7a: {  	s22 =	spop (v2sf);
	(v2sf) =	vpush v18, $0x1  }
0x7b: {  	s24 =	sand.u32 $0xFFFFF80, s22;
	s23 =	spop (v2sf)  }
0x7c: {  	s24 =	sadd.s32 s0, s24;
	s25 =	sand.u32 $0xFFFFF80, s23  }
0x7d: {  	[tilespmem:s15], [sflag:$0x1] =	stream.linear.gather [hbm4b:s24+s4], $0x400, $0x38;
	[tilespmem:$0x10700] =	vst v63  }
0x7e: {  	(v2sf) =	vpush v19, $0x2;
	s25 =	sadd.s32 s1, s25  }
0x7f: {  	[tilespmem:s16], [sflag:$0x1] =	stream.linear.gather [hbm4b:s25+s4], $0x400, $0x38;
	[tilespmem:$0x10700] =	vst v63  }
0x80: {  	s26 =	rddreg [dreg:$0x8];
	s24 =	sadd.s32 $0xF4280, s24  }
0x81: {  	[tilespmem:s26], [sflag:$0x1] =	stream.linear.gather [hbm4b:s24+s4], $0x400, $0x38;
	[tilespmem:$0x10700] =	vst v63  }
0x82: {  	s28 =	rddreg [dreg:$0x9];
	s26 =	sadd.s32 $0xF4280, s25  }
0x83: {  	[tilespmem:s28], [sflag:$0x1] =	stream.linear.gather [hbm4b:s26+s4], $0x400, $0x38;
	[tilespmem:$0x10700] =	vst v63  }
0x84: {  	s28 =	spop (v2sf);
	(v2sf) =	vpush v18, $0x2;
	_ =	sdelay $0x1  }
0x85: {  	s24 =	sand.u32 $0xFFFFF80, s28  }
0x86: {  	s29 =	rddreg [dreg:$0xa];
	s24 =	sadd.s32 s0, s24  }
0x87: {  	[tilespmem:s29], [sflag:$0x1] =	stream.linear.gather [hbm4b:s24+s4], $0x400, $0x38;
	[tilespmem:$0x10700] =	vst v63  }
0x88: {  	s30 =	spop (v2sf)  }
0x89: {  	s31 =	rddreg [dreg:$0xb];
	(v2sf) =	vpush v19, $0x3;
	s25 =	sand.u32 $0xFFFFF80, s30  }
0x8a: {  	s29 =	rddreg [dreg:$0xc];
	s25 =	sadd.s32 s1, s25  }
0x8b: {  	[tilespmem:s31], [sflag:$0x1] =	stream.linear.gather [hbm4b:s25+s4], $0x400, $0x38;
	[tilespmem:$0x10700] =	vst v63  }
0x8c: {  	s24 =	sadd.s32 $0xF4280, s24;
	s31 =	sadd.s32 $0xF4280, s25;
	s25 =	spop (v2sf)  }
0x8d: {  	[tilespmem:s29], [sflag:$0x1] =	stream.linear.gather [hbm4b:s24+s4], $0x400, $0x38;
	[tilespmem:$0x10700] =	vst v63  }
0x8e: {  	s30 =	rddreg [dreg:$0xd];
	(v2sf) =	vpush v18, $0x3;
	s24 =	sand.u32 $0xFFFFF80, s25  }
0x8f: {  	[tilespmem:s30], [sflag:$0x1] =	stream.linear.gather [hbm4b:s31+s4], $0x400, $0x38;
	[tilespmem:$0x10700] =	vst v63  }
0x90: {  	s26 =	rddreg [dreg:$0xe];
	s24 =	sadd.s32 s0, s24  }
0x91: {  	[tilespmem:s26], [sflag:$0x1] =	stream.linear.gather [hbm4b:s24+s4], $0x400, $0x38;
	[tilespmem:$0x10700] =	vst v63  }
0x92: {  	s28 =	spop (v2sf)  }
0x93: {  	s25 =	sand.u32 $0xFFFFF80, s28  }
0x94: {  	s29 =	rddreg [dreg:$0xf];
	(v2sf) =	vpush v19, $0x4;
	s25 =	sadd.s32 s1, s25  }
0x95: {  	[tilespmem:s29], [sflag:$0x1] =	stream.linear.gather [hbm4b:s25+s4], $0x400, $0x38;
	[tilespmem:$0x10700] =	vst v63  }
0x96: {  	s30 =	rddreg [dreg:$0x10];
	s24 =	sadd.s32 $0xF4280, s24  }
0x97: {  	[tilespmem:s30], [sflag:$0x1] =	stream.linear.gather [hbm4b:s24+s4], $0x400, $0x38;
	[tilespmem:$0x10700] =	vst v63  }
0x98: {  	s31 =	rddreg [dreg:$0x11];
	s25 =	sadd.s32 $0xF4280, s25;
	s28 =	spop (v2sf)  }
0x99: {  	(v2sf) =	vpush v18, $0x4;
	[tilespmem:s31], [sflag:$0x1] =	stream.linear.gather [hbm4b:s25+s4], $0x400, $0x38;
	[tilespmem:$0x10700] =	vst v63  }
0x9a: {  	s24 =	sand.u32 $0xFFFFF80, s28  }
0x9b: {  	s29 =	rddreg [dreg:$0x12];
	s24 =	sadd.s32 s0, s24  }
0x9c: {  	[tilespmem:s29], [sflag:$0x1] =	stream.linear.gather [hbm4b:s24+s4], $0x400, $0x38;
	[tilespmem:$0x10700] =	vst v63  }
0x9d: {  	s30 =	spop (v2sf);
	(v2sf) =	vpush v19, $0x5  }
0x9e: {  	s25 =	sand.u32 $0xFFFFF80, s30  }
0x9f: {  	s31 =	rddreg [dreg:$0x13];
	s25 =	sadd.s32 s1, s25  }
0xa0: {  	[tilespmem:s31], [sflag:$0x1] =	stream.linear.gather [hbm4b:s25+s4], $0x400, $0x38;
	[tilespmem:$0x10700] =	vst v63  }
0xa1: {  	s29 =	rddreg [dreg:$0x14];
	s24 =	sadd.s32 $0xF4280, s24  }
0xa2: {  	[tilespmem:s29], [sflag:$0x1] =	stream.linear.gather [hbm4b:s24+s4], $0x400, $0x38;
	[tilespmem:$0x10700] =	vst v63  }
0xa3: {  	s30 =	rddreg [dreg:$0x15];
	s31 =	sadd.s32 $0xF4280, s25;
	s25 =	spop (v2sf);
	(v2sf) =	vpush v18, $0x5  }
0xa4: {  	[tilespmem:s30], [sflag:$0x1] =	stream.linear.gather [hbm4b:s31+s4], $0x400, $0x38;
	[tilespmem:$0x10700] =	vst v63  }
0xa5: {  	s24 =	sand.u32 $0xFFFFF80, s25  }
0xa6: {  	s26 =	rddreg [dreg:$0x16];
	s24 =	sadd.s32 s0, s24  }
0xa7: {  	[tilespmem:s26], [sflag:$0x1] =	stream.linear.gather [hbm4b:s24+s4], $0x400, $0x38;
	[tilespmem:$0x10700] =	vst v63  }
0xa8: {  	s28 =	spop (v2sf)  }
0xa9: {  	(v2sf) =	vpush v19, $0x6;
	s25 =	sand.u32 $0xFFFFF80, s28  }
0xaa: {  	s29 =	rddreg [dreg:$0x17];
	s25 =	sadd.s32 s1, s25  }
0xab: {  	[tilespmem:s29], [sflag:$0x1] =	stream.linear.gather [hbm4b:s25+s4], $0x400, $0x38;
	[tilespmem:$0x10700] =	vst v63  }
0xac: {  	s30 =	rddreg [dreg:$0x18];
	s24 =	sadd.s32 $0xF4280, s24;
	s28 =	spop (v2sf)  }
0xad: {  	[tilespmem:s30], [sflag:$0x1] =	stream.linear.gather [hbm4b:s24+s4], $0x400, $0x38;
	[tilespmem:$0x10700] =	vst v63  }
0xae: {  	s31 =	rddreg [dreg:$0x19];
	s25 =	sadd.s32 $0xF4280, s25;
	(v2sf) =	vpush v18, $0x6;
	s24 =	sand.u32 $0xFFFFF80, s28  }
0xaf: {  	[tilespmem:s31], [sflag:$0x1] =	stream.linear.gather [hbm4b:s25+s4], $0x400, $0x38;
	[tilespmem:$0x10700] =	vst v63  }
0xb0: {  	s29 =	rddreg [dreg:$0x1a];
	s24 =	sadd.s32 s0, s24  }
0xb1: {  	[tilespmem:s29], [sflag:$0x1] =	stream.linear.gather [hbm4b:s24+s4], $0x400, $0x38;
	[tilespmem:$0x10700] =	vst v63  }
0xb2: {  	s30 =	spop (v2sf)  }
0xb3: {  	s25 =	sand.u32 $0xFFFFF80, s30  }
0xb4: {  	s31 =	rddreg [dreg:$0x1b];
	(v2sf) =	vpush v19, $0x7;
	s25 =	sadd.s32 s1, s25  }
0xb5: {  	[tilespmem:s31], [sflag:$0x1] =	stream.linear.gather [hbm4b:s25+s4], $0x400, $0x38;
	[tilespmem:$0x10700] =	vst v63  }
0xb6: {  	s29 =	rddreg [dreg:$0x1c];
	s24 =	sadd.s32 $0xF4280, s24  }
0xb7: {  	[tilespmem:s29], [sflag:$0x1] =	stream.linear.gather [hbm4b:s24+s4], $0x400, $0x38;
	[tilespmem:$0x10700] =	vst v63  }
0xb8: {  	s30 =	rddreg [dreg:$0x1d];
	s31 =	sadd.s32 $0xF4280, s25;
	s25 =	spop (v2sf)  }
0xb9: {  	(v2sf) =	vpush v18, $0x7;
	[tilespmem:s30], [sflag:$0x1] =	stream.linear.gather [hbm4b:s31+s4], $0x400, $0x38;
	[tilespmem:$0x10700] =	vst v63  }
0xba: {  	s24 =	sand.u32 $0xFFFFF80, s25  }
0xbb: {  	s26 =	rddreg [dreg:$0x1e];
	s24 =	sadd.s32 s0, s24  }
0xbc: {  	[tilespmem:s26], [sflag:$0x1] =	stream.linear.gather [hbm4b:s24+s4], $0x400, $0x38;
	[tilespmem:$0x10700] =	vst v63  }
0xbd: {  	s28 =	spop (v2sf);
	(v2sf) =	vpush v19, $0x8  }
0xbe: {  	s29 =	rddreg [dreg:$0x1f];
	s25 =	sand.u32 $0xFFFFF80, s28  }
0xbf: {  	s30 =	sld [smem:$0x7D8];
	s25 =	sadd.s32 s1, s25  }
0xc0: {  	[tilespmem:s29], [sflag:$0x1] =	stream.linear.gather [hbm4b:s25+s4], $0x400, $0x38;
	[tilespmem:$0x10700] =	vst v63  }
0xc1: {  	s31 =	sld [smem:$0x7D9];
	s24 =	sadd.s32 $0xF4280, s24  }
0xc2: {  	[tilespmem:s30], [sflag:$0x1] =	stream.linear.gather [hbm4b:s24+s4], $0x400, $0x38;
	[tilespmem:$0x10700] =	vst v63  }
0xc3: {  	s25 =	sadd.s32 $0xF4280, s25;
	s29 =	sld [smem:$0x7DA];
	s28 =	spop (v2sf);
	(v2sf) =	vpush v18, $0x8  }
0xc4: {  	[tilespmem:s31], [sflag:$0x1] =	stream.linear.gather [hbm4b:s25+s4], $0x400, $0x38;
	[tilespmem:$0x10700] =	vst v63  }
0xc5: {  	s24 =	sand.u32 $0xFFFFF80, s28  }
0xc6: {  	s24 =	sadd.s32 s0, s24  }
0xc7: {  	[tilespmem:s29], [sflag:$0x1] =	stream.linear.gather [hbm4b:s24+s4], $0x400, $0x38;
	[tilespmem:$0x10700] =	vst v63  }
0xc8: {  	s31 =	sld [smem:$0x7DB];
	s30 =	spop (v2sf)  }
0xc9: {  	(v2sf) =	vpush v19, $0x9;
	s25 =	sand.u32 $0xFFFFF80, s30  }
0xca: {  	s29 =	sld [smem:$0x7DC];
	s24 =	sadd.s32 $0xF4280, s24;
	s25 =	sadd.s32 s1, s25  }
0xcb: {  	[tilespmem:s31], [sflag:$0x1] =	stream.linear.gather [hbm4b:s25+s4], $0x400, $0x38;
	[tilespmem:$0x10700] =	vst v63  }
0xcc: {  	s30 =	sld [smem:$0x7DD];
	s31 =	sadd.s32 $0xF4280, s25;
	s25 =	spop (v2sf)  }
0xcd: {  	[tilespmem:s29], [sflag:$0x1] =	stream.linear.gather [hbm4b:s24+s4], $0x400, $0x38;
	[tilespmem:$0x10700] =	vst v63  }
0xce: {  	s26 =	sld [smem:$0x7DE];
	(v2sf) =	vpush v18, $0x9;
	s24 =	sand.u32 $0xFFFFF80, s25  }
0xcf: {  	[tilespmem:s30], [sflag:$0x1] =	stream.linear.gather [hbm4b:s31+s4], $0x400, $0x38;
	[tilespmem:$0x10700] =	vst v63  }
0xd0: {  	s24 =	sadd.s32 s0, s24  }
0xd1: {  	[tilespmem:s26], [sflag:$0x1] =	stream.linear.gather [hbm4b:s24+s4], $0x400, $0x38;
	[tilespmem:$0x10700] =	vst v63  }
0xd2: {  	s29 =	sld [smem:$0x7DF];
	s28 =	spop (v2sf)  }
0xd3: {  	s25 =	sand.u32 $0xFFFFF80, s28  }
0xd4: {  	s30 =	sld [smem:$0x7E0];
	(v2sf) =	vpush v19, $0xA;
	s25 =	sadd.s32 s1, s25  }
0xd5: {  	[tilespmem:s29], [sflag:$0x1] =	stream.linear.gather [hbm4b:s25+s4], $0x400, $0x38;
	[tilespmem:$0x10700] =	vst v63  }
0xd6: {  	s31 =	sld [smem:$0x7E1];
	s24 =	sadd.s32 $0xF4280, s24  }
0xd7: {  	[tilespmem:s30], [sflag:$0x1] =	stream.linear.gather [hbm4b:s24+s4], $0x400, $0x38;
	[tilespmem:$0x10700] =	vst v63  }
0xd8: {  	s25 =	sadd.s32 $0xF4280, s25;
	s29 =	sld [smem:$0x7E2];
	s28 =	spop (v2sf)  }
0xd9: {  	(v2sf) =	vpush v18, $0xA;
	[tilespmem:s31], [sflag:$0x1] =	stream.linear.gather [hbm4b:s25+s4], $0x400, $0x38;
	[tilespmem:$0x10700] =	vst v63  }
0xda: {  	s24 =	sand.u32 $0xFFFFF80, s28  }
0xdb: {  	s24 =	sadd.s32 s0, s24  }
0xdc: {  	[tilespmem:s29], [sflag:$0x1] =	stream.linear.gather [hbm4b:s24+s4], $0x400, $0x38;
	[tilespmem:$0x10700] =	vst v63  }
0xdd: {  	s31 =	sld [smem:$0x7E3];
	s30 =	spop (v2sf);
	(v2sf) =	vpush v19, $0xB  }
0xde: {  	s25 =	sand.u32 $0xFFFFF80, s30  }
0xdf: {  	s29 =	sld [smem:$0x7E4];
	s25 =	sadd.s32 s1, s25  }
0xe0: {  	[tilespmem:s31], [sflag:$0x1] =	stream.linear.gather [hbm4b:s25+s4], $0x400, $0x38;
	[tilespmem:$0x10700] =	vst v63  }
0xe1: {  	s24 =	sadd.s32 $0xF4280, s24;
	s30 =	sld [smem:$0x7E5]  }
0xe2: {  	[tilespmem:s29], [sflag:$0x1] =	stream.linear.gather [hbm4b:s24+s4], $0x400, $0x38;
	[tilespmem:$0x10700] =	vst v63  }
0xe3: {  	s26 =	sld [smem:$0x7E6];
	s31 =	sadd.s32 $0xF4280, s25;
	s25 =	spop (v2sf);
	(v2sf) =	vpush v18, $0xB  }
0xe4: {  	[tilespmem:s30], [sflag:$0x1] =	stream.linear.gather [hbm4b:s31+s4], $0x400, $0x38;
	[tilespmem:$0x10700] =	vst v63  }
0xe5: {  	s24 =	sand.u32 $0xFFFFF80, s25  }
0xe6: {  	s24 =	sadd.s32 s0, s24  }
0xe7: {  	[tilespmem:s26], [sflag:$0x1] =	stream.linear.gather [hbm4b:s24+s4], $0x400, $0x38;
	[tilespmem:$0x10700] =	vst v63  }
0xe8: {  	s29 =	sld [smem:$0x7E7];
	s28 =	spop (v2sf)  }
0xe9: {  	(v2sf) =	vpush v19, $0xC;
	s25 =	sand.u32 $0xFFFFF80, s28  }
0xea: {  	s30 =	sld [smem:$0x7E8];
	s25 =	sadd.s32 s1, s25  }
0xeb: {  	[tilespmem:s29], [sflag:$0x1] =	stream.linear.gather [hbm4b:s25+s4], $0x400, $0x38;
	[tilespmem:$0x10700] =	vst v63  }
0xec: {  	s31 =	sld [smem:$0x7E9];
	s24 =	sadd.s32 $0xF4280, s24;
	s28 =	spop (v2sf)  }
0xed: {  	[tilespmem:s30], [sflag:$0x1] =	stream.linear.gather [hbm4b:s24+s4], $0x400, $0x38;
	[tilespmem:$0x10700] =	vst v63  }
0xee: {  	s25 =	sadd.s32 $0xF4280, s25;
	s29 =	sld [smem:$0x7EA];
	(v2sf) =	vpush v18, $0xC;
	s24 =	sand.u32 $0xFFFFF80, s28  }
0xef: {  	[tilespmem:s31], [sflag:$0x1] =	stream.linear.gather [hbm4b:s25+s4], $0x400, $0x38;
	[tilespmem:$0x10700] =	vst v63  }
0xf0: {  	s24 =	sadd.s32 s0, s24  }
0xf1: {  	[tilespmem:s29], [sflag:$0x1] =	stream.linear.gather [hbm4b:s24+s4], $0x400, $0x38;
	[tilespmem:$0x10700] =	vst v63  }
0xf2: {  	s31 =	sld [smem:$0x7EB];
	s30 =	spop (v2sf)  }
0xf3: {  	s25 =	sand.u32 $0xFFFFF80, s30  }
0xf4: {  	s29 =	sld [smem:$0x7EC];
	(v2sf) =	vpush v19, $0xD;
	s25 =	sadd.s32 s1, s25  }
0xf5: {  	[tilespmem:s31], [sflag:$0x1] =	stream.linear.gather [hbm4b:s25+s4], $0x400, $0x38;
	[tilespmem:$0x10700] =	vst v63  }
0xf6: {  	s24 =	sadd.s32 $0xF4280, s24;
	s30 =	sld [smem:$0x7ED]  }
0xf7: {  	[tilespmem:s29], [sflag:$0x1] =	stream.linear.gather [hbm4b:s24+s4], $0x400, $0x38;
	[tilespmem:$0x10700] =	vst v63  }
0xf8: {  	s26 =	sld [smem:$0x7EE];
	s31 =	sadd.s32 $0xF4280, s25;
	s25 =	spop (v2sf)  }
0xf9: {  	(v2sf) =	vpush v18, $0xD;
	[tilespmem:s30], [sflag:$0x1] =	stream.linear.gather [hbm4b:s31+s4], $0x400, $0x38;
	[tilespmem:$0x10700] =	vst v63  }
0xfa: {  	s24 =	sand.u32 $0xFFFFF80, s25  }
0xfb: {  	s24 =	sadd.s32 s0, s24  }
0xfc: {  	[tilespmem:s26], [sflag:$0x1] =	stream.linear.gather [hbm4b:s24+s4], $0x400, $0x38;
	[tilespmem:$0x10700] =	vst v63  }
0xfd: {  	s29 =	sld [smem:$0x7EF];
	s28 =	spop (v2sf);
	(v2sf) =	vpush v19, $0xE  }
0xfe: {  	s25 =	sand.u32 $0xFFFFF80, s28  }
0xff: {  	s30 =	sld [smem:$0x7F0];
	s25 =	sadd.s32 s1, s25  }
0x100: {  	[tilespmem:s29], [sflag:$0x1] =	stream.linear.gather [hbm4b:s25+s4], $0x400, $0x38;
	[tilespmem:$0x10700] =	vst v63  }
0x101: {  	s31 =	sld [smem:$0x7F1];
	s24 =	sadd.s32 $0xF4280, s24  }
0x102: {  	[tilespmem:s30], [sflag:$0x1] =	stream.linear.gather [hbm4b:s24+s4], $0x400, $0x38;
	[tilespmem:$0x10700] =	vst v63  }
0x103: {  	s25 =	sadd.s32 $0xF4280, s25;
	s29 =	sld [smem:$0x7F2];
	s28 =	spop (v2sf);
	(v2sf) =	vpush v18, $0xE  }
0x104: {  	[tilespmem:s31], [sflag:$0x1] =	stream.linear.gather [hbm4b:s25+s4], $0x400, $0x38;
	[tilespmem:$0x10700] =	vst v63  }
0x105: {  	s24 =	sand.u32 $0xFFFFF80, s28  }
0x106: {  	s24 =	sadd.s32 s0, s24  }
0x107: {  	[tilespmem:s29], [sflag:$0x1] =	stream.linear.gather [hbm4b:s24+s4], $0x400, $0x38;
	[tilespmem:$0x10700] =	vst v63  }
0x108: {  	s31 =	sld [smem:$0x7F3];
	s30 =	spop (v2sf)  }
0x109: {  	(v2sf) =	vpush v19, $0xF;
	s25 =	sand.u32 $0xFFFFF80, s30  }
0x10a: {  	s29 =	sld [smem:$0x7F4];
	s24 =	sadd.s32 $0xF4280, s24;
	s25 =	sadd.s32 s1, s25  }
0x10b: {  	[tilespmem:s31], [sflag:$0x1] =	stream.linear.gather [hbm4b:s25+s4], $0x400, $0x38;
	[tilespmem:$0x10700] =	vst v63  }
0x10c: {  	s30 =	sld [smem:$0x7F5];
	s31 =	sadd.s32 $0xF4280, s25;
	s25 =	spop (v2sf)  }
0x10d: {  	[tilespmem:s29], [sflag:$0x1] =	stream.linear.gather [hbm4b:s24+s4], $0x400, $0x38;
	[tilespmem:$0x10700] =	vst v63  }
0x10e: {  	s26 =	sld [smem:$0x7F6];
	(v2sf) =	vpush v18, $0xF;
	s24 =	sand.u32 $0xFFFFF80, s25  }
0x10f: {  	[tilespmem:s30], [sflag:$0x1] =	stream.linear.gather [hbm4b:s31+s4], $0x400, $0x38;
	[tilespmem:$0x10700] =	vst v63  }
0x110: {  	s24 =	sadd.s32 s0, s24  }
0x111: {  	[tilespmem:s26], [sflag:$0x1] =	stream.linear.gather [hbm4b:s24+s4], $0x400, $0x38;
	[tilespmem:$0x10700] =	vst v63  }
0x112: {  	s29 =	sld [smem:$0x7F7];
	s28 =	spop (v2sf)  }
0x113: {  	s25 =	sand.u32 $0xFFFFF80, s28  }
0x114: {  	s30 =	sld [smem:$0x7F8];
	s25 =	sadd.s32 s1, s25  }
0x115: {  	[tilespmem:s29], [sflag:$0x1] =	stream.linear.gather [hbm4b:s25+s4], $0x400, $0x38;
	[tilespmem:$0x10700] =	vst v63  }
0x116: {  	s31 =	sld [smem:$0x7F9];
	s24 =	sadd.s32 $0xF4280, s24  }
0x117: {  	[tilespmem:s30], [sflag:$0x1] =	stream.linear.gather [hbm4b:s24+s4], $0x400, $0x38;
	[tilespmem:$0x10700] =	vst v63  }
0x118: {  	s25 =	sadd.s32 $0xF4280, s25;
	s29 =	sld [smem:$0x7FA];
	s28 =	spop (v2sf)  }
0x119: {  	[tilespmem:s31], [sflag:$0x1] =	stream.linear.gather [hbm4b:s25+s4], $0x400, $0x38;
	[tilespmem:$0x10700] =	vst v63  }
0x11a: {  	s24 =	sand.u32 $0xFFFFF80, s28  }
0x11b: {  	s24 =	sadd.s32 s0, s24  }
0x11c: {  	[tilespmem:s29], [sflag:$0x1] =	stream.linear.gather [hbm4b:s24+s4], $0x400, $0x38;
	[tilespmem:$0x10700] =	vst v63  }
0x11d: {  	s31 =	sld [smem:$0x7FB];
	s30 =	spop (v2sf)  }
0x11e: {  	s25 =	sand.u32 $0xFFFFF80, s30  }
0x11f: {  	s29 =	sld [smem:$0x7FC];
	s25 =	sadd.s32 s1, s25  }
0x120: {  	[tilespmem:s31], [sflag:$0x1] =	stream.linear.gather [hbm4b:s25+s4], $0x400, $0x38;
	[tilespmem:$0x10700] =	vst v63  }
0x121: {  	s24 =	sadd.s32 $0xF4280, s24;
	s30 =	sld [smem:$0x7FD]  }
0x122: {  	[tilespmem:s29], [sflag:$0x1] =	stream.linear.gather [hbm4b:s24+s4], $0x400, $0x38;
	[tilespmem:$0x10700] =	vst v63  }
0x123: {  	s31 =	sadd.s32 $0xF4280, s25  }
0x124: {  	[tilespmem:s30], [sflag:$0x1] =	stream.linear.gather [hbm4b:s31+s4], $0x400, $0x38;
	[tilespmem:$0x10700] =	vst v63  }
0x125: {  	_ =	swait.ge [sflag:s17], $0x4000  }
0x126: {  	[sflag:s17] =	ssyncset.done $0x0  }
0x127: {  	[sflag:s17] =	ssyncadd.s32 $0xFFFFC000  }
0x128: {  	_ =	swait.ge [sflag:s17], $0x4000  }
0x129: {  	[sflag:s17] =	ssyncset.done $0x0  }
0x12a: {  	[sflag:s17] =	ssyncadd.s32 $0xFFFFC000  }
0x12b: {  	s22 =	sand.u32 $0x7F, s22;
	v19 =	vand.u32 $0x7F, v19;
	_ =	swait.ge [sflag:s17], $0x4000  }
0x12c: {  	s23 =	sand.u32 $0x7F, s23;
	v20 =	vor.u32 s22, v0;
	v21 =	vbroadcast v19, $0x1;
	v18 =	vand.u32 $0x7F, v18;
	[sflag:s17] =	ssyncset.done $0x0  }
0x12d: {  	v22 =	vor.u32 s23, v0;
	v23 =	vbroadcast v18, $0x1;
	[sflag:s17] =	ssyncadd.s32 $0xFFFFC000  }
0x12e: {  	v24 =	vbroadcast v19, $0x2;
	v21 =	vor.u32 v1, v21;
	_ =	swait.ge [sflag:s17], $0x4000  }
0x12f: {  	v25 =	vbroadcast v18, $0x2;
	v23 =	vor.u32 v1, v23;
	[sflag:s17] =	ssyncset.done $0x0  }
0x130: {  	v26 =	vbroadcast v19, $0x3;
	v24 =	vor.u32 v2, v24;
	[sflag:s17] =	ssyncadd.s32 $0xFFFFC000  }
0x131: {  	v27 =	vbroadcast v18, $0x3;
	v25 =	vor.u32 v2, v25;
	v20 =	vld.idx.msk [tilespmem:v20+s15+$0x0], $0xffff  }
0x132: {  	v28 =	vbroadcast v19, $0x4;
	v26 =	vor.u32 v3, v26;
	v22 =	vld.idx.msk [tilespmem:v22+s16+$0x0], $0xffff  }
0x133: {  	v29 =	vbroadcast v18, $0x4;
	v27 =	vor.u32 v3, v27;
	v21 =	vld.idx.msk [tilespmem:v21+s15+$0x0], $0xffff  }
0x134: {  	v30 =	vbroadcast v19, $0x5;
	v28 =	vor.u32 v4, v28;
	v23 =	vld.idx.msk [tilespmem:v23+s16+$0x0], $0xffff  }
0x135: {  	v31 =	vbroadcast v18, $0x5;
	v29 =	vor.u32 v4, v29;
	v24 =	vld.idx.msk [tilespmem:v24+s15+$0x0], $0xffff  }
0x136: {  	v32 =	vbroadcast v19, $0x6;
	v30 =	vor.u32 v5, v30;
	v25 =	vld.idx.msk [tilespmem:v25+s16+$0x0], $0xffff  }
0x137: {  	v33 =	vbroadcast v18, $0x6;
	v31 =	vor.u32 v5, v31;
	v26 =	vld.idx.msk [tilespmem:v26+s15+$0x0], $0xffff  }
0x138: {  	v34 =	vbroadcast v19, $0x7;
	v32 =	vor.u32 v6, v32;
	v27 =	vld.idx.msk [tilespmem:v27+s16+$0x0], $0xffff  }
0x139: {  	v35 =	vbroadcast v18, $0x7;
	v33 =	vor.u32 v6, v33;
	v28 =	vld.idx.msk [tilespmem:v28+s15+$0x0], $0xffff  }
0x13a: {  	v53 =	vbroadcast v19, $0x8;
	v52 =	vor.u32 v7, v34;
	v51 =	vld.idx.msk [tilespmem:v29+s16+$0x0], $0xffff  }
0x13b: {  	v56 =	vbroadcast v18, $0x8;
	v55 =	vor.u32 v7, v35;
	v54 =	vld.idx.msk [tilespmem:v30+s15+$0x0], $0xffff  }
0x13c: {  	v36 =	vbroadcast v19, $0x9;
	v59 =	vbroadcast v19, $0xA;
	v34 =	vor.u32 v8, v53;
	v31 =	vld.idx.msk [tilespmem:v31+s16+$0x0], $0xffff  }
0x13d: {  	v42 =	vbroadcast v19, $0xB;
	v46 =	vbroadcast v19, $0xC;
	v35 =	vor.u32 v8, v56;
	v32 =	vld.idx.msk [tilespmem:v32+s15+$0x0], $0xffff  }
0x13e: {  	v58 =	vor.u32 v9, v36;
	v37 =	vbroadcast v18, $0x9;
	v62 =	vbroadcast v18, $0xA;
	v57 =	vld.idx.msk [tilespmem:v33+s16+$0x0], $0xffff  }
0x13f: {  	v41 =	vor.u32 v10, v59;
	v53 =	vbroadcast v19, $0xD;
	v38 =	vbroadcast v18, $0xB;
	v60 =	vld.idx.msk [tilespmem:v52+s15+$0x0], $0xffff  }
0x140: {  	v61 =	vor.u32 v9, v37;
	v37 =	vor.u32 v10, v62;
	v40 =	vld.idx.msk [tilespmem:v55+s16+$0x0], $0xffff;
	v20 =	vmul.f32 v22, v20  }
0x141: {  	v45 =	vor.u32 v11, v42;
	v49 =	vbroadcast v18, $0xC;
	v34 =	vld.idx.msk [tilespmem:v34+s15+$0x0], $0xffff;
	v21 =	vmul.f32 v23, v21  }
0x142: {  	v48 =	vor.u32 v11, v38;
	v44 =	vld.idx.msk [tilespmem:v35+s16+$0x0], $0xffff;
	v24 =	vmul.f32 v25, v24;
	v20 =	vmul.f32 v20, v17  }
0x143: {  	v47 =	vld.idx.msk [tilespmem:v58+s15+$0x0], $0xffff;
	v52 =	vor.u32 v12, v46;
	v26 =	vmul.f32 v27, v26;
	v21 =	vmul.f32 v21, v17  }
0x144: {  	v30 =	vld.idx.msk [tilespmem:v41+s15+$0x0], $0xffff;
	v43 =	vmul.f32 v51, v28;
	v23 =	vmul.f32 v31, v54;
	(xrf2) =	vadd.scan.msk.f32 $0xffff, v20  }
0x145: {  	v36 =	vor.u32 v12, v49;
	v55 =	vld.idx.msk [tilespmem:v37+s16+$0x0], $0xffff;
	v54 =	vbroadcast v18, $0xD;
	v63 =	vmul.f32 v24, v17;
	(xrf2) =	vadd.scan.msk.f32 $0xffff, v21  }
0x146: {  	v59 =	vld.idx.msk [tilespmem:v45+s15+$0x0], $0xffff;
	v25 =	vmul.f32 v57, v32;
	v26 =	vmul.f32 v26, v17  }
0x147: {  	v56 =	vor.u32 v13, v53;
	v33 =	vld.idx.msk [tilespmem:v48+s16+$0x0], $0xffff;
	v57 =	vbroadcast v19, $0xE;
	v58 =	vmul.f32 v40, v60;
	(xrf2) =	vadd.scan.msk.f32 $0xffff, v63  }
0x148: {  	v51 =	vld.idx.msk [tilespmem:v61+s16+$0x0], $0xffff;
	v61 =	vbroadcast v18, $0xE;
	v50 =	vmul.f32 v43, v17;
	v60 =	vor.u32 v13, v54;
	(xrf2) =	vadd.scan.msk.f32 $0xffff, v26  }
0x149: {  	v62 =	vld.idx.msk [tilespmem:v52+s15+$0x0], $0xffff;
	v19 =	vbroadcast v19, $0xF;
	v23 =	vmul.f32 v23, v17;
	v35 =	vor.u32 v14, v57  }
0x14a: {  	v22 =	vmul.f32 v44, v34;
	v34 =	vld.idx.msk [tilespmem:v36+s16+$0x0], $0xffff;
	v18 =	vbroadcast v18, $0xF;
	v28 =	vor.u32 v14, v61;
	(xrf2) =	vadd.scan.msk.f32 $0xffff, v50  }
0x14b: {  	v25 =	vmul.f32 v25, v17;
	v19 =	vor.u32 v15, v19;
	(xrf2) =	vadd.scan.msk.f32 $0xffff, v23  }
0x14c: {  	v38 =	vld.idx.msk [tilespmem:v56+s15+$0x0], $0xffff;
	v18 =	vor.u32 v15, v18;
	v20 =	vmul.f32 v58, v17  }
0x14d: {  	v22 =	vmul.f32 v22, v17;
	v36 =	vmul.f32 v51, v47;
	v27 =	vld.idx.msk [tilespmem:v60+s16+$0x0], $0xffff;
	(xrf2) =	vadd.scan.msk.f32 $0xffff, v25  }
0x14e: {  	v41 =	vmul.f32 v33, v59;
	v26 =	vmul.f32 v55, v30;
	v40 =	vld.idx.msk [tilespmem:v35+s15+$0x0], $0xffff;
	v63, _, _ =	vpop (xrf2);
	(xrf2) =	vadd.scan.msk.f32 $0xffff, v20  }
0x14f: {  	v28 =	vld.idx.msk [tilespmem:v28+s16+$0x0], $0xffff;
	v23 =	vmul.f32 v34, v62;
	v20 =	vmul.f32 v36, v17;
	v37 =	vadd.f32 $0.0e+00, v63;
	v39, _, _ =	vpop (xrf2);
	(xrf2) =	vadd.scan.msk.f32 $0xffff, v22  }
0x150: {  	v19 =	vld.idx.msk [tilespmem:v19+s15+$0x0], $0xffff;
	v26 =	vmul.f32 v26, v17;
	v30 =	vbroadcast v39, $0xF  }
0x151: {  	v18 =	vld.idx.msk [tilespmem:v18+s16+$0x0], $0xffff;
	v23 =	vmul.f32 v23, v17;
	v42, _, _ =	vpop (xrf2);
	(xrf2) =	vadd.scan.msk.f32 $0xffff, v20;
	v21 =	vbroadcast v37, $0xF  }
0x152: {  	v22 =	vmul.f32 v41, v17;
	v24 =	vbroadcast v42, $0xF;
	v44, _, _ =	vpop (xrf2);
	v43 =	vadd.f32 $0.0e+00, v30  }
0x153: {  	v25 =	vmul.f32 v27, v38;
	(xrf2) =	vadd.scan.msk.f32 $0xffff, v26;
	v45 =	vbroadcast v44, $0xF;
	v21 =	vnsel vm0, $0x0, v21  }
0x154: {  	v49 =	vmul.f32 v28, v40;
	v46, _, _ =	vpop (xrf2);
	(xrf2) =	vadd.scan.msk.f32 $0xffff, v22;
	v20 =	vsel vm1, v21, v43;
	v21 =	vadd.f32 v24, v21  }
0x155: {  	v25 =	vmul.f32 v25, v17;
	v47 =	vbroadcast v46, $0xF;
	v50, _, _ =	vpop (xrf2);
	v48 =	vadd.f32 v45, v20  }
0x156: {  	v18 =	vmul.f32 v18, v19;
	(xrf2) =	vadd.scan.msk.f32 $0xffff, v23;
	v51 =	vbroadcast v50, $0xF;
	v21 =	vsel vm2, v20, v21  }
0x157: {  	v53 =	vmul.f32 v49, v17;
	v52, _, _ =	vpop (xrf2);
	(xrf2) =	vadd.scan.msk.f32 $0xffff, v25;
	v20 =	vadd.f32 v47, v20;
	v21 =	vsel vm3, v21, v48  }
0x158: {  	v22 =	vbroadcast v52, $0xF;
	v23 =	vadd.f32 v51, v21;
	v19, _, _ =	vpop (xrf2)  }
0x159: {  	v18 =	vmul.f32 v18, v17;
	v20 =	vsel vm4, v21, v20;
	(xrf2) =	vadd.scan.msk.f32 $0xffff, v53;
	v19 =	vbroadcast v19, $0xF;
	v54, _, _ =	vpop (xrf2)  }
0x15a: {  	v23 =	vsel vm5, v20, v23;
	v20 =	vadd.f32 v22, v20;
	v21 =	vbroadcast v54, $0xF  }
0x15b: {  	v55, _, _ =	vpop (xrf2);
	v19 =	vadd.f32 v19, v23  }
0x15c: {  	(xrf2) =	vadd.scan.msk.f32 $0xffff, v18;
	v22 =	vbroadcast v55, $0xF;
	v20 =	vsel vm6, v23, v20;
	v56 =	vadd.f32 v21, v23  }
0x15d: {  	v18, _, _ =	vpop (xrf2);
	v19 =	vsel vm7, v20, v19  }
0x15e: {  	v57, _, _ =	vpop (xrf2);
	v18 =	vbroadcast v18, $0xF;
	v22 =	vadd.f32 v22, v19;
	v19 =	vsel vm8, v19, v56  }
0x15f: {  	v58 =	vbroadcast v57, $0xF  }
0x160: {  	v59, _, _ =	vpop (xrf2);
	v18 =	vadd.f32 v18, v19;
	v22 =	vsel vm9, v19, v22  }
0x161: {  	v21 =	vbroadcast v59, $0xF;
	v19, _, _ =	vpop (xrf2);
	v20 =	vadd.f32 v58, v22  }
0x162: {  	v18 =	vsel vm10, v22, v18;
	v19 =	vbroadcast v19, $0xF  }
0x163: {  	v61 =	vadd.f32 v21, v22;
	v60, _, _ =	vpop (xrf2);
	v18 =	vsel vm11, v18, v20  }
0x164: {  	v62 =	vbroadcast v60, $0xF;
	v19 =	vadd.f32 v19, v18  }
0x165: {  	v18 =	vsel vm12, v18, v61  }
0x166: {  	v63, _, _ =	vpop (xrf2);
	v19 =	vsel vm13, v18, v19;
	v18 =	vadd.f32 v62, v18  }
0x167: {  	v20 =	vadd.f32 v19, v63  }
0x168: {  	v18 =	vsel vm14, v19, v18  }
0x169: {  	v18 =	vsel vm15, v18, v20  }
0x16a: {  	v18 =	vadd.f32 v18, v16;
	_ =	sdelay $0x1  }
0x16b: {  	v18 =	vsub.f32 $0.0e+00, v18;
	_ =	sdelay $0x1  }
0x16c: {  	v18 =	vmul.f32 $1.442695020e+00, v18;
	_ =	sdelay $0x1  }
0x16d: {  	(erf) = vpow2.f32 v18;
	_ =	sdelay $0x8  }
0x16e: {  	v18 =	vpop (erf)  }
0x16f: {  	v18 =	vadd.f32 $1.000000000e+00, v18;
	_ =	sdelay $0x1  }
0x170: {  	(erf) = vrcp.f32 v18;
	_ =	sdelay $0x4  }
0x171: {  	p0 =	sne.s32 s20, $0x7C0  }
.Ltmp0:
0x172: {  	_ = 	snop;
	(pc) =	sbr.rel @p0 .LBB2_2-.Ltmp0, $3  }
0x173: {  	_ =	sdelay $0x1  }
0x174: {  	v18 =	vpop (erf)  }
0x175: {  	s20 =	sadd.s32 $0x40, s20;
	[tilespmem:s21+$0x10500] =	vst v18  }
0x176: {  	s19 =	sadd.s32 $0x1, s19  }
0x177: {  	p0 =	sne.s32 s19, s10  }
.Ltmp1:
0x178: {  	_ = 	snop;
	(pc) =	sbr.rel @p0 .LBB2_1-.Ltmp1, $4  }
0x179: {  	[hbm4b:s9+s4] =	stream.linear.scatter [tilespmem:s18], [sflag:$0x2], $0x200, $0x38;
	[tilespmem:$0x10700] =	vst v63  }
0x17a: {  	_ =	swait.ge [sflag:s11], $0x200  }
0x17b: {  	[sflag:s11] =	ssyncset.done $0x0  }
0x17c: {  	[sflag:s11] =	ssyncadd.s32 $0xFFFFFE00  }
0x17d: {  	_ =	sfence.sel $0x180000  }
0x17e: {  	[bflag:$0x0] =	sbarrier.arrive $0xFFFF  }
0x17f: {  	p0 =	sne.s32 s6, $0x0;
	_ =	strace $0x90000047  }
0x180: {  	s0 =	sadd.s32 @!p0 $0x100000, s3;
	[bflag:$0x2] =	sbarrier.arrive $0xFFFF  }
0x181: {  	[sflag:s0] =	ssyncadd.tile.s32 @!p0 $0x1;
	_ =	shalt  }
.Lfunc_end2:
_tile_overlayer_lowered:
.L_overlay_start_2:
0x182: {  	(tag) =	ssettag $0x2  }
0x183: {  	s0 =	rddreg [dreg:$0x0];
	s2 =	stileid.u32  }
0x184: {  	s1 =	rddreg [dreg:$0x1];
	p0 =	sne.s32 s2, $0x0  }
0x185: {  	s3 =	rddreg [dreg:$0x2];
	[bflag:$0x3] =	sbarrier.arrive $0xFFFF;
	s2 =	simm.s32 @!p0 $0x1C02  }
0x186: {  	[timem:s3], [sflag:s2] =	dma.local @!p0 [hbm:s0], s1  }
0x187: {  	s0 =	simm.s32 @!p0 $0x2  }
0x188: {  	_ =	swait.ge @!p0 [sflag:s0], s1  }
0x189: {  	s1 =	ssub.s32 @!p0 $0x0, s1;
	[sflag:s0] =	ssyncset.done @!p0 $0x0  }
0x18a: {  	[sflag:s0] =	ssyncadd.s32 @!p0 s1  }
0x18b: {  	[bflag:$0x3] =	sbarrier.arrive $0xFFFF  }
0x18c: {  	_ =	shalt  }

</sc_bundles>
